<compile_context>
chip_gen: v7x
topology: tpu7x:2x2x1
jax: 0.10.2.dev20260603
libtpu: 0.0.44.dev20260713+nightly
codegen_flags: <defaults>
</compile_context>

<pallas_src>
import functools
import math

import jax
import jax.numpy as jnp
from jax import lax
from jax.experimental import pallas as pl
from jax.experimental.pallas import tpu as pltpu
from jax.experimental.pallas import tpu_sc as plsc

_TOPK = 2

_NC = 2
_NS = 16
_NW = _NC * _NS
_RB = 128
_EPW = 48
_LMAX = _NW * _EPW



def _router_body(e, x_ref, rw_ref, tril_ref,
                 e0_ref, e1_ref, r0_ref, r1_ref, w0_ref, w1_ref, cnt_ref,
                 carry_ref):
    pid = pl.program_id(0)

    @pl.when(pid == 0)
    def _():
        carry_ref[...] = jnp.zeros_like(carry_ref)

    xb = x_ref[...]
    logits = jnp.dot(xb.astype(jnp.bfloat16), rw_ref[...].astype(jnp.bfloat16),
                     preferred_element_type=jnp.float32)
    m = jnp.max(logits, axis=-1, keepdims=True)
    p = jnp.exp(logits - m)
    p = p / jnp.sum(p, axis=-1, keepdims=True)

    eidx = lax.broadcasted_iota(jnp.int32, p.shape, 1)
    v0 = jnp.max(p, axis=-1, keepdims=True)
    i0 = jnp.min(jnp.where(p == v0, eidx, e), axis=-1, keepdims=True)
    p2 = jnp.where(eidx == i0, -1.0, p)
    v1 = jnp.max(p2, axis=-1, keepdims=True)
    i1 = jnp.min(jnp.where(p2 == v1, eidx, e), axis=-1, keepdims=True)
    s = v0 + v1
    w0 = v0 / s
    w1 = v1 / s

    oh0 = (eidx == i0).astype(jnp.float32)
    oh1 = (eidx == i1).astype(jnp.float32)
    oh = oh0 + oh1
    strict = jnp.dot(tril_ref[...], oh.astype(jnp.bfloat16),
                     preferred_element_type=jnp.float32)
    posf = carry_ref[0:1, 0:e] + strict
    r0 = jnp.sum(oh0 * posf, axis=-1, keepdims=True)
    r1 = jnp.sum(oh1 * posf, axis=-1, keepdims=True)

    e0_ref[0] = i0
    e1_ref[0] = i1
    r0_ref[0] = r0
    r1_ref[0] = r1
    w0_ref[0] = w0
    w1_ref[0] = w1
    carry_ref[0:1, 0:e] = carry_ref[0:1, 0:e] + jnp.sum(oh, axis=0,
                                                        keepdims=True)
    cnt_ref[...] = carry_ref[...]


def _run_router(x, router_w):
    a, d = x.shape
    e = router_w.shape[1]
    bt = min(1024, a)
    nb = a // bt
    tril = jnp.tril(jnp.ones((bt, bt), jnp.bfloat16), k=-1)
    out_shapes = (
        jax.ShapeDtypeStruct((nb, bt, 1), jnp.int32),
        jax.ShapeDtypeStruct((nb, bt, 1), jnp.int32),
        jax.ShapeDtypeStruct((nb, bt, 1), jnp.float32),
        jax.ShapeDtypeStruct((nb, bt, 1), jnp.float32),
        jax.ShapeDtypeStruct((nb, bt, 1), jnp.float32),
        jax.ShapeDtypeStruct((nb, bt, 1), jnp.float32),
        jax.ShapeDtypeStruct((8, 128), jnp.float32),
    )
    tok_spec = pl.BlockSpec((1, bt, 1), lambda i: (i, 0, 0))
    return pl.pallas_call(
        functools.partial(_router_body, e),
        grid=(nb,),
        in_specs=[
            pl.BlockSpec((bt, d), lambda i: (i, 0)),
            pl.BlockSpec((d, e), lambda i: (0, 0)),
            pl.BlockSpec((bt, bt), lambda i: (0, 0)),
        ],
        out_specs=[tok_spec, tok_spec, tok_spec, tok_spec, tok_spec,
                   tok_spec, pl.BlockSpec((8, 128), lambda i: (0, 0))],
        out_shape=out_shapes,
        scratch_shapes=[pltpu.VMEM((8, 128), jnp.float32)],
        compiler_params=pltpu.CompilerParams(
            dimension_semantics=("arbitrary",)),
    )(x, router_w, tril)



def _pos_body(e, cap, cap2, bt, ytrash, atr,
              e0_ref, e1_ref, r0_ref, r1_ref, w0_ref, w1_ref, cnt_ref,
              tril_ref,
              p0_ref, p1_ref, sm0_ref, sm1_ref,
              wr0_ref, wr1_ref, blk_ref, carry_ref):
    pid = pl.program_id(0)

    @pl.when(pid == 0)
    def _():
        carry_ref[...] = jnp.zeros_like(carry_ref)

    counts = cnt_ref[0:1, 0:e]
    adj = counts - (counts > 0).astype(jnp.float32)
    capm1 = jnp.float32(cap - 1)
    capf = jnp.float32(cap)
    cap2f = jnp.float32(cap2)

    adjb = jnp.broadcast_to(adj, (e, e))
    cntb = jnp.broadcast_to(counts, (e, e))
    sub = lax.broadcasted_iota(jnp.int32, (e, e), 0)
    lane = lax.broadcasted_iota(jnp.int32, (e, e), 1)
    offc = jnp.sum(adjb * (lane < sub).astype(jnp.float32), axis=-1,
                   keepdims=True)
    cntc = jnp.sum(cntb * (lane == sub).astype(jnp.float32), axis=-1,
                   keepdims=True)
    startc = jnp.minimum(offc, capm1)
    endc = jnp.where(cntc > 0.0, jnp.minimum(offc + cntc, capf), 0.0)
    livec = jnp.maximum(endc - startc, 0.0)
    nlive = jnp.sum(livec, axis=0, keepdims=True)
    rbf = jnp.float32(_RB)
    lo = jnp.floor(startc / rbf)
    hi = jnp.floor((endc + rbf - 1.0) / rbf)
    lane128 = lax.broadcasted_iota(jnp.int32, (e, 128), 1)
    vals = jnp.where(lane128 == 0, lo, jnp.where(lane128 == 1, hi, 0.0))
    blk_ref[...] = vals.astype(jnp.int32)

    def one(e_ref, r_ref, w_ref):
        ei = e_ref[0]
        r = r_ref[0]
        w = w_ref[0]
        eidx = lax.broadcasted_iota(jnp.int32, (bt, e), 1)
        lt = (eidx < ei).astype(jnp.float32)
        off = jnp.sum(adj * lt, axis=-1, keepdims=True)
        eeq = (eidx == ei).astype(jnp.float32)
        cnt_e = jnp.sum(eeq * counts, axis=-1, keepdims=True)
        posraw = r + off
        keep = ((posraw < capm1) | (r == cnt_e - 1.0)).astype(jnp.float32)
        pos = jnp.minimum(posraw, capm1)
        ebase = ei.astype(jnp.float32) * cap2f
        slot = ebase + pos
        trash = ebase + capf
        return keep, slot, trash, jnp.where(keep > 0.0, w, 0.0)

    keep0, slot0, trash0, weff0 = one(e0_ref, r0_ref, w0_ref)
    keep1, slot1, trash1, weff1 = one(e1_ref, r1_ref, w1_ref)

    ktot = keep0 + keep1
    kstrict = jnp.dot(tril_ref[...], ktot.astype(jnp.bfloat16),
                      preferred_element_type=jnp.float32)
    carryk = carry_ref[0:1, 0:1]
    kpre0 = carryk + kstrict
    kpre1 = kpre0 + keep0
    tgi = lax.broadcasted_iota(jnp.int32, (bt, 1), 0) + pid * bt
    tg = tgi.astype(jnp.float32)
    nlive_i = nlive.astype(jnp.int32)
    tail = _LMAX - nlive_i
    tail_f = tail.astype(jnp.float32)

    def mod_tail(lr):
        q = jnp.floor(lr.astype(jnp.float32) / tail_f).astype(jnp.int32)
        m = lr - q * tail
        m = jnp.where(m < 0, m + tail, m)
        return jnp.where(m >= tail, m - tail, m)

    lr0 = 2 * tgi - kpre0.astype(jnp.int32)
    lr1 = 2 * tgi + 1 - kpre1.astype(jnp.int32)
    p0 = jnp.where(keep0 > 0.0, kpre0.astype(jnp.int32),
                   nlive_i + mod_tail(lr0))
    p1 = jnp.where(keep1 > 0.0, kpre1.astype(jnp.int32),
                   nlive_i + mod_tail(lr1))
    ytr = ytrash + jnp.bitwise_and(tgi, 1023)
    ym0 = jnp.where(keep0 > 0.0, tgi, ytr)
    ym1 = jnp.where(keep1 > 0.0, atr + tgi, ytr)
    trash_i = trash0.astype(jnp.int32) + jnp.bitwise_and(tgi, 7)
    trash_j = trash1.astype(jnp.int32) + jnp.bitwise_and(tgi, 7)
    smv0 = jnp.where(keep0 > 0.0, slot0.astype(jnp.int32), trash_i)
    smv1 = jnp.where(keep1 > 0.0, slot1.astype(jnp.int32), trash_j)
    lane_m = lax.broadcasted_iota(jnp.int32, (bt, 128), 1)

    def meta_rows(smv, ymv):
        return jnp.where(lane_m == 0, tgi,
                         jnp.where(lane_m == 1, smv,
                                   jnp.where(lane_m == 2, ymv, 0)))

    p0_ref[0] = p0
    p1_ref[0] = p1
    sm0_ref[0] = meta_rows(smv0, ym0)
    sm1_ref[0] = meta_rows(smv1, ym1)
    wr0_ref[0] = weff0
    wr1_ref[0] = weff1
    carry_ref[0:1, 0:1] = carryk + jnp.sum(ktot, axis=0, keepdims=True)


def _run_pos(e0, e1, r0, r1, w0, w1, counts, e, cap, cap2, ytrash, atr):
    nb, bt, _ = e0.shape
    tril = jnp.tril(jnp.ones((bt, bt), jnp.bfloat16), k=-1)
    tok_spec = pl.BlockSpec((1, bt, 1), lambda i: (i, 0, 0))
    meta_spec = pl.BlockSpec((1, bt, 128), lambda i: (i, 0, 0))
    ispec = [tok_spec] * 6 + [pl.BlockSpec((8, 128), lambda i: (0, 0)),
                              pl.BlockSpec((bt, bt), lambda i: (0, 0))]
    tok_i32 = jax.ShapeDtypeStruct((nb, bt, 1), jnp.int32)
    tok_f32 = jax.ShapeDtypeStruct((nb, bt, 1), jnp.float32)
    meta_i32 = jax.ShapeDtypeStruct((nb, bt, 128), jnp.int32)
    return pl.pallas_call(
        functools.partial(_pos_body, e, cap, cap2, bt, ytrash, atr),
        grid=(nb,),
        in_specs=ispec,
        out_specs=[tok_spec, tok_spec, meta_spec, meta_spec, tok_spec,
                   tok_spec, pl.BlockSpec((e, 128), lambda i: (0, 0))],
        out_shape=(tok_i32, tok_i32, meta_i32, meta_i32,
                   tok_f32, tok_f32,
                   jax.ShapeDtypeStruct((e, 128), jnp.int32)),
        scratch_shapes=[pltpu.VMEM((8, 128), jnp.float32)],
        compiler_params=pltpu.CompilerParams(
            dimension_semantics=("arbitrary",)),
    )(e0, e1, r0, r1, w0, w1, counts, tril)



def _make_listbuild(a):
    n_tok = a // _NW
    nch = n_tok // 64
    mesh = plsc.VectorSubcoreMesh(core_axis_name="c", subcore_axis_name="s")

    @functools.partial(
        pl.kernel, mesh=mesh,
        out_type=jax.ShapeDtypeStruct((_LMAX, 128), jnp.int32),
        scratch_types=[
            pltpu.VMEM((nch, 64), jnp.int32),
            pltpu.VMEM((64, 128), jnp.int32),
            pltpu.VMEM((64, 128), jnp.int32),
            pltpu.SemaphoreType.DMA,
            pltpu.SemaphoreType.DMA,
            pltpu.SemaphoreType.DMA,
            pltpu.SemaphoreType.DMA,
        ],
    )
    def listbuild(p0_hbm, p1_hbm, m0_hbm, m1_hbm,
                  list_hbm, p_v, rowa, rowb, sla, slb, sea, seb):
        wid = lax.axis_index("s") * _NC + lax.axis_index("c")
        rows = (rowa, rowb)
        sl = (sla, slb)
        sems = (sea, seb)
        for k, (pk, mk) in enumerate(((p0_hbm, m0_hbm), (p1_hbm, m1_hbm))):
            pltpu.sync_copy(pk.at[wid], p_v)
            pltpu.async_copy(mk.at[wid, 0], rows[0], sl[0])
            if nch > 1:
                pltpu.async_copy(mk.at[wid, 1], rows[1], sl[1])
            for ch in range(nch):
                b = ch % 2
                pltpu.make_async_copy(mk.at[wid, ch], rows[b], sl[b]).wait()
                pltpu.async_copy(rows[b], list_hbm.at[p_v.at[ch]], sems[b])
                pltpu.make_async_copy(rows[b], list_hbm.at[p_v.at[ch]],
                                      sems[b]).wait()
                if ch + 2 < nch:
                    pltpu.async_copy(mk.at[wid, ch + 2], rows[b], sl[b])

    return listbuild



def _run_extract(clist):
    lm = clist.shape[0]

    def body(cl_ref, tok_ref, slot_ref, ydst_ref):
        blkv = cl_ref[...]
        tok_ref[...] = blkv[:, 0:1]
        slot_ref[...] = blkv[:, 1:2]
        ydst_ref[...] = blkv[:, 2:3]

    col = jax.ShapeDtypeStruct((lm, 1), jnp.int32)
    return pl.pallas_call(
        body,
        grid=(1,),
        in_specs=[pl.BlockSpec((lm, 128), lambda i: (0, 0))],
        out_specs=[pl.BlockSpec((lm, 1), lambda i: (0, 0))] * 3,
        out_shape=(col, col, col),
    )(clist)


def _make_mover(src_rows, dst_rows, d):
    mesh = plsc.VectorSubcoreMesh(core_axis_name="c", subcore_axis_name="s")
    ng = _EPW // _NS

    @functools.partial(
        pl.kernel, mesh=mesh,
        out_type=jax.ShapeDtypeStruct((dst_rows, d), jnp.float32),
        scratch_types=[
            pltpu.VMEM((ng, _NS), jnp.int32),
            pltpu.VMEM((ng, _NS), jnp.int32),
            pltpu.VMEM((_NS, d), jnp.float32),
            pltpu.VMEM((_NS, d), jnp.float32),
            pltpu.SemaphoreType.DMA,
            pltpu.SemaphoreType.DMA,
            pltpu.SemaphoreType.DMA,
            pltpu.SemaphoreType.DMA,
        ],
    )
    def mover(si_hbm, di_hbm, src_hbm, dst_hbm, si_v, di_v,
              bufa, bufb, sga, sgb, ssa, ssb):
        wid = lax.axis_index("s") * _NC + lax.axis_index("c")
        pltpu.sync_copy(si_hbm.at[wid], si_v)
        pltpu.sync_copy(di_hbm.at[wid], di_v)
        bufs = (bufa, bufb)
        sg = (sga, sgb)
        ss = (ssa, ssb)
        for g in range(min(2, ng)):
            pltpu.async_copy(src_hbm.at[si_v.at[g]], bufs[g], sg[g])
        for g in range(ng):
            b = g % 2
            pltpu.make_async_copy(src_hbm.at[si_v.at[g]], bufs[b],
                                  sg[b]).wait()
            pltpu.async_copy(bufs[b], dst_hbm.at[di_v.at[g]], ss[b])
            pltpu.make_async_copy(bufs[b], dst_hbm.at[di_v.at[g]],
                                  ss[b]).wait()
            if g + 2 < ng:
                pltpu.async_copy(src_hbm.at[si_v.at[g + 2]], bufs[b], sg[b])

    return mover



def _mlp_body(e, nh, sinfo_ref, xb_ref, w1_ref, w3_ref, w2_ref, out_ref,
              xbf_ref):
    ei = pl.program_id(0)
    hstep = pl.program_id(1)
    lo = sinfo_ref[ei]
    hi = sinfo_ref[e + ei]
    w1b = w1_ref[0].astype(jnp.bfloat16)
    w3b = w3_ref[0].astype(jnp.bfloat16)
    w2b = w2_ref[0].astype(jnp.bfloat16)

    @pl.when(hstep == 0)
    def _():
        def cast_body(i, carry):
            rs = pl.ds(i * _RB, _RB)
            xbf_ref[rs, :] = xb_ref[0, rs, :].astype(jnp.bfloat16)
            return carry
        lax.fori_loop(lo, hi, cast_body, 0)

    def blk_body(i, carry):
        rs = pl.ds(i * _RB, _RB)
        xr = xbf_ref[rs, :]
        aa = jnp.dot(xr, w1b, preferred_element_type=jnp.float32)
        bb = jnp.dot(xr, w3b, preferred_element_type=jnp.float32)
        g = aa * jax.nn.sigmoid(aa) * bb
        cc = jnp.dot(g.astype(jnp.bfloat16), w2b,
                     preferred_element_type=jnp.float32)
        prev = out_ref[0, rs, :]
        out_ref[0, rs, :] = jnp.where(hstep == 0, cc, prev + cc)
        return carry

    lax.fori_loop(lo, hi, blk_body, 0)


def _run_mlp(xbuf, w1, w3, w2, sinfo):
    e, cap2, d = xbuf.shape
    h = w1.shape[2]
    bh = 256 if h % 256 == 0 else h
    nh = h // bh
    grid_spec = pltpu.PrefetchScalarGridSpec(
        num_scalar_prefetch=1,
        grid=(e, nh),
        in_specs=[
            pl.BlockSpec((1, cap2, d), lambda i, j, *_: (i, 0, 0)),
            pl.BlockSpec((1, d, bh), lambda i, j, *_: (i, 0, j)),
            pl.BlockSpec((1, d, bh), lambda i, j, *_: (i, 0, j)),
            pl.BlockSpec((1, bh, d), lambda i, j, *_: (i, j, 0)),
        ],
        out_specs=pl.BlockSpec((1, cap2, d), lambda i, j, *_: (i, 0, 0)),
        scratch_shapes=[pltpu.VMEM((cap2, d), jnp.bfloat16)],
    )
    return pl.pallas_call(
        functools.partial(_mlp_body, e, nh),
        grid_spec=grid_spec,
        out_shape=jax.ShapeDtypeStruct((e, cap2, d), jnp.float32),
        compiler_params=pltpu.CompilerParams(
            dimension_semantics=("arbitrary", "arbitrary")),
    )(sinfo, xbuf, w1, w3, w2)



def _fin_body(ya_ref, yb_ref, w0_ref, w1_ref, y_ref):
    w0 = w0_ref[0]
    w1 = w1_ref[0]
    ca = jnp.where(w0 > 0.0, w0 * ya_ref[...], 0.0)
    cb = jnp.where(w1 > 0.0, w1 * yb_ref[...], 0.0)
    y_ref[...] = ca + cb


def _run_final(yab, wr0, wr1, a, d, atr):
    nb, bt, _ = wr0.shape
    off = atr // bt
    tok_spec = pl.BlockSpec((1, bt, 1), lambda i: (i, 0, 0))
    return pl.pallas_call(
        _fin_body,
        grid=(nb,),
        in_specs=[
            pl.BlockSpec((bt, d), lambda i: (i, 0)),
            pl.BlockSpec((bt, d), lambda i: (off + i, 0)),
            tok_spec, tok_spec,
        ],
        out_specs=pl.BlockSpec((bt, d), lambda i: (i, 0)),
        out_shape=jax.ShapeDtypeStruct((a, d), jnp.float32),
    )(yab, yab, wr0, wr1)



def kernel(x, router_w, w1, w2, w3):
    a, d = x.shape
    e = router_w.shape[1]
    cap = max(1, int(math.ceil(1.25 * a * _TOPK / e)))
    cap2 = cap + 8
    n_slots = e * cap2
    atr = a + 1024
    ryab = 2 * atr
    ytrash = ryab - 1024

    e0, e1, r0, r1, w0, w1r_, counts = _run_router(x, router_w)
    p0, p1, m0, m1, wr0, wr1, blk = _run_pos(
        e0, e1, r0, r1, w0, w1r_, counts, e, cap, cap2, ytrash, atr)
    sinfo = jnp.concatenate([blk[:, 0], blk[:, 1]])

    n_tok = a // _NW
    nch = n_tok // 64
    clist = _make_listbuild(a)(
        p0.reshape(_NW, nch, 64), p1.reshape(_NW, nch, 64),
        m0.reshape(_NW, nch, 64, 128), m1.reshape(_NW, nch, 64, 128))

    ltok, lslot, lydst = _run_extract(clist)
    ng = _EPW // _NS
    ltok = ltok.reshape(_NW, ng, _NS)
    lslot = lslot.reshape(_NW, ng, _NS)
    lydst = lydst.reshape(_NW, ng, _NS)
    xbuf = _make_mover(a, n_slots, d)(ltok, lslot, x)

    yslots = _run_mlp(xbuf.reshape(e, cap2, d), w1, w3, w2, sinfo)

    yab = _make_mover(n_slots, ryab, d)(
        lslot, lydst, yslots.reshape(n_slots, d))

    return _run_final(yab, wr0, wr1, a, d, atr)

# --- scband reference (transcript-rebuilt; emitter-appended) ---
"""Pipeline reference for scband-mo-elayer-56478819942539 (READ-ONLY COPY).

The authoritative reference and input builder live on the scoring server;
editing this copy changes nothing except your own understanding.
"""

import math
import jax, jax.numpy as jnp
import numpy as np

A, D, H, E, K = 8192, 1024, 2816, 16, 2
CAP_FACTOR = 1.25


def setup_inputs(seed: int = 0) -> dict:
    key = jax.random.key(seed)
    ks = jax.random.split(key, 5)
    x = jax.random.normal(ks[0], (A, D), dtype=jnp.float32)
    router_w = jax.random.normal(ks[1], (D, E), dtype=jnp.float32) * 0.02
    w1 = jax.random.normal(ks[2], (E, D, H), dtype=jnp.float32) * 0.02
    w2 = jax.random.normal(ks[3], (E, H, D), dtype=jnp.float32) * 0.02
    w3 = jax.random.normal(ks[4], (E, D, H), dtype=jnp.float32) * 0.02
    return {"x": x, "router_w": router_w, "w1": w1, "w2": w2, "w3": w3}


def reference(x, router_w, w1, w2, w3):
    a, d = x.shape
    e = router_w.shape[1]
    capacity = max(1, int(math.ceil(CAP_FACTOR * a * K / e)))
    # --- TopKRouter ---
    logits = x @ router_w
    probs = jax.nn.softmax(logits, axis=-1)
    topk_vals, topk_idx = jax.lax.top_k(probs, K)
    combine = topk_vals / jnp.sum(topk_vals, axis=-1, keepdims=True)
    # --- _dispatch_tokens (capacity-limited token dispatch) ---
    flat_e = topk_idx.reshape(-1)
    flat_w = combine.reshape(-1)
    token_idx = jnp.repeat(jnp.arange(a, dtype=jnp.int32), K)
    sort_idx = jnp.argsort(flat_e)
    sorted_e = flat_e[sort_idx]
    exp_change = jnp.concatenate([jnp.ones((1,), dtype=bool), sorted_e[1:] != sorted_e[:-1]])
    rank = jnp.arange(a * K, dtype=jnp.int32) - jnp.cumsum(exp_change.astype(jnp.int32)) + 1
    rank = jnp.minimum(rank, capacity - 1)
    inv = jnp.zeros(a * K, dtype=jnp.int32).at[sort_idx].set(jnp.arange(a * K, dtype=jnp.int32))
    pos = rank[inv]
    e_ids = flat_e
    p_ids = pos
    t_ids = token_idx
    expert_input = jnp.zeros((e, capacity, d), dtype=x.dtype).at[e_ids, p_ids].set(x[t_ids])
    expert_weight = jnp.zeros((e, capacity), dtype=x.dtype).at[e_ids, p_ids].set(flat_w)
    token_map = jnp.full((e, capacity), -1, dtype=jnp.int32).at[e_ids, p_ids].set(t_ids)
    # --- ExpertMLP (SwiGLU) per expert ---
    h = jax.nn.silu(jnp.einsum('ecd,edh->ech', expert_input, w1)) * jnp.einsum('ecd,edh->ech', expert_input, w3)
    expert_out = jnp.einsum('ech,ehd->ecd', h, w2)
    # --- combine back to token order ---
    mask = token_map >= 0
    safe_t = jnp.where(mask, token_map, 0)
    contrib = expert_out * expert_weight[..., None] * mask[..., None].astype(x.dtype)
    y = jnp.zeros((a, d), dtype=x.dtype).at[safe_t.reshape(-1)].add(contrib.reshape(-1, d))
    return y

if __name__ == "__main__":
    import jax
    _d = setup_inputs()
    print(jax.jit(kernel)(*tuple(_d.values())))

</pallas_src>

<mosaic_0001>
#map = affine_map<(d0, d1) -> (0, 0, 0)>
#map1 = affine_map<(d0, d1) -> (0, 0, 0, 0)>
#map2 = affine_map<(d0, d1) -> (0, 0)>
module attributes {stable_mosaic.version = 14 : i64} {
  func.func @listbuild(%arg0: i32, %arg1: i32, %arg2: memref<32x4x64xi32, #tpu.memory_space<hbm>>, %arg3: memref<32x4x64xi32, #tpu.memory_space<hbm>>, %arg4: memref<32x4x64x128xi32, #tpu.memory_space<hbm>>, %arg5: memref<32x4x64x128xi32, #tpu.memory_space<hbm>>, %arg6: memref<1536x128xi32, #tpu.memory_space<hbm>>, %arg7: memref<4x64xi32, #tpu.memory_space<vmem>>, %arg8: memref<64x128xi32, #tpu.memory_space<vmem>>, %arg9: memref<64x128xi32, #tpu.memory_space<vmem>>, %arg10: memref<!tpu.dma_semaphore, #tpu.memory_space<semaphore_mem>>, %arg11: memref<!tpu.dma_semaphore, #tpu.memory_space<semaphore_mem>>, %arg12: memref<!tpu.dma_semaphore, #tpu.memory_space<semaphore_mem>>, %arg13: memref<!tpu.dma_semaphore, #tpu.memory_space<semaphore_mem>>) attributes {dimension_semantics = [#tpu.dimension_semantics<core_parallel>, #tpu.dimension_semantics<subcore_parallel>], iteration_bounds = array<i64: 2, 16>, scalar_prefetch = 0 : i64, scratch_operands = 7 : i64, tpu.core_type = #tpu.core_type<sc_vector_subcore>, window_params = [{transform_indices = #map}, {transform_indices = #map}, {transform_indices = #map1}, {transform_indices = #map1}, {transform_indices = #map2}]} {
    %mul3A = arith.constant 2 : i32
    %mul3A_0 = arith.muli %arg1, %mul3A : i32
    %add3A = arith.addi %mul3A_0, %arg0 : i32
    "tpu.region"() ({
      %run_scoped3A = tpu.sem_alloc : memref<!tpu.dma_semaphore, #tpu.memory_space<semaphore_mem>>
      %dma_start3A_255 = arith.constant 0 : i32
      %dma_start3A_256 = arith.constant 0 : i32
      %dma_start3A_257 = tpu.memref_slice %arg2[%add3A, %dma_start3A_255, %dma_start3A_256] : memref<32x4x64xi32, #tpu.memory_space<hbm>> -> memref<1x4x64xi32, #tpu.memory_space<hbm>>
      %dma_start3A_258 = tpu.memref_squeeze %dma_start3A_257 : memref<1x4x64xi32, #tpu.memory_space<hbm>> -> memref<4x64xi32, #tpu.memory_space<hbm>>
      %dma_start3A_259 = arith.constant 0 : i32
      %dma_start3A_260 = arith.constant 0 : i32
      %dma_start3A_261 = tpu.memref_slice %arg2[%add3A, %dma_start3A_259, %dma_start3A_260] : memref<32x4x64xi32, #tpu.memory_space<hbm>> -> memref<1x4x64xi32, #tpu.memory_space<hbm>>
      %dma_start3A_262 = tpu.memref_squeeze %dma_start3A_261 : memref<1x4x64xi32, #tpu.memory_space<hbm>> -> memref<4x64xi32, #tpu.memory_space<hbm>>
      tpu.enqueue_dma source(%dma_start3A_262 : memref<4x64xi32, #tpu.memory_space<hbm>>) target(%arg7 : memref<4x64xi32, #tpu.memory_space<vmem>>) target_semaphore(%run_scoped3A : memref<!tpu.dma_semaphore, #tpu.memory_space<semaphore_mem>>)
      %dma_wait3A_263 = arith.constant 0 : i32
      %dma_wait3A_264 = arith.constant 0 : i32
      %dma_wait3A_265 = tpu.memref_slice %arg2[%add3A, %dma_wait3A_263, %dma_wait3A_264] : memref<32x4x64xi32, #tpu.memory_space<hbm>> -> memref<1x4x64xi32, #tpu.memory_space<hbm>>
      %dma_wait3A_266 = tpu.memref_squeeze %dma_wait3A_265 : memref<1x4x64xi32, #tpu.memory_space<hbm>> -> memref<4x64xi32, #tpu.memory_space<hbm>>
      %dma_wait3A_267 = arith.constant 0 : i32
      %dma_wait3A_268 = arith.constant 0 : i32
      %dma_wait3A_269 = tpu.memref_slice %arg2[%add3A, %dma_wait3A_267, %dma_wait3A_268] : memref<32x4x64xi32, #tpu.memory_space<hbm>> -> memref<1x4x64xi32, #tpu.memory_space<hbm>>
      %dma_wait3A_270 = tpu.memref_squeeze %dma_wait3A_269 : memref<1x4x64xi32, #tpu.memory_space<hbm>> -> memref<4x64xi32, #tpu.memory_space<hbm>>
      tpu.wait_dma2 semaphore(%run_scoped3A : memref<!tpu.dma_semaphore, #tpu.memory_space<semaphore_mem>>) src(%dma_wait3A_270 : memref<4x64xi32, #tpu.memory_space<hbm>>) dst(%arg7 : memref<4x64xi32, #tpu.memory_space<vmem>>)
      tpu.yield
    }) : () -> ()
    %dma_start3A = arith.constant 0 : i32
    %dma_start3A_1 = arith.constant 0 : i32
    %dma_start3A_2 = arith.constant 0 : i32
    %dma_start3A_3 = tpu.memref_slice %arg4[%add3A, %dma_start3A, %dma_start3A_1, %dma_start3A_2] : memref<32x4x64x128xi32, #tpu.memory_space<hbm>> -> memref<1x1x64x128xi32, #tpu.memory_space<hbm>>
    %dma_start3A_4 = tpu.memref_squeeze %dma_start3A_3 : memref<1x1x64x128xi32, #tpu.memory_space<hbm>> -> memref<64x128xi32, #tpu.memory_space<hbm>>
    %dma_start3A_5 = arith.constant 0 : i32
    %dma_start3A_6 = arith.constant 0 : i32
    %dma_start3A_7 = tpu.memref_slice %arg4[%add3A, %dma_start3A, %dma_start3A_5, %dma_start3A_6] : memref<32x4x64x128xi32, #tpu.memory_space<hbm>> -> memref<1x1x64x128xi32, #tpu.memory_space<hbm>>
    %dma_start3A_8 = tpu.memref_squeeze %dma_start3A_7 : memref<1x1x64x128xi32, #tpu.memory_space<hbm>> -> memref<64x128xi32, #tpu.memory_space<hbm>>
    tpu.enqueue_dma source(%dma_start3A_8 : memref<64x128xi32, #tpu.memory_space<hbm>>) target(%arg8 : memref<64x128xi32, #tpu.memory_space<vmem>>) target_semaphore(%arg10 : memref<!tpu.dma_semaphore, #tpu.memory_space<semaphore_mem>>)
    %dma_start3A_9 = arith.constant 1 : i32
    %dma_start3A_10 = arith.constant 0 : i32
    %dma_start3A_11 = arith.constant 0 : i32
    %dma_start3A_12 = tpu.memref_slice %arg4[%add3A, %dma_start3A_9, %dma_start3A_10, %dma_start3A_11] : memref<32x4x64x128xi32, #tpu.memory_space<hbm>> -> memref<1x1x64x128xi32, #tpu.memory_space<hbm>>
    %dma_start3A_13 = tpu.memref_squeeze %dma_start3A_12 : memref<1x1x64x128xi32, #tpu.memory_space<hbm>> -> memref<64x128xi32, #tpu.memory_space<hbm>>
    %dma_start3A_14 = arith.constant 0 : i32
    %dma_start3A_15 = arith.constant 0 : i32
    %dma_start3A_16 = tpu.memref_slice %arg4[%add3A, %dma_start3A_9, %dma_start3A_14, %dma_start3A_15] : memref<32x4x64x128xi32, #tpu.memory_space<hbm>> -> memref<1x1x64x128xi32, #tpu.memory_space<hbm>>
    %dma_start3A_17 = tpu.memref_squeeze %dma_start3A_16 : memref<1x1x64x128xi32, #tpu.memory_space<hbm>> -> memref<64x128xi32, #tpu.memory_space<hbm>>
    tpu.enqueue_dma source(%dma_start3A_17 : memref<64x128xi32, #tpu.memory_space<hbm>>) target(%arg9 : memref<64x128xi32, #tpu.memory_space<vmem>>) target_semaphore(%arg11 : memref<!tpu.dma_semaphore, #tpu.memory_space<semaphore_mem>>)
    %dma_wait3A = arith.constant 0 : i32
    %dma_wait3A_18 = arith.constant 0 : i32
    %dma_wait3A_19 = arith.constant 0 : i32
    %dma_wait3A_20 = tpu.memref_slice %arg4[%add3A, %dma_wait3A, %dma_wait3A_18, %dma_wait3A_19] : memref<32x4x64x128xi32, #tpu.memory_space<hbm>> -> memref<1x1x64x128xi32, #tpu.memory_space<hbm>>
    %dma_wait3A_21 = tpu.memref_squeeze %dma_wait3A_20 : memref<1x1x64x128xi32, #tpu.memory_space<hbm>> -> memref<64x128xi32, #tpu.memory_space<hbm>>
    %dma_wait3A_22 = arith.constant 0 : i32
    %dma_wait3A_23 = arith.constant 0 : i32
    %dma_wait3A_24 = tpu.memref_slice %arg4[%add3A, %dma_wait3A, %dma_wait3A_22, %dma_wait3A_23] : memref<32x4x64x128xi32, #tpu.memory_space<hbm>> -> memref<1x1x64x128xi32, #tpu.memory_space<hbm>>
    %dma_wait3A_25 = tpu.memref_squeeze %dma_wait3A_24 : memref<1x1x64x128xi32, #tpu.memory_space<hbm>> -> memref<64x128xi32, #tpu.memory_space<hbm>>
    tpu.wait_dma2 semaphore(%arg10 : memref<!tpu.dma_semaphore, #tpu.memory_space<semaphore_mem>>) src(%dma_wait3A_25 : memref<64x128xi32, #tpu.memory_space<hbm>>) dst(%arg8 : memref<64x128xi32, #tpu.memory_space<vmem>>)
    %dma_start3A_26 = arith.constant 0 : i32
    %dma_start3A_27 = arith.constant 0 : i32
    %dma_start3A_28 = tpu.memref_slice %arg7[%dma_start3A_26, %dma_start3A_27] : memref<4x64xi32, #tpu.memory_space<vmem>> -> memref<1x64xi32, #tpu.memory_space<vmem>>
    %dma_start3A_29 = tpu.memref_squeeze %dma_start3A_28 : memref<1x64xi32, #tpu.memory_space<vmem>> -> memref<64xi32, #tpu.memory_space<vmem>>
    %dma_start3A_30 = arith.constant 0 : i32
    %dma_start3A_31 = arith.constant 0 : i32
    %dma_start3A_32 = tpu.memref_slice %arg6[%dma_start3A_30, %dma_start3A_31] : memref<1536x128xi32, #tpu.memory_space<hbm>> -> memref<1536x128xi32, #tpu.memory_space<hbm>>
    tpu.enqueue_indirect_dma source(%arg8 : memref<64x128xi32, #tpu.memory_space<vmem>>) target(%dma_start3A_32 : memref<1536x128xi32, #tpu.memory_space<hbm>>) offsets(%dma_start3A_29 : memref<64xi32, #tpu.memory_space<vmem>>) semaphore(%arg12 : memref<!tpu.dma_semaphore, #tpu.memory_space<semaphore_mem>>)
    %dma_wait3A_33 = arith.constant 0 : i32
    %dma_wait3A_34 = arith.constant 0 : i32
    %dma_wait3A_35 = tpu.memref_slice %arg7[%dma_wait3A_33, %dma_wait3A_34] : memref<4x64xi32, #tpu.memory_space<vmem>> -> memref<1x64xi32, #tpu.memory_space<vmem>>
    %dma_wait3A_36 = tpu.memref_squeeze %dma_wait3A_35 : memref<1x64xi32, #tpu.memory_space<vmem>> -> memref<64xi32, #tpu.memory_space<vmem>>
    %dma_wait3A_37 = arith.constant 0 : i32
    %dma_wait3A_38 = arith.constant 0 : i32
    %dma_wait3A_39 = tpu.memref_slice %arg6[%dma_wait3A_37, %dma_wait3A_38] : memref<1536x128xi32, #tpu.memory_space<hbm>> -> memref<1536x128xi32, #tpu.memory_space<hbm>>
    tpu.wait_indirect_dma semaphore(%arg12 : memref<!tpu.dma_semaphore, #tpu.memory_space<semaphore_mem>>) src(%arg8 : memref<64x128xi32, #tpu.memory_space<vmem>>) dst(%dma_wait3A_39 : memref<1536x128xi32, #tpu.memory_space<hbm>>)
    %dma_start3A_40 = arith.constant 2 : i32
    %dma_start3A_41 = arith.constant 0 : i32
    %dma_start3A_42 = arith.constant 0 : i32
    %dma_start3A_43 = tpu.memref_slice %arg4[%add3A, %dma_start3A_40, %dma_start3A_41, %dma_start3A_42] : memref<32x4x64x128xi32, #tpu.memory_space<hbm>> -> memref<1x1x64x128xi32, #tpu.memory_space<hbm>>
    %dma_start3A_44 = tpu.memref_squeeze %dma_start3A_43 : memref<1x1x64x128xi32, #tpu.memory_space<hbm>> -> memref<64x128xi32, #tpu.memory_space<hbm>>
    %dma_start3A_45 = arith.constant 0 : i32
    %dma_start3A_46 = arith.constant 0 : i32
    %dma_start3A_47 = tpu.memref_slice %arg4[%add3A, %dma_start3A_40, %dma_start3A_45, %dma_start3A_46] : memref<32x4x64x128xi32, #tpu.memory_space<hbm>> -> memref<1x1x64x128xi32, #tpu.memory_space<hbm>>
    %dma_start3A_48 = tpu.memref_squeeze %dma_start3A_47 : memref<1x1x64x128xi32, #tpu.memory_space<hbm>> -> memref<64x128xi32, #tpu.memory_space<hbm>>
    tpu.enqueue_dma source(%dma_start3A_48 : memref<64x128xi32, #tpu.memory_space<hbm>>) target(%arg8 : memref<64x128xi32, #tpu.memory_space<vmem>>) target_semaphore(%arg10 : memref<!tpu.dma_semaphore, #tpu.memory_space<semaphore_mem>>)
    %dma_wait3A_49 = arith.constant 1 : i32
    %dma_wait3A_50 = arith.constant 0 : i32
    %dma_wait3A_51 = arith.constant 0 : i32
    %dma_wait3A_52 = tpu.memref_slice %arg4[%add3A, %dma_wait3A_49, %dma_wait3A_50, %dma_wait3A_51] : memref<32x4x64x128xi32, #tpu.memory_space<hbm>> -> memref<1x1x64x128xi32, #tpu.memory_space<hbm>>
    %dma_wait3A_53 = tpu.memref_squeeze %dma_wait3A_52 : memref<1x1x64x128xi32, #tpu.memory_space<hbm>> -> memref<64x128xi32, #tpu.memory_space<hbm>>
    %dma_wait3A_54 = arith.constant 0 : i32
    %dma_wait3A_55 = arith.constant 0 : i32
    %dma_wait3A_56 = tpu.memref_slice %arg4[%add3A, %dma_wait3A_49, %dma_wait3A_54, %dma_wait3A_55] : memref<32x4x64x128xi32, #tpu.memory_space<hbm>> -> memref<1x1x64x128xi32, #tpu.memory_space<hbm>>
    %dma_wait3A_57 = tpu.memref_squeeze %dma_wait3A_56 : memref<1x1x64x128xi32, #tpu.memory_space<hbm>> -> memref<64x128xi32, #tpu.memory_space<hbm>>
    tpu.wait_dma2 semaphore(%arg11 : memref<!tpu.dma_semaphore, #tpu.memory_space<semaphore_mem>>) src(%dma_wait3A_57 : memref<64x128xi32, #tpu.memory_space<hbm>>) dst(%arg9 : memref<64x128xi32, #tpu.memory_space<vmem>>)
    %dma_start3A_58 = arith.constant 1 : i32
    %dma_start3A_59 = arith.constant 0 : i32
    %dma_start3A_60 = tpu.memref_slice %arg7[%dma_start3A_58, %dma_start3A_59] : memref<4x64xi32, #tpu.memory_space<vmem>> -> memref<1x64xi32, #tpu.memory_space<vmem>>
    %dma_start3A_61 = tpu.memref_squeeze %dma_start3A_60 : memref<1x64xi32, #tpu.memory_space<vmem>> -> memref<64xi32, #tpu.memory_space<vmem>>
    %dma_start3A_62 = arith.constant 0 : i32
    %dma_start3A_63 = arith.constant 0 : i32
    %dma_start3A_64 = tpu.memref_slice %arg6[%dma_start3A_62, %dma_start3A_63] : memref<1536x128xi32, #tpu.memory_space<hbm>> -> memref<1536x128xi32, #tpu.memory_space<hbm>>
    tpu.enqueue_indirect_dma source(%arg9 : memref<64x128xi32, #tpu.memory_space<vmem>>) target(%dma_start3A_64 : memref<1536x128xi32, #tpu.memory_space<hbm>>) offsets(%dma_start3A_61 : memref<64xi32, #tpu.memory_space<vmem>>) semaphore(%arg13 : memref<!tpu.dma_semaphore, #tpu.memory_space<semaphore_mem>>)
    %dma_wait3A_65 = arith.constant 1 : i32
    %dma_wait3A_66 = arith.constant 0 : i32
    %dma_wait3A_67 = tpu.memref_slice %arg7[%dma_wait3A_65, %dma_wait3A_66] : memref<4x64xi32, #tpu.memory_space<vmem>> -> memref<1x64xi32, #tpu.memory_space<vmem>>
    %dma_wait3A_68 = tpu.memref_squeeze %dma_wait3A_67 : memref<1x64xi32, #tpu.memory_space<vmem>> -> memref<64xi32, #tpu.memory_space<vmem>>
    %dma_wait3A_69 = arith.constant 0 : i32
    %dma_wait3A_70 = arith.constant 0 : i32
    %dma_wait3A_71 = tpu.memref_slice %arg6[%dma_wait3A_69, %dma_wait3A_70] : memref<1536x128xi32, #tpu.memory_space<hbm>> -> memref<1536x128xi32, #tpu.memory_space<hbm>>
    tpu.wait_indirect_dma semaphore(%arg13 : memref<!tpu.dma_semaphore, #tpu.memory_space<semaphore_mem>>) src(%arg9 : memref<64x128xi32, #tpu.memory_space<vmem>>) dst(%dma_wait3A_71 : memref<1536x128xi32, #tpu.memory_space<hbm>>)
    %dma_start3A_72 = arith.constant 3 : i32
    %dma_start3A_73 = arith.constant 0 : i32
    %dma_start3A_74 = arith.constant 0 : i32
    %dma_start3A_75 = tpu.memref_slice %arg4[%add3A, %dma_start3A_72, %dma_start3A_73, %dma_start3A_74] : memref<32x4x64x128xi32, #tpu.memory_space<hbm>> -> memref<1x1x64x128xi32, #tpu.memory_space<hbm>>
    %dma_start3A_76 = tpu.memref_squeeze %dma_start3A_75 : memref<1x1x64x128xi32, #tpu.memory_space<hbm>> -> memref<64x128xi32, #tpu.memory_space<hbm>>
    %dma_start3A_77 = arith.constant 0 : i32
    %dma_start3A_78 = arith.constant 0 : i32
    %dma_start3A_79 = tpu.memref_slice %arg4[%add3A, %dma_start3A_72, %dma_start3A_77, %dma_start3A_78] : memref<32x4x64x128xi32, #tpu.memory_space<hbm>> -> memref<1x1x64x128xi32, #tpu.memory_space<hbm>>
    %dma_start3A_80 = tpu.memref_squeeze %dma_start3A_79 : memref<1x1x64x128xi32, #tpu.memory_space<hbm>> -> memref<64x128xi32, #tpu.memory_space<hbm>>
    tpu.enqueue_dma source(%dma_start3A_80 : memref<64x128xi32, #tpu.memory_space<hbm>>) target(%arg9 : memref<64x128xi32, #tpu.memory_space<vmem>>) target_semaphore(%arg11 : memref<!tpu.dma_semaphore, #tpu.memory_space<semaphore_mem>>)
    %dma_wait3A_81 = arith.constant 2 : i32
    %dma_wait3A_82 = arith.constant 0 : i32
    %dma_wait3A_83 = arith.constant 0 : i32
    %dma_wait3A_84 = tpu.memref_slice %arg4[%add3A, %dma_wait3A_81, %dma_wait3A_82, %dma_wait3A_83] : memref<32x4x64x128xi32, #tpu.memory_space<hbm>> -> memref<1x1x64x128xi32, #tpu.memory_space<hbm>>
    %dma_wait3A_85 = tpu.memref_squeeze %dma_wait3A_84 : memref<1x1x64x128xi32, #tpu.memory_space<hbm>> -> memref<64x128xi32, #tpu.memory_space<hbm>>
    %dma_wait3A_86 = arith.constant 0 : i32
    %dma_wait3A_87 = arith.constant 0 : i32
    %dma_wait3A_88 = tpu.memref_slice %arg4[%add3A, %dma_wait3A_81, %dma_wait3A_86, %dma_wait3A_87] : memref<32x4x64x128xi32, #tpu.memory_space<hbm>> -> memref<1x1x64x128xi32, #tpu.memory_space<hbm>>
    %dma_wait3A_89 = tpu.memref_squeeze %dma_wait3A_88 : memref<1x1x64x128xi32, #tpu.memory_space<hbm>> -> memref<64x128xi32, #tpu.memory_space<hbm>>
    tpu.wait_dma2 semaphore(%arg10 : memref<!tpu.dma_semaphore, #tpu.memory_space<semaphore_mem>>) src(%dma_wait3A_89 : memref<64x128xi32, #tpu.memory_space<hbm>>) dst(%arg8 : memref<64x128xi32, #tpu.memory_space<vmem>>)
    %dma_start3A_90 = arith.constant 2 : i32
    %dma_start3A_91 = arith.constant 0 : i32
    %dma_start3A_92 = tpu.memref_slice %arg7[%dma_start3A_90, %dma_start3A_91] : memref<4x64xi32, #tpu.memory_space<vmem>> -> memref<1x64xi32, #tpu.memory_space<vmem>>
    %dma_start3A_93 = tpu.memref_squeeze %dma_start3A_92 : memref<1x64xi32, #tpu.memory_space<vmem>> -> memref<64xi32, #tpu.memory_space<vmem>>
    %dma_start3A_94 = arith.constant 0 : i32
    %dma_start3A_95 = arith.constant 0 : i32
    %dma_start3A_96 = tpu.memref_slice %arg6[%dma_start3A_94, %dma_start3A_95] : memref<1536x128xi32, #tpu.memory_space<hbm>> -> memref<1536x128xi32, #tpu.memory_space<hbm>>
    tpu.enqueue_indirect_dma source(%arg8 : memref<64x128xi32, #tpu.memory_space<vmem>>) target(%dma_start3A_96 : memref<1536x128xi32, #tpu.memory_space<hbm>>) offsets(%dma_start3A_93 : memref<64xi32, #tpu.memory_space<vmem>>) semaphore(%arg12 : memref<!tpu.dma_semaphore, #tpu.memory_space<semaphore_mem>>)
    %dma_wait3A_97 = arith.constant 2 : i32
    %dma_wait3A_98 = arith.constant 0 : i32
    %dma_wait3A_99 = tpu.memref_slice %arg7[%dma_wait3A_97, %dma_wait3A_98] : memref<4x64xi32, #tpu.memory_space<vmem>> -> memref<1x64xi32, #tpu.memory_space<vmem>>
    %dma_wait3A_100 = tpu.memref_squeeze %dma_wait3A_99 : memref<1x64xi32, #tpu.memory_space<vmem>> -> memref<64xi32, #tpu.memory_space<vmem>>
    %dma_wait3A_101 = arith.constant 0 : i32
    %dma_wait3A_102 = arith.constant 0 : i32
    %dma_wait3A_103 = tpu.memref_slice %arg6[%dma_wait3A_101, %dma_wait3A_102] : memref<1536x128xi32, #tpu.memory_space<hbm>> -> memref<1536x128xi32, #tpu.memory_space<hbm>>
    tpu.wait_indirect_dma semaphore(%arg12 : memref<!tpu.dma_semaphore, #tpu.memory_space<semaphore_mem>>) src(%arg8 : memref<64x128xi32, #tpu.memory_space<vmem>>) dst(%dma_wait3A_103 : memref<1536x128xi32, #tpu.memory_space<hbm>>)
    %dma_wait3A_104 = arith.constant 3 : i32
    %dma_wait3A_105 = arith.constant 0 : i32
    %dma_wait3A_106 = arith.constant 0 : i32
    %dma_wait3A_107 = tpu.memref_slice %arg4[%add3A, %dma_wait3A_104, %dma_wait3A_105, %dma_wait3A_106] : memref<32x4x64x128xi32, #tpu.memory_space<hbm>> -> memref<1x1x64x128xi32, #tpu.memory_space<hbm>>
    %dma_wait3A_108 = tpu.memref_squeeze %dma_wait3A_107 : memref<1x1x64x128xi32, #tpu.memory_space<hbm>> -> memref<64x128xi32, #tpu.memory_space<hbm>>
    %dma_wait3A_109 = arith.constant 0 : i32
    %dma_wait3A_110 = arith.constant 0 : i32
    %dma_wait3A_111 = tpu.memref_slice %arg4[%add3A, %dma_wait3A_104, %dma_wait3A_109, %dma_wait3A_110] : memref<32x4x64x128xi32, #tpu.memory_space<hbm>> -> memref<1x1x64x128xi32, #tpu.memory_space<hbm>>
    %dma_wait3A_112 = tpu.memref_squeeze %dma_wait3A_111 : memref<1x1x64x128xi32, #tpu.memory_space<hbm>> -> memref<64x128xi32, #tpu.memory_space<hbm>>
    tpu.wait_dma2 semaphore(%arg11 : memref<!tpu.dma_semaphore, #tpu.memory_space<semaphore_mem>>) src(%dma_wait3A_112 : memref<64x128xi32, #tpu.memory_space<hbm>>) dst(%arg9 : memref<64x128xi32, #tpu.memory_space<vmem>>)
    %dma_start3A_113 = arith.constant 3 : i32
    %dma_start3A_114 = arith.constant 0 : i32
    %dma_start3A_115 = tpu.memref_slice %arg7[%dma_start3A_113, %dma_start3A_114] : memref<4x64xi32, #tpu.memory_space<vmem>> -> memref<1x64xi32, #tpu.memory_space<vmem>>
    %dma_start3A_116 = tpu.memref_squeeze %dma_start3A_115 : memref<1x64xi32, #tpu.memory_space<vmem>> -> memref<64xi32, #tpu.memory_space<vmem>>
    %dma_start3A_117 = arith.constant 0 : i32
    %dma_start3A_118 = arith.constant 0 : i32
    %dma_start3A_119 = tpu.memref_slice %arg6[%dma_start3A_117, %dma_start3A_118] : memref<1536x128xi32, #tpu.memory_space<hbm>> -> memref<1536x128xi32, #tpu.memory_space<hbm>>
    tpu.enqueue_indirect_dma source(%arg9 : memref<64x128xi32, #tpu.memory_space<vmem>>) target(%dma_start3A_119 : memref<1536x128xi32, #tpu.memory_space<hbm>>) offsets(%dma_start3A_116 : memref<64xi32, #tpu.memory_space<vmem>>) semaphore(%arg13 : memref<!tpu.dma_semaphore, #tpu.memory_space<semaphore_mem>>)
    %dma_wait3A_120 = arith.constant 3 : i32
    %dma_wait3A_121 = arith.constant 0 : i32
    %dma_wait3A_122 = tpu.memref_slice %arg7[%dma_wait3A_120, %dma_wait3A_121] : memref<4x64xi32, #tpu.memory_space<vmem>> -> memref<1x64xi32, #tpu.memory_space<vmem>>
    %dma_wait3A_123 = tpu.memref_squeeze %dma_wait3A_122 : memref<1x64xi32, #tpu.memory_space<vmem>> -> memref<64xi32, #tpu.memory_space<vmem>>
    %dma_wait3A_124 = arith.constant 0 : i32
    %dma_wait3A_125 = arith.constant 0 : i32
    %dma_wait3A_126 = tpu.memref_slice %arg6[%dma_wait3A_124, %dma_wait3A_125] : memref<1536x128xi32, #tpu.memory_space<hbm>> -> memref<1536x128xi32, #tpu.memory_space<hbm>>
    tpu.wait_indirect_dma semaphore(%arg13 : memref<!tpu.dma_semaphore, #tpu.memory_space<semaphore_mem>>) src(%arg9 : memref<64x128xi32, #tpu.memory_space<vmem>>) dst(%dma_wait3A_126 : memref<1536x128xi32, #tpu.memory_space<hbm>>)
    "tpu.region"() ({
      %run_scoped3A = tpu.sem_alloc : memref<!tpu.dma_semaphore, #tpu.memory_space<semaphore_mem>>
      %dma_start3A_255 = arith.constant 0 : i32
      %dma_start3A_256 = arith.constant 0 : i32
      %dma_start3A_257 = tpu.memref_slice %arg3[%add3A, %dma_start3A_255, %dma_start3A_256] : memref<32x4x64xi32, #tpu.memory_space<hbm>> -> memref<1x4x64xi32, #tpu.memory_space<hbm>>
      %dma_start3A_258 = tpu.memref_squeeze %dma_start3A_257 : memref<1x4x64xi32, #tpu.memory_space<hbm>> -> memref<4x64xi32, #tpu.memory_space<hbm>>
      %dma_start3A_259 = arith.constant 0 : i32
      %dma_start3A_260 = arith.constant 0 : i32
      %dma_start3A_261 = tpu.memref_slice %arg3[%add3A, %dma_start3A_259, %dma_start3A_260] : memref<32x4x64xi32, #tpu.memory_space<hbm>> -> memref<1x4x64xi32, #tpu.memory_space<hbm>>
      %dma_start3A_262 = tpu.memref_squeeze %dma_start3A_261 : memref<1x4x64xi32, #tpu.memory_space<hbm>> -> memref<4x64xi32, #tpu.memory_space<hbm>>
      tpu.enqueue_dma source(%dma_start3A_262 : memref<4x64xi32, #tpu.memory_space<hbm>>) target(%arg7 : memref<4x64xi32, #tpu.memory_space<vmem>>) target_semaphore(%run_scoped3A : memref<!tpu.dma_semaphore, #tpu.memory_space<semaphore_mem>>)
      %dma_wait3A_263 = arith.constant 0 : i32
      %dma_wait3A_264 = arith.constant 0 : i32
      %dma_wait3A_265 = tpu.memref_slice %arg3[%add3A, %dma_wait3A_263, %dma_wait3A_264] : memref<32x4x64xi32, #tpu.memory_space<hbm>> -> memref<1x4x64xi32, #tpu.memory_space<hbm>>
      %dma_wait3A_266 = tpu.memref_squeeze %dma_wait3A_265 : memref<1x4x64xi32, #tpu.memory_space<hbm>> -> memref<4x64xi32, #tpu.memory_space<hbm>>
      %dma_wait3A_267 = arith.constant 0 : i32
      %dma_wait3A_268 = arith.constant 0 : i32
      %dma_wait3A_269 = tpu.memref_slice %arg3[%add3A, %dma_wait3A_267, %dma_wait3A_268] : memref<32x4x64xi32, #tpu.memory_space<hbm>> -> memref<1x4x64xi32, #tpu.memory_space<hbm>>
      %dma_wait3A_270 = tpu.memref_squeeze %dma_wait3A_269 : memref<1x4x64xi32, #tpu.memory_space<hbm>> -> memref<4x64xi32, #tpu.memory_space<hbm>>
      tpu.wait_dma2 semaphore(%run_scoped3A : memref<!tpu.dma_semaphore, #tpu.memory_space<semaphore_mem>>) src(%dma_wait3A_270 : memref<4x64xi32, #tpu.memory_space<hbm>>) dst(%arg7 : memref<4x64xi32, #tpu.memory_space<vmem>>)
      tpu.yield
    }) : () -> ()
    %dma_start3A_127 = arith.constant 0 : i32
    %dma_start3A_128 = arith.constant 0 : i32
    %dma_start3A_129 = arith.constant 0 : i32
    %dma_start3A_130 = tpu.memref_slice %arg5[%add3A, %dma_start3A_127, %dma_start3A_128, %dma_start3A_129] : memref<32x4x64x128xi32, #tpu.memory_space<hbm>> -> memref<1x1x64x128xi32, #tpu.memory_space<hbm>>
    %dma_start3A_131 = tpu.memref_squeeze %dma_start3A_130 : memref<1x1x64x128xi32, #tpu.memory_space<hbm>> -> memref<64x128xi32, #tpu.memory_space<hbm>>
    %dma_start3A_132 = arith.constant 0 : i32
    %dma_start3A_133 = arith.constant 0 : i32
    %dma_start3A_134 = tpu.memref_slice %arg5[%add3A, %dma_start3A_127, %dma_start3A_132, %dma_start3A_133] : memref<32x4x64x128xi32, #tpu.memory_space<hbm>> -> memref<1x1x64x128xi32, #tpu.memory_space<hbm>>
    %dma_start3A_135 = tpu.memref_squeeze %dma_start3A_134 : memref<1x1x64x128xi32, #tpu.memory_space<hbm>> -> memref<64x128xi32, #tpu.memory_space<hbm>>
    tpu.enqueue_dma source(%dma_start3A_135 : memref<64x128xi32, #tpu.memory_space<hbm>>) target(%arg8 : memref<64x128xi32, #tpu.memory_space<vmem>>) target_semaphore(%arg10 : memref<!tpu.dma_semaphore, #tpu.memory_space<semaphore_mem>>)
    %dma_start3A_136 = arith.constant 1 : i32
    %dma_start3A_137 = arith.constant 0 : i32
    %dma_start3A_138 = arith.constant 0 : i32
    %dma_start3A_139 = tpu.memref_slice %arg5[%add3A, %dma_start3A_136, %dma_start3A_137, %dma_start3A_138] : memref<32x4x64x128xi32, #tpu.memory_space<hbm>> -> memref<1x1x64x128xi32, #tpu.memory_space<hbm>>
    %dma_start3A_140 = tpu.memref_squeeze %dma_start3A_139 : memref<1x1x64x128xi32, #tpu.memory_space<hbm>> -> memref<64x128xi32, #tpu.memory_space<hbm>>
    %dma_start3A_141 = arith.constant 0 : i32
    %dma_start3A_142 = arith.constant 0 : i32
    %dma_start3A_143 = tpu.memref_slice %arg5[%add3A, %dma_start3A_136, %dma_start3A_141, %dma_start3A_142] : memref<32x4x64x128xi32, #tpu.memory_space<hbm>> -> memref<1x1x64x128xi32, #tpu.memory_space<hbm>>
    %dma_start3A_144 = tpu.memref_squeeze %dma_start3A_143 : memref<1x1x64x128xi32, #tpu.memory_space<hbm>> -> memref<64x128xi32, #tpu.memory_space<hbm>>
    tpu.enqueue_dma source(%dma_start3A_144 : memref<64x128xi32, #tpu.memory_space<hbm>>) target(%arg9 : memref<64x128xi32, #tpu.memory_space<vmem>>) target_semaphore(%arg11 : memref<!tpu.dma_semaphore, #tpu.memory_space<semaphore_mem>>)
    %dma_wait3A_145 = arith.constant 0 : i32
    %dma_wait3A_146 = arith.constant 0 : i32
    %dma_wait3A_147 = arith.constant 0 : i32
    %dma_wait3A_148 = tpu.memref_slice %arg5[%add3A, %dma_wait3A_145, %dma_wait3A_146, %dma_wait3A_147] : memref<32x4x64x128xi32, #tpu.memory_space<hbm>> -> memref<1x1x64x128xi32, #tpu.memory_space<hbm>>
    %dma_wait3A_149 = tpu.memref_squeeze %dma_wait3A_148 : memref<1x1x64x128xi32, #tpu.memory_space<hbm>> -> memref<64x128xi32, #tpu.memory_space<hbm>>
    %dma_wait3A_150 = arith.constant 0 : i32
    %dma_wait3A_151 = arith.constant 0 : i32
    %dma_wait3A_152 = tpu.memref_slice %arg5[%add3A, %dma_wait3A_145, %dma_wait3A_150, %dma_wait3A_151] : memref<32x4x64x128xi32, #tpu.memory_space<hbm>> -> memref<1x1x64x128xi32, #tpu.memory_space<hbm>>
    %dma_wait3A_153 = tpu.memref_squeeze %dma_wait3A_152 : memref<1x1x64x128xi32, #tpu.memory_space<hbm>> -> memref<64x128xi32, #tpu.memory_space<hbm>>
    tpu.wait_dma2 semaphore(%arg10 : memref<!tpu.dma_semaphore, #tpu.memory_space<semaphore_mem>>) src(%dma_wait3A_153 : memref<64x128xi32, #tpu.memory_space<hbm>>) dst(%arg8 : memref<64x128xi32, #tpu.memory_space<vmem>>)
    %dma_start3A_154 = arith.constant 0 : i32
    %dma_start3A_155 = arith.constant 0 : i32
    %dma_start3A_156 = tpu.memref_slice %arg7[%dma_start3A_154, %dma_start3A_155] : memref<4x64xi32, #tpu.memory_space<vmem>> -> memref<1x64xi32, #tpu.memory_space<vmem>>
    %dma_start3A_157 = tpu.memref_squeeze %dma_start3A_156 : memref<1x64xi32, #tpu.memory_space<vmem>> -> memref<64xi32, #tpu.memory_space<vmem>>
    %dma_start3A_158 = arith.constant 0 : i32
    %dma_start3A_159 = arith.constant 0 : i32
    %dma_start3A_160 = tpu.memref_slice %arg6[%dma_start3A_158, %dma_start3A_159] : memref<1536x128xi32, #tpu.memory_space<hbm>> -> memref<1536x128xi32, #tpu.memory_space<hbm>>
    tpu.enqueue_indirect_dma source(%arg8 : memref<64x128xi32, #tpu.memory_space<vmem>>) target(%dma_start3A_160 : memref<1536x128xi32, #tpu.memory_space<hbm>>) offsets(%dma_start3A_157 : memref<64xi32, #tpu.memory_space<vmem>>) semaphore(%arg12 : memref<!tpu.dma_semaphore, #tpu.memory_space<semaphore_mem>>)
    %dma_wait3A_161 = arith.constant 0 : i32
    %dma_wait3A_162 = arith.constant 0 : i32
    %dma_wait3A_163 = tpu.memref_slice %arg7[%dma_wait3A_161, %dma_wait3A_162] : memref<4x64xi32, #tpu.memory_space<vmem>> -> memref<1x64xi32, #tpu.memory_space<vmem>>
    %dma_wait3A_164 = tpu.memref_squeeze %dma_wait3A_163 : memref<1x64xi32, #tpu.memory_space<vmem>> -> memref<64xi32, #tpu.memory_space<vmem>>
    %dma_wait3A_165 = arith.constant 0 : i32
    %dma_wait3A_166 = arith.constant 0 : i32
    %dma_wait3A_167 = tpu.memref_slice %arg6[%dma_wait3A_165, %dma_wait3A_166] : memref<1536x128xi32, #tpu.memory_space<hbm>> -> memref<1536x128xi32, #tpu.memory_space<hbm>>
    tpu.wait_indirect_dma semaphore(%arg12 : memref<!tpu.dma_semaphore, #tpu.memory_space<semaphore_mem>>) src(%arg8 : memref<64x128xi32, #tpu.memory_space<vmem>>) dst(%dma_wait3A_167 : memref<1536x128xi32, #tpu.memory_space<hbm>>)
    %dma_start3A_168 = arith.constant 2 : i32
    %dma_start3A_169 = arith.constant 0 : i32
    %dma_start3A_170 = arith.constant 0 : i32
    %dma_start3A_171 = tpu.memref_slice %arg5[%add3A, %dma_start3A_168, %dma_start3A_169, %dma_start3A_170] : memref<32x4x64x128xi32, #tpu.memory_space<hbm>> -> memref<1x1x64x128xi32, #tpu.memory_space<hbm>>
    %dma_start3A_172 = tpu.memref_squeeze %dma_start3A_171 : memref<1x1x64x128xi32, #tpu.memory_space<hbm>> -> memref<64x128xi32, #tpu.memory_space<hbm>>
    %dma_start3A_173 = arith.constant 0 : i32
    %dma_start3A_174 = arith.constant 0 : i32
    %dma_start3A_175 = tpu.memref_slice %arg5[%add3A, %dma_start3A_168, %dma_start3A_173, %dma_start3A_174] : memref<32x4x64x128xi32, #tpu.memory_space<hbm>> -> memref<1x1x64x128xi32, #tpu.memory_space<hbm>>
    %dma_start3A_176 = tpu.memref_squeeze %dma_start3A_175 : memref<1x1x64x128xi32, #tpu.memory_space<hbm>> -> memref<64x128xi32, #tpu.memory_space<hbm>>
    tpu.enqueue_dma source(%dma_start3A_176 : memref<64x128xi32, #tpu.memory_space<hbm>>) target(%arg8 : memref<64x128xi32, #tpu.memory_space<vmem>>) target_semaphore(%arg10 : memref<!tpu.dma_semaphore, #tpu.memory_space<semaphore_mem>>)
    %dma_wait3A_177 = arith.constant 1 : i32
    %dma_wait3A_178 = arith.constant 0 : i32
    %dma_wait3A_179 = arith.constant 0 : i32
    %dma_wait3A_180 = tpu.memref_slice %arg5[%add3A, %dma_wait3A_177, %dma_wait3A_178, %dma_wait3A_179] : memref<32x4x64x128xi32, #tpu.memory_space<hbm>> -> memref<1x1x64x128xi32, #tpu.memory_space<hbm>>
    %dma_wait3A_181 = tpu.memref_squeeze %dma_wait3A_180 : memref<1x1x64x128xi32, #tpu.memory_space<hbm>> -> memref<64x128xi32, #tpu.memory_space<hbm>>
    %dma_wait3A_182 = arith.constant 0 : i32
    %dma_wait3A_183 = arith.constant 0 : i32
    %dma_wait3A_184 = tpu.memref_slice %arg5[%add3A, %dma_wait3A_177, %dma_wait3A_182, %dma_wait3A_183] : memref<32x4x64x128xi32, #tpu.memory_space<hbm>> -> memref<1x1x64x128xi32, #tpu.memory_space<hbm>>
    %dma_wait3A_185 = tpu.memref_squeeze %dma_wait3A_184 : memref<1x1x64x128xi32, #tpu.memory_space<hbm>> -> memref<64x128xi32, #tpu.memory_space<hbm>>
    tpu.wait_dma2 semaphore(%arg11 : memref<!tpu.dma_semaphore, #tpu.memory_space<semaphore_mem>>) src(%dma_wait3A_185 : memref<64x128xi32, #tpu.memory_space<hbm>>) dst(%arg9 : memref<64x128xi32, #tpu.memory_space<vmem>>)
    %dma_start3A_186 = arith.constant 1 : i32
    %dma_start3A_187 = arith.constant 0 : i32
    %dma_start3A_188 = tpu.memref_slice %arg7[%dma_start3A_186, %dma_start3A_187] : memref<4x64xi32, #tpu.memory_space<vmem>> -> memref<1x64xi32, #tpu.memory_space<vmem>>
    %dma_start3A_189 = tpu.memref_squeeze %dma_start3A_188 : memref<1x64xi32, #tpu.memory_space<vmem>> -> memref<64xi32, #tpu.memory_space<vmem>>
    %dma_start3A_190 = arith.constant 0 : i32
    %dma_start3A_191 = arith.constant 0 : i32
    %dma_start3A_192 = tpu.memref_slice %arg6[%dma_start3A_190, %dma_start3A_191] : memref<1536x128xi32, #tpu.memory_space<hbm>> -> memref<1536x128xi32, #tpu.memory_space<hbm>>
    tpu.enqueue_indirect_dma source(%arg9 : memref<64x128xi32, #tpu.memory_space<vmem>>) target(%dma_start3A_192 : memref<1536x128xi32, #tpu.memory_space<hbm>>) offsets(%dma_start3A_189 : memref<64xi32, #tpu.memory_space<vmem>>) semaphore(%arg13 : memref<!tpu.dma_semaphore, #tpu.memory_space<semaphore_mem>>)
    %dma_wait3A_193 = arith.constant 1 : i32
    %dma_wait3A_194 = arith.constant 0 : i32
    %dma_wait3A_195 = tpu.memref_slice %arg7[%dma_wait3A_193, %dma_wait3A_194] : memref<4x64xi32, #tpu.memory_space<vmem>> -> memref<1x64xi32, #tpu.memory_space<vmem>>
    %dma_wait3A_196 = tpu.memref_squeeze %dma_wait3A_195 : memref<1x64xi32, #tpu.memory_space<vmem>> -> memref<64xi32, #tpu.memory_space<vmem>>
    %dma_wait3A_197 = arith.constant 0 : i32
    %dma_wait3A_198 = arith.constant 0 : i32
    %dma_wait3A_199 = tpu.memref_slice %arg6[%dma_wait3A_197, %dma_wait3A_198] : memref<1536x128xi32, #tpu.memory_space<hbm>> -> memref<1536x128xi32, #tpu.memory_space<hbm>>
    tpu.wait_indirect_dma semaphore(%arg13 : memref<!tpu.dma_semaphore, #tpu.memory_space<semaphore_mem>>) src(%arg9 : memref<64x128xi32, #tpu.memory_space<vmem>>) dst(%dma_wait3A_199 : memref<1536x128xi32, #tpu.memory_space<hbm>>)
    %dma_start3A_200 = arith.constant 3 : i32
    %dma_start3A_201 = arith.constant 0 : i32
    %dma_start3A_202 = arith.constant 0 : i32
    %dma_start3A_203 = tpu.memref_slice %arg5[%add3A, %dma_start3A_200, %dma_start3A_201, %dma_start3A_202] : memref<32x4x64x128xi32, #tpu.memory_space<hbm>> -> memref<1x1x64x128xi32, #tpu.memory_space<hbm>>
    %dma_start3A_204 = tpu.memref_squeeze %dma_start3A_203 : memref<1x1x64x128xi32, #tpu.memory_space<hbm>> -> memref<64x128xi32, #tpu.memory_space<hbm>>
    %dma_start3A_205 = arith.constant 0 : i32
    %dma_start3A_206 = arith.constant 0 : i32
    %dma_start3A_207 = tpu.memref_slice %arg5[%add3A, %dma_start3A_200, %dma_start3A_205, %dma_start3A_206] : memref<32x4x64x128xi32, #tpu.memory_space<hbm>> -> memref<1x1x64x128xi32, #tpu.memory_space<hbm>>
    %dma_start3A_208 = tpu.memref_squeeze %dma_start3A_207 : memref<1x1x64x128xi32, #tpu.memory_space<hbm>> -> memref<64x128xi32, #tpu.memory_space<hbm>>
    tpu.enqueue_dma source(%dma_start3A_208 : memref<64x128xi32, #tpu.memory_space<hbm>>) target(%arg9 : memref<64x128xi32, #tpu.memory_space<vmem>>) target_semaphore(%arg11 : memref<!tpu.dma_semaphore, #tpu.memory_space<semaphore_mem>>)
    %dma_wait3A_209 = arith.constant 2 : i32
    %dma_wait3A_210 = arith.constant 0 : i32
    %dma_wait3A_211 = arith.constant 0 : i32
    %dma_wait3A_212 = tpu.memref_slice %arg5[%add3A, %dma_wait3A_209, %dma_wait3A_210, %dma_wait3A_211] : memref<32x4x64x128xi32, #tpu.memory_space<hbm>> -> memref<1x1x64x128xi32, #tpu.memory_space<hbm>>
    %dma_wait3A_213 = tpu.memref_squeeze %dma_wait3A_212 : memref<1x1x64x128xi32, #tpu.memory_space<hbm>> -> memref<64x128xi32, #tpu.memory_space<hbm>>
    %dma_wait3A_214 = arith.constant 0 : i32
    %dma_wait3A_215 = arith.constant 0 : i32
    %dma_wait3A_216 = tpu.memref_slice %arg5[%add3A, %dma_wait3A_209, %dma_wait3A_214, %dma_wait3A_215] : memref<32x4x64x128xi32, #tpu.memory_space<hbm>> -> memref<1x1x64x128xi32, #tpu.memory_space<hbm>>
    %dma_wait3A_217 = tpu.memref_squeeze %dma_wait3A_216 : memref<1x1x64x128xi32, #tpu.memory_space<hbm>> -> memref<64x128xi32, #tpu.memory_space<hbm>>
    tpu.wait_dma2 semaphore(%arg10 : memref<!tpu.dma_semaphore, #tpu.memory_space<semaphore_mem>>) src(%dma_wait3A_217 : memref<64x128xi32, #tpu.memory_space<hbm>>) dst(%arg8 : memref<64x128xi32, #tpu.memory_space<vmem>>)
    %dma_start3A_218 = arith.constant 2 : i32
    %dma_start3A_219 = arith.constant 0 : i32
    %dma_start3A_220 = tpu.memref_slice %arg7[%dma_start3A_218, %dma_start3A_219] : memref<4x64xi32, #tpu.memory_space<vmem>> -> memref<1x64xi32, #tpu.memory_space<vmem>>
    %dma_start3A_221 = tpu.memref_squeeze %dma_start3A_220 : memref<1x64xi32, #tpu.memory_space<vmem>> -> memref<64xi32, #tpu.memory_space<vmem>>
    %dma_start3A_222 = arith.constant 0 : i32
    %dma_start3A_223 = arith.constant 0 : i32
    %dma_start3A_224 = tpu.memref_slice %arg6[%dma_start3A_222, %dma_start3A_223] : memref<1536x128xi32, #tpu.memory_space<hbm>> -> memref<1536x128xi32, #tpu.memory_space<hbm>>
    tpu.enqueue_indirect_dma source(%arg8 : memref<64x128xi32, #tpu.memory_space<vmem>>) target(%dma_start3A_224 : memref<1536x128xi32, #tpu.memory_space<hbm>>) offsets(%dma_start3A_221 : memref<64xi32, #tpu.memory_space<vmem>>) semaphore(%arg12 : memref<!tpu.dma_semaphore, #tpu.memory_space<semaphore_mem>>)
    %dma_wait3A_225 = arith.constant 2 : i32
    %dma_wait3A_226 = arith.constant 0 : i32
    %dma_wait3A_227 = tpu.memref_slice %arg7[%dma_wait3A_225, %dma_wait3A_226] : memref<4x64xi32, #tpu.memory_space<vmem>> -> memref<1x64xi32, #tpu.memory_space<vmem>>
    %dma_wait3A_228 = tpu.memref_squeeze %dma_wait3A_227 : memref<1x64xi32, #tpu.memory_space<vmem>> -> memref<64xi32, #tpu.memory_space<vmem>>
    %dma_wait3A_229 = arith.constant 0 : i32
    %dma_wait3A_230 = arith.constant 0 : i32
    %dma_wait3A_231 = tpu.memref_slice %arg6[%dma_wait3A_229, %dma_wait3A_230] : memref<1536x128xi32, #tpu.memory_space<hbm>> -> memref<1536x128xi32, #tpu.memory_space<hbm>>
    tpu.wait_indirect_dma semaphore(%arg12 : memref<!tpu.dma_semaphore, #tpu.memory_space<semaphore_mem>>) src(%arg8 : memref<64x128xi32, #tpu.memory_space<vmem>>) dst(%dma_wait3A_231 : memref<1536x128xi32, #tpu.memory_space<hbm>>)
    %dma_wait3A_232 = arith.constant 3 : i32
    %dma_wait3A_233 = arith.constant 0 : i32
    %dma_wait3A_234 = arith.constant 0 : i32
    %dma_wait3A_235 = tpu.memref_slice %arg5[%add3A, %dma_wait3A_232, %dma_wait3A_233, %dma_wait3A_234] : memref<32x4x64x128xi32, #tpu.memory_space<hbm>> -> memref<1x1x64x128xi32, #tpu.memory_space<hbm>>
    %dma_wait3A_236 = tpu.memref_squeeze %dma_wait3A_235 : memref<1x1x64x128xi32, #tpu.memory_space<hbm>> -> memref<64x128xi32, #tpu.memory_space<hbm>>
    %dma_wait3A_237 = arith.constant 0 : i32
    %dma_wait3A_238 = arith.constant 0 : i32
    %dma_wait3A_239 = tpu.memref_slice %arg5[%add3A, %dma_wait3A_232, %dma_wait3A_237, %dma_wait3A_238] : memref<32x4x64x128xi32, #tpu.memory_space<hbm>> -> memref<1x1x64x128xi32, #tpu.memory_space<hbm>>
    %dma_wait3A_240 = tpu.memref_squeeze %dma_wait3A_239 : memref<1x1x64x128xi32, #tpu.memory_space<hbm>> -> memref<64x128xi32, #tpu.memory_space<hbm>>
    tpu.wait_dma2 semaphore(%arg11 : memref<!tpu.dma_semaphore, #tpu.memory_space<semaphore_mem>>) src(%dma_wait3A_240 : memref<64x128xi32, #tpu.memory_space<hbm>>) dst(%arg9 : memref<64x128xi32, #tpu.memory_space<vmem>>)
    %dma_start3A_241 = arith.constant 3 : i32
    %dma_start3A_242 = arith.constant 0 : i32
    %dma_start3A_243 = tpu.memref_slice %arg7[%dma_start3A_241, %dma_start3A_242] : memref<4x64xi32, #tpu.memory_space<vmem>> -> memref<1x64xi32, #tpu.memory_space<vmem>>
    %dma_start3A_244 = tpu.memref_squeeze %dma_start3A_243 : memref<1x64xi32, #tpu.memory_space<vmem>> -> memref<64xi32, #tpu.memory_space<vmem>>
    %dma_start3A_245 = arith.constant 0 : i32
    %dma_start3A_246 = arith.constant 0 : i32
    %dma_start3A_247 = tpu.memref_slice %arg6[%dma_start3A_245, %dma_start3A_246] : memref<1536x128xi32, #tpu.memory_space<hbm>> -> memref<1536x128xi32, #tpu.memory_space<hbm>>
    tpu.enqueue_indirect_dma source(%arg9 : memref<64x128xi32, #tpu.memory_space<vmem>>) target(%dma_start3A_247 : memref<1536x128xi32, #tpu.memory_space<hbm>>) offsets(%dma_start3A_244 : memref<64xi32, #tpu.memory_space<vmem>>) semaphore(%arg13 : memref<!tpu.dma_semaphore, #tpu.memory_space<semaphore_mem>>)
    %dma_wait3A_248 = arith.constant 3 : i32
    %dma_wait3A_249 = arith.constant 0 : i32
    %dma_wait3A_250 = tpu.memref_slice %arg7[%dma_wait3A_248, %dma_wait3A_249] : memref<4x64xi32, #tpu.memory_space<vmem>> -> memref<1x64xi32, #tpu.memory_space<vmem>>
    %dma_wait3A_251 = tpu.memref_squeeze %dma_wait3A_250 : memref<1x64xi32, #tpu.memory_space<vmem>> -> memref<64xi32, #tpu.memory_space<vmem>>
    %dma_wait3A_252 = arith.constant 0 : i32
    %dma_wait3A_253 = arith.constant 0 : i32
    %dma_wait3A_254 = tpu.memref_slice %arg6[%dma_wait3A_252, %dma_wait3A_253] : memref<1536x128xi32, #tpu.memory_space<hbm>> -> memref<1536x128xi32, #tpu.memory_space<hbm>>
    tpu.wait_indirect_dma semaphore(%arg13 : memref<!tpu.dma_semaphore, #tpu.memory_space<semaphore_mem>>) src(%arg9 : memref<64x128xi32, #tpu.memory_space<vmem>>) dst(%dma_wait3A_254 : memref<1536x128xi32, #tpu.memory_space<hbm>>)
    return
  }
}

#map = affine_map<(d0, d1) -> (0, 0, 0)>
#map1 = affine_map<(d0, d1) -> (0, 0)>
module attributes {stable_mosaic.version = 14 : i64} {
  func.func @mover(%arg0: i32, %arg1: i32, %arg2: memref<32x3x16xi32, #tpu.memory_space<hbm>>, %arg3: memref<32x3x16xi32, #tpu.memory_space<hbm>>, %arg4: memref<8192x1024xf32, #tpu.memory_space<hbm>>, %arg5: memref<20608x1024xf32, #tpu.memory_space<hbm>>, %arg6: memref<3x16xi32, #tpu.memory_space<vmem>>, %arg7: memref<3x16xi32, #tpu.memory_space<vmem>>, %arg8: memref<16x1024xf32, #tpu.memory_space<vmem>>, %arg9: memref<16x1024xf32, #tpu.memory_space<vmem>>, %arg10: memref<!tpu.dma_semaphore, #tpu.memory_space<semaphore_mem>>, %arg11: memref<!tpu.dma_semaphore, #tpu.memory_space<semaphore_mem>>, %arg12: memref<!tpu.dma_semaphore, #tpu.memory_space<semaphore_mem>>, %arg13: memref<!tpu.dma_semaphore, #tpu.memory_space<semaphore_mem>>) attributes {dimension_semantics = [#tpu.dimension_semantics<core_parallel>, #tpu.dimension_semantics<subcore_parallel>], iteration_bounds = array<i64: 2, 16>, scalar_prefetch = 0 : i64, scratch_operands = 8 : i64, tpu.core_type = #tpu.core_type<sc_vector_subcore>, window_params = [{transform_indices = #map}, {transform_indices = #map}, {transform_indices = #map1}, {transform_indices = #map1}]} {
    %mul3A = arith.constant 2 : i32
    %mul3A_0 = arith.muli %arg1, %mul3A : i32
    %add3A = arith.addi %mul3A_0, %arg0 : i32
    "tpu.region"() ({
      %run_scoped3A = tpu.sem_alloc : memref<!tpu.dma_semaphore, #tpu.memory_space<semaphore_mem>>
      %dma_start3A_83 = arith.constant 0 : i32
      %dma_start3A_84 = arith.constant 0 : i32
      %dma_start3A_85 = tpu.memref_slice %arg2[%add3A, %dma_start3A_83, %dma_start3A_84] : memref<32x3x16xi32, #tpu.memory_space<hbm>> -> memref<1x3x16xi32, #tpu.memory_space<hbm>>
      %dma_start3A_86 = tpu.memref_squeeze %dma_start3A_85 : memref<1x3x16xi32, #tpu.memory_space<hbm>> -> memref<3x16xi32, #tpu.memory_space<hbm>>
      %dma_start3A_87 = arith.constant 0 : i32
      %dma_start3A_88 = arith.constant 0 : i32
      %dma_start3A_89 = tpu.memref_slice %arg2[%add3A, %dma_start3A_87, %dma_start3A_88] : memref<32x3x16xi32, #tpu.memory_space<hbm>> -> memref<1x3x16xi32, #tpu.memory_space<hbm>>
      %dma_start3A_90 = tpu.memref_squeeze %dma_start3A_89 : memref<1x3x16xi32, #tpu.memory_space<hbm>> -> memref<3x16xi32, #tpu.memory_space<hbm>>
      tpu.enqueue_dma source(%dma_start3A_90 : memref<3x16xi32, #tpu.memory_space<hbm>>) target(%arg6 : memref<3x16xi32, #tpu.memory_space<vmem>>) target_semaphore(%run_scoped3A : memref<!tpu.dma_semaphore, #tpu.memory_space<semaphore_mem>>)
      %dma_wait3A_91 = arith.constant 0 : i32
      %dma_wait3A_92 = arith.constant 0 : i32
      %dma_wait3A_93 = tpu.memref_slice %arg2[%add3A, %dma_wait3A_91, %dma_wait3A_92] : memref<32x3x16xi32, #tpu.memory_space<hbm>> -> memref<1x3x16xi32, #tpu.memory_space<hbm>>
      %dma_wait3A_94 = tpu.memref_squeeze %dma_wait3A_93 : memref<1x3x16xi32, #tpu.memory_space<hbm>> -> memref<3x16xi32, #tpu.memory_space<hbm>>
      %dma_wait3A_95 = arith.constant 0 : i32
      %dma_wait3A_96 = arith.constant 0 : i32
      %dma_wait3A_97 = tpu.memref_slice %arg2[%add3A, %dma_wait3A_95, %dma_wait3A_96] : memref<32x3x16xi32, #tpu.memory_space<hbm>> -> memref<1x3x16xi32, #tpu.memory_space<hbm>>
      %dma_wait3A_98 = tpu.memref_squeeze %dma_wait3A_97 : memref<1x3x16xi32, #tpu.memory_space<hbm>> -> memref<3x16xi32, #tpu.memory_space<hbm>>
      tpu.wait_dma2 semaphore(%run_scoped3A : memref<!tpu.dma_semaphore, #tpu.memory_space<semaphore_mem>>) src(%dma_wait3A_98 : memref<3x16xi32, #tpu.memory_space<hbm>>) dst(%arg6 : memref<3x16xi32, #tpu.memory_space<vmem>>)
      tpu.yield
    }) : () -> ()
    "tpu.region"() ({
      %run_scoped3A = tpu.sem_alloc : memref<!tpu.dma_semaphore, #tpu.memory_space<semaphore_mem>>
      %dma_start3A_83 = arith.constant 0 : i32
      %dma_start3A_84 = arith.constant 0 : i32
      %dma_start3A_85 = tpu.memref_slice %arg3[%add3A, %dma_start3A_83, %dma_start3A_84] : memref<32x3x16xi32, #tpu.memory_space<hbm>> -> memref<1x3x16xi32, #tpu.memory_space<hbm>>
      %dma_start3A_86 = tpu.memref_squeeze %dma_start3A_85 : memref<1x3x16xi32, #tpu.memory_space<hbm>> -> memref<3x16xi32, #tpu.memory_space<hbm>>
      %dma_start3A_87 = arith.constant 0 : i32
      %dma_start3A_88 = arith.constant 0 : i32
      %dma_start3A_89 = tpu.memref_slice %arg3[%add3A, %dma_start3A_87, %dma_start3A_88] : memref<32x3x16xi32, #tpu.memory_space<hbm>> -> memref<1x3x16xi32, #tpu.memory_space<hbm>>
      %dma_start3A_90 = tpu.memref_squeeze %dma_start3A_89 : memref<1x3x16xi32, #tpu.memory_space<hbm>> -> memref<3x16xi32, #tpu.memory_space<hbm>>
      tpu.enqueue_dma source(%dma_start3A_90 : memref<3x16xi32, #tpu.memory_space<hbm>>) target(%arg7 : memref<3x16xi32, #tpu.memory_space<vmem>>) target_semaphore(%run_scoped3A : memref<!tpu.dma_semaphore, #tpu.memory_space<semaphore_mem>>)
      %dma_wait3A_91 = arith.constant 0 : i32
      %dma_wait3A_92 = arith.constant 0 : i32
      %dma_wait3A_93 = tpu.memref_slice %arg3[%add3A, %dma_wait3A_91, %dma_wait3A_92] : memref<32x3x16xi32, #tpu.memory_space<hbm>> -> memref<1x3x16xi32, #tpu.memory_space<hbm>>
      %dma_wait3A_94 = tpu.memref_squeeze %dma_wait3A_93 : memref<1x3x16xi32, #tpu.memory_space<hbm>> -> memref<3x16xi32, #tpu.memory_space<hbm>>
      %dma_wait3A_95 = arith.constant 0 : i32
      %dma_wait3A_96 = arith.constant 0 : i32
      %dma_wait3A_97 = tpu.memref_slice %arg3[%add3A, %dma_wait3A_95, %dma_wait3A_96] : memref<32x3x16xi32, #tpu.memory_space<hbm>> -> memref<1x3x16xi32, #tpu.memory_space<hbm>>
      %dma_wait3A_98 = tpu.memref_squeeze %dma_wait3A_97 : memref<1x3x16xi32, #tpu.memory_space<hbm>> -> memref<3x16xi32, #tpu.memory_space<hbm>>
      tpu.wait_dma2 semaphore(%run_scoped3A : memref<!tpu.dma_semaphore, #tpu.memory_space<semaphore_mem>>) src(%dma_wait3A_98 : memref<3x16xi32, #tpu.memory_space<hbm>>) dst(%arg7 : memref<3x16xi32, #tpu.memory_space<vmem>>)
      tpu.yield
    }) : () -> ()
    %dma_start3A = arith.constant 0 : i32
    %dma_start3A_1 = arith.constant 0 : i32
    %dma_start3A_2 = tpu.memref_slice %arg6[%dma_start3A, %dma_start3A_1] : memref<3x16xi32, #tpu.memory_space<vmem>> -> memref<1x16xi32, #tpu.memory_space<vmem>>
    %dma_start3A_3 = tpu.memref_squeeze %dma_start3A_2 : memref<1x16xi32, #tpu.memory_space<vmem>> -> memref<16xi32, #tpu.memory_space<vmem>>
    %dma_start3A_4 = arith.constant 0 : i32
    %dma_start3A_5 = arith.constant 0 : i32
    %dma_start3A_6 = tpu.memref_slice %arg4[%dma_start3A_4, %dma_start3A_5] : memref<8192x1024xf32, #tpu.memory_space<hbm>> -> memref<8192x1024xf32, #tpu.memory_space<hbm>>
    tpu.enqueue_indirect_dma source(%dma_start3A_6 : memref<8192x1024xf32, #tpu.memory_space<hbm>>) target(%arg8 : memref<16x1024xf32, #tpu.memory_space<vmem>>) offsets(%dma_start3A_3 : memref<16xi32, #tpu.memory_space<vmem>>) semaphore(%arg10 : memref<!tpu.dma_semaphore, #tpu.memory_space<semaphore_mem>>)
    %dma_start3A_7 = arith.constant 1 : i32
    %dma_start3A_8 = arith.constant 0 : i32
    %dma_start3A_9 = tpu.memref_slice %arg6[%dma_start3A_7, %dma_start3A_8] : memref<3x16xi32, #tpu.memory_space<vmem>> -> memref<1x16xi32, #tpu.memory_space<vmem>>
    %dma_start3A_10 = tpu.memref_squeeze %dma_start3A_9 : memref<1x16xi32, #tpu.memory_space<vmem>> -> memref<16xi32, #tpu.memory_space<vmem>>
    %dma_start3A_11 = arith.constant 0 : i32
    %dma_start3A_12 = arith.constant 0 : i32
    %dma_start3A_13 = tpu.memref_slice %arg4[%dma_start3A_11, %dma_start3A_12] : memref<8192x1024xf32, #tpu.memory_space<hbm>> -> memref<8192x1024xf32, #tpu.memory_space<hbm>>
    tpu.enqueue_indirect_dma source(%dma_start3A_13 : memref<8192x1024xf32, #tpu.memory_space<hbm>>) target(%arg9 : memref<16x1024xf32, #tpu.memory_space<vmem>>) offsets(%dma_start3A_10 : memref<16xi32, #tpu.memory_space<vmem>>) semaphore(%arg11 : memref<!tpu.dma_semaphore, #tpu.memory_space<semaphore_mem>>)
    %dma_wait3A = arith.constant 0 : i32
    %dma_wait3A_14 = arith.constant 0 : i32
    %dma_wait3A_15 = tpu.memref_slice %arg6[%dma_wait3A, %dma_wait3A_14] : memref<3x16xi32, #tpu.memory_space<vmem>> -> memref<1x16xi32, #tpu.memory_space<vmem>>
    %dma_wait3A_16 = tpu.memref_squeeze %dma_wait3A_15 : memref<1x16xi32, #tpu.memory_space<vmem>> -> memref<16xi32, #tpu.memory_space<vmem>>
    %dma_wait3A_17 = arith.constant 0 : i32
    %dma_wait3A_18 = arith.constant 0 : i32
    %dma_wait3A_19 = tpu.memref_slice %arg4[%dma_wait3A_17, %dma_wait3A_18] : memref<8192x1024xf32, #tpu.memory_space<hbm>> -> memref<8192x1024xf32, #tpu.memory_space<hbm>>
    tpu.wait_indirect_dma semaphore(%arg10 : memref<!tpu.dma_semaphore, #tpu.memory_space<semaphore_mem>>) src(%dma_wait3A_19 : memref<8192x1024xf32, #tpu.memory_space<hbm>>) dst(%arg8 : memref<16x1024xf32, #tpu.memory_space<vmem>>)
    %dma_start3A_20 = arith.constant 0 : i32
    %dma_start3A_21 = arith.constant 0 : i32
    %dma_start3A_22 = tpu.memref_slice %arg7[%dma_start3A_20, %dma_start3A_21] : memref<3x16xi32, #tpu.memory_space<vmem>> -> memref<1x16xi32, #tpu.memory_space<vmem>>
    %dma_start3A_23 = tpu.memref_squeeze %dma_start3A_22 : memref<1x16xi32, #tpu.memory_space<vmem>> -> memref<16xi32, #tpu.memory_space<vmem>>
    %dma_start3A_24 = arith.constant 0 : i32
    %dma_start3A_25 = arith.constant 0 : i32
    %dma_start3A_26 = tpu.memref_slice %arg5[%dma_start3A_24, %dma_start3A_25] : memref<20608x1024xf32, #tpu.memory_space<hbm>> -> memref<20608x1024xf32, #tpu.memory_space<hbm>>
    tpu.enqueue_indirect_dma source(%arg8 : memref<16x1024xf32, #tpu.memory_space<vmem>>) target(%dma_start3A_26 : memref<20608x1024xf32, #tpu.memory_space<hbm>>) offsets(%dma_start3A_23 : memref<16xi32, #tpu.memory_space<vmem>>) semaphore(%arg12 : memref<!tpu.dma_semaphore, #tpu.memory_space<semaphore_mem>>)
    %dma_wait3A_27 = arith.constant 0 : i32
    %dma_wait3A_28 = arith.constant 0 : i32
    %dma_wait3A_29 = tpu.memref_slice %arg7[%dma_wait3A_27, %dma_wait3A_28] : memref<3x16xi32, #tpu.memory_space<vmem>> -> memref<1x16xi32, #tpu.memory_space<vmem>>
    %dma_wait3A_30 = tpu.memref_squeeze %dma_wait3A_29 : memref<1x16xi32, #tpu.memory_space<vmem>> -> memref<16xi32, #tpu.memory_space<vmem>>
    %dma_wait3A_31 = arith.constant 0 : i32
    %dma_wait3A_32 = arith.constant 0 : i32
    %dma_wait3A_33 = tpu.memref_slice %arg5[%dma_wait3A_31, %dma_wait3A_32] : memref<20608x1024xf32, #tpu.memory_space<hbm>> -> memref<20608x1024xf32, #tpu.memory_space<hbm>>
    tpu.wait_indirect_dma semaphore(%arg12 : memref<!tpu.dma_semaphore, #tpu.memory_space<semaphore_mem>>) src(%arg8 : memref<16x1024xf32, #tpu.memory_space<vmem>>) dst(%dma_wait3A_33 : memref<20608x1024xf32, #tpu.memory_space<hbm>>)
    %dma_start3A_34 = arith.constant 2 : i32
    %dma_start3A_35 = arith.constant 0 : i32
    %dma_start3A_36 = tpu.memref_slice %arg6[%dma_start3A_34, %dma_start3A_35] : memref<3x16xi32, #tpu.memory_space<vmem>> -> memref<1x16xi32, #tpu.memory_space<vmem>>
    %dma_start3A_37 = tpu.memref_squeeze %dma_start3A_36 : memref<1x16xi32, #tpu.memory_space<vmem>> -> memref<16xi32, #tpu.memory_space<vmem>>
    %dma_start3A_38 = arith.constant 0 : i32
    %dma_start3A_39 = arith.constant 0 : i32
    %dma_start3A_40 = tpu.memref_slice %arg4[%dma_start3A_38, %dma_start3A_39] : memref<8192x1024xf32, #tpu.memory_space<hbm>> -> memref<8192x1024xf32, #tpu.memory_space<hbm>>
    tpu.enqueue_indirect_dma source(%dma_start3A_40 : memref<8192x1024xf32, #tpu.memory_space<hbm>>) target(%arg8 : memref<16x1024xf32, #tpu.memory_space<vmem>>) offsets(%dma_start3A_37 : memref<16xi32, #tpu.memory_space<vmem>>) semaphore(%arg10 : memref<!tpu.dma_semaphore, #tpu.memory_space<semaphore_mem>>)
    %dma_wait3A_41 = arith.constant 1 : i32
    %dma_wait3A_42 = arith.constant 0 : i32
    %dma_wait3A_43 = tpu.memref_slice %arg6[%dma_wait3A_41, %dma_wait3A_42] : memref<3x16xi32, #tpu.memory_space<vmem>> -> memref<1x16xi32, #tpu.memory_space<vmem>>
    %dma_wait3A_44 = tpu.memref_squeeze %dma_wait3A_43 : memref<1x16xi32, #tpu.memory_space<vmem>> -> memref<16xi32, #tpu.memory_space<vmem>>
    %dma_wait3A_45 = arith.constant 0 : i32
    %dma_wait3A_46 = arith.constant 0 : i32
    %dma_wait3A_47 = tpu.memref_slice %arg4[%dma_wait3A_45, %dma_wait3A_46] : memref<8192x1024xf32, #tpu.memory_space<hbm>> -> memref<8192x1024xf32, #tpu.memory_space<hbm>>
    tpu.wait_indirect_dma semaphore(%arg11 : memref<!tpu.dma_semaphore, #tpu.memory_space<semaphore_mem>>) src(%dma_wait3A_47 : memref<8192x1024xf32, #tpu.memory_space<hbm>>) dst(%arg9 : memref<16x1024xf32, #tpu.memory_space<vmem>>)
    %dma_start3A_48 = arith.constant 1 : i32
    %dma_start3A_49 = arith.constant 0 : i32
    %dma_start3A_50 = tpu.memref_slice %arg7[%dma_start3A_48, %dma_start3A_49] : memref<3x16xi32, #tpu.memory_space<vmem>> -> memref<1x16xi32, #tpu.memory_space<vmem>>
    %dma_start3A_51 = tpu.memref_squeeze %dma_start3A_50 : memref<1x16xi32, #tpu.memory_space<vmem>> -> memref<16xi32, #tpu.memory_space<vmem>>
    %dma_start3A_52 = arith.constant 0 : i32
    %dma_start3A_53 = arith.constant 0 : i32
    %dma_start3A_54 = tpu.memref_slice %arg5[%dma_start3A_52, %dma_start3A_53] : memref<20608x1024xf32, #tpu.memory_space<hbm>> -> memref<20608x1024xf32, #tpu.memory_space<hbm>>
    tpu.enqueue_indirect_dma source(%arg9 : memref<16x1024xf32, #tpu.memory_space<vmem>>) target(%dma_start3A_54 : memref<20608x1024xf32, #tpu.memory_space<hbm>>) offsets(%dma_start3A_51 : memref<16xi32, #tpu.memory_space<vmem>>) semaphore(%arg13 : memref<!tpu.dma_semaphore, #tpu.memory_space<semaphore_mem>>)
    %dma_wait3A_55 = arith.constant 1 : i32
    %dma_wait3A_56 = arith.constant 0 : i32
    %dma_wait3A_57 = tpu.memref_slice %arg7[%dma_wait3A_55, %dma_wait3A_56] : memref<3x16xi32, #tpu.memory_space<vmem>> -> memref<1x16xi32, #tpu.memory_space<vmem>>
    %dma_wait3A_58 = tpu.memref_squeeze %dma_wait3A_57 : memref<1x16xi32, #tpu.memory_space<vmem>> -> memref<16xi32, #tpu.memory_space<vmem>>
    %dma_wait3A_59 = arith.constant 0 : i32
    %dma_wait3A_60 = arith.constant 0 : i32
    %dma_wait3A_61 = tpu.memref_slice %arg5[%dma_wait3A_59, %dma_wait3A_60] : memref<20608x1024xf32, #tpu.memory_space<hbm>> -> memref<20608x1024xf32, #tpu.memory_space<hbm>>
    tpu.wait_indirect_dma semaphore(%arg13 : memref<!tpu.dma_semaphore, #tpu.memory_space<semaphore_mem>>) src(%arg9 : memref<16x1024xf32, #tpu.memory_space<vmem>>) dst(%dma_wait3A_61 : memref<20608x1024xf32, #tpu.memory_space<hbm>>)
    %dma_wait3A_62 = arith.constant 2 : i32
    %dma_wait3A_63 = arith.constant 0 : i32
    %dma_wait3A_64 = tpu.memref_slice %arg6[%dma_wait3A_62, %dma_wait3A_63] : memref<3x16xi32, #tpu.memory_space<vmem>> -> memref<1x16xi32, #tpu.memory_space<vmem>>
    %dma_wait3A_65 = tpu.memref_squeeze %dma_wait3A_64 : memref<1x16xi32, #tpu.memory_space<vmem>> -> memref<16xi32, #tpu.memory_space<vmem>>
    %dma_wait3A_66 = arith.constant 0 : i32
    %dma_wait3A_67 = arith.constant 0 : i32
    %dma_wait3A_68 = tpu.memref_slice %arg4[%dma_wait3A_66, %dma_wait3A_67] : memref<8192x1024xf32, #tpu.memory_space<hbm>> -> memref<8192x1024xf32, #tpu.memory_space<hbm>>
    tpu.wait_indirect_dma semaphore(%arg10 : memref<!tpu.dma_semaphore, #tpu.memory_space<semaphore_mem>>) src(%dma_wait3A_68 : memref<8192x1024xf32, #tpu.memory_space<hbm>>) dst(%arg8 : memref<16x1024xf32, #tpu.memory_space<vmem>>)
    %dma_start3A_69 = arith.constant 2 : i32
    %dma_start3A_70 = arith.constant 0 : i32
    %dma_start3A_71 = tpu.memref_slice %arg7[%dma_start3A_69, %dma_start3A_70] : memref<3x16xi32, #tpu.memory_space<vmem>> -> memref<1x16xi32, #tpu.memory_space<vmem>>
    %dma_start3A_72 = tpu.memref_squeeze %dma_start3A_71 : memref<1x16xi32, #tpu.memory_space<vmem>> -> memref<16xi32, #tpu.memory_space<vmem>>
    %dma_start3A_73 = arith.constant 0 : i32
    %dma_start3A_74 = arith.constant 0 : i32
    %dma_start3A_75 = tpu.memref_slice %arg5[%dma_start3A_73, %dma_start3A_74] : memref<20608x1024xf32, #tpu.memory_space<hbm>> -> memref<20608x1024xf32, #tpu.memory_space<hbm>>
    tpu.enqueue_indirect_dma source(%arg8 : memref<16x1024xf32, #tpu.memory_space<vmem>>) target(%dma_start3A_75 : memref<20608x1024xf32, #tpu.memory_space<hbm>>) offsets(%dma_start3A_72 : memref<16xi32, #tpu.memory_space<vmem>>) semaphore(%arg12 : memref<!tpu.dma_semaphore, #tpu.memory_space<semaphore_mem>>)
    %dma_wait3A_76 = arith.constant 2 : i32
    %dma_wait3A_77 = arith.constant 0 : i32
    %dma_wait3A_78 = tpu.memref_slice %arg7[%dma_wait3A_76, %dma_wait3A_77] : memref<3x16xi32, #tpu.memory_space<vmem>> -> memref<1x16xi32, #tpu.memory_space<vmem>>
    %dma_wait3A_79 = tpu.memref_squeeze %dma_wait3A_78 : memref<1x16xi32, #tpu.memory_space<vmem>> -> memref<16xi32, #tpu.memory_space<vmem>>
    %dma_wait3A_80 = arith.constant 0 : i32
    %dma_wait3A_81 = arith.constant 0 : i32
    %dma_wait3A_82 = tpu.memref_slice %arg5[%dma_wait3A_80, %dma_wait3A_81] : memref<20608x1024xf32, #tpu.memory_space<hbm>> -> memref<20608x1024xf32, #tpu.memory_space<hbm>>
    tpu.wait_indirect_dma semaphore(%arg12 : memref<!tpu.dma_semaphore, #tpu.memory_space<semaphore_mem>>) src(%arg8 : memref<16x1024xf32, #tpu.memory_space<vmem>>) dst(%dma_wait3A_82 : memref<20608x1024xf32, #tpu.memory_space<hbm>>)
    return
  }
}

#map = affine_map<(d0, d1) -> (0, 0, 0)>
#map1 = affine_map<(d0, d1) -> (0, 0)>
module attributes {stable_mosaic.version = 14 : i64} {
  func.func @mover(%arg0: i32, %arg1: i32, %arg2: memref<32x3x16xi32, #tpu.memory_space<hbm>>, %arg3: memref<32x3x16xi32, #tpu.memory_space<hbm>>, %arg4: memref<20608x1024xf32, #tpu.memory_space<hbm>>, %arg5: memref<18432x1024xf32, #tpu.memory_space<hbm>>, %arg6: memref<3x16xi32, #tpu.memory_space<vmem>>, %arg7: memref<3x16xi32, #tpu.memory_space<vmem>>, %arg8: memref<16x1024xf32, #tpu.memory_space<vmem>>, %arg9: memref<16x1024xf32, #tpu.memory_space<vmem>>, %arg10: memref<!tpu.dma_semaphore, #tpu.memory_space<semaphore_mem>>, %arg11: memref<!tpu.dma_semaphore, #tpu.memory_space<semaphore_mem>>, %arg12: memref<!tpu.dma_semaphore, #tpu.memory_space<semaphore_mem>>, %arg13: memref<!tpu.dma_semaphore, #tpu.memory_space<semaphore_mem>>) attributes {dimension_semantics = [#tpu.dimension_semantics<core_parallel>, #tpu.dimension_semantics<subcore_parallel>], iteration_bounds = array<i64: 2, 16>, scalar_prefetch = 0 : i64, scratch_operands = 8 : i64, tpu.core_type = #tpu.core_type<sc_vector_subcore>, window_params = [{transform_indices = #map}, {transform_indices = #map}, {transform_indices = #map1}, {transform_indices = #map1}]} {
    %mul3A = arith.constant 2 : i32
    %mul3A_0 = arith.muli %arg1, %mul3A : i32
    %add3A = arith.addi %mul3A_0, %arg0 : i32
    "tpu.region"() ({
      %run_scoped3A = tpu.sem_alloc : memref<!tpu.dma_semaphore, #tpu.memory_space<semaphore_mem>>
      %dma_start3A_83 = arith.constant 0 : i32
      %dma_start3A_84 = arith.constant 0 : i32
      %dma_start3A_85 = tpu.memref_slice %arg2[%add3A, %dma_start3A_83, %dma_start3A_84] : memref<32x3x16xi32, #tpu.memory_space<hbm>> -> memref<1x3x16xi32, #tpu.memory_space<hbm>>
      %dma_start3A_86 = tpu.memref_squeeze %dma_start3A_85 : memref<1x3x16xi32, #tpu.memory_space<hbm>> -> memref<3x16xi32, #tpu.memory_space<hbm>>
      %dma_start3A_87 = arith.constant 0 : i32
      %dma_start3A_88 = arith.constant 0 : i32
      %dma_start3A_89 = tpu.memref_slice %arg2[%add3A, %dma_start3A_87, %dma_start3A_88] : memref<32x3x16xi32, #tpu.memory_space<hbm>> -> memref<1x3x16xi32, #tpu.memory_space<hbm>>
      %dma_start3A_90 = tpu.memref_squeeze %dma_start3A_89 : memref<1x3x16xi32, #tpu.memory_space<hbm>> -> memref<3x16xi32, #tpu.memory_space<hbm>>
      tpu.enqueue_dma source(%dma_start3A_90 : memref<3x16xi32, #tpu.memory_space<hbm>>) target(%arg6 : memref<3x16xi32, #tpu.memory_space<vmem>>) target_semaphore(%run_scoped3A : memref<!tpu.dma_semaphore, #tpu.memory_space<semaphore_mem>>)
      %dma_wait3A_91 = arith.constant 0 : i32
      %dma_wait3A_92 = arith.constant 0 : i32
      %dma_wait3A_93 = tpu.memref_slice %arg2[%add3A, %dma_wait3A_91, %dma_wait3A_92] : memref<32x3x16xi32, #tpu.memory_space<hbm>> -> memref<1x3x16xi32, #tpu.memory_space<hbm>>
      %dma_wait3A_94 = tpu.memref_squeeze %dma_wait3A_93 : memref<1x3x16xi32, #tpu.memory_space<hbm>> -> memref<3x16xi32, #tpu.memory_space<hbm>>
      %dma_wait3A_95 = arith.constant 0 : i32
      %dma_wait3A_96 = arith.constant 0 : i32
      %dma_wait3A_97 = tpu.memref_slice %arg2[%add3A, %dma_wait3A_95, %dma_wait3A_96] : memref<32x3x16xi32, #tpu.memory_space<hbm>> -> memref<1x3x16xi32, #tpu.memory_space<hbm>>
      %dma_wait3A_98 = tpu.memref_squeeze %dma_wait3A_97 : memref<1x3x16xi32, #tpu.memory_space<hbm>> -> memref<3x16xi32, #tpu.memory_space<hbm>>
      tpu.wait_dma2 semaphore(%run_scoped3A : memref<!tpu.dma_semaphore, #tpu.memory_space<semaphore_mem>>) src(%dma_wait3A_98 : memref<3x16xi32, #tpu.memory_space<hbm>>) dst(%arg6 : memref<3x16xi32, #tpu.memory_space<vmem>>)
      tpu.yield
    }) : () -> ()
    "tpu.region"() ({
      %run_scoped3A = tpu.sem_alloc : memref<!tpu.dma_semaphore, #tpu.memory_space<semaphore_mem>>
      %dma_start3A_83 = arith.constant 0 : i32
      %dma_start3A_84 = arith.constant 0 : i32
      %dma_start3A_85 = tpu.memref_slice %arg3[%add3A, %dma_start3A_83, %dma_start3A_84] : memref<32x3x16xi32, #tpu.memory_space<hbm>> -> memref<1x3x16xi32, #tpu.memory_space<hbm>>
      %dma_start3A_86 = tpu.memref_squeeze %dma_start3A_85 : memref<1x3x16xi32, #tpu.memory_space<hbm>> -> memref<3x16xi32, #tpu.memory_space<hbm>>
      %dma_start3A_87 = arith.constant 0 : i32
      %dma_start3A_88 = arith.constant 0 : i32
      %dma_start3A_89 = tpu.memref_slice %arg3[%add3A, %dma_start3A_87, %dma_start3A_88] : memref<32x3x16xi32, #tpu.memory_space<hbm>> -> memref<1x3x16xi32, #tpu.memory_space<hbm>>
      %dma_start3A_90 = tpu.memref_squeeze %dma_start3A_89 : memref<1x3x16xi32, #tpu.memory_space<hbm>> -> memref<3x16xi32, #tpu.memory_space<hbm>>
      tpu.enqueue_dma source(%dma_start3A_90 : memref<3x16xi32, #tpu.memory_space<hbm>>) target(%arg7 : memref<3x16xi32, #tpu.memory_space<vmem>>) target_semaphore(%run_scoped3A : memref<!tpu.dma_semaphore, #tpu.memory_space<semaphore_mem>>)
      %dma_wait3A_91 = arith.constant 0 : i32
      %dma_wait3A_92 = arith.constant 0 : i32
      %dma_wait3A_93 = tpu.memref_slice %arg3[%add3A, %dma_wait3A_91, %dma_wait3A_92] : memref<32x3x16xi32, #tpu.memory_space<hbm>> -> memref<1x3x16xi32, #tpu.memory_space<hbm>>
      %dma_wait3A_94 = tpu.memref_squeeze %dma_wait3A_93 : memref<1x3x16xi32, #tpu.memory_space<hbm>> -> memref<3x16xi32, #tpu.memory_space<hbm>>
      %dma_wait3A_95 = arith.constant 0 : i32
      %dma_wait3A_96 = arith.constant 0 : i32
      %dma_wait3A_97 = tpu.memref_slice %arg3[%add3A, %dma_wait3A_95, %dma_wait3A_96] : memref<32x3x16xi32, #tpu.memory_space<hbm>> -> memref<1x3x16xi32, #tpu.memory_space<hbm>>
      %dma_wait3A_98 = tpu.memref_squeeze %dma_wait3A_97 : memref<1x3x16xi32, #tpu.memory_space<hbm>> -> memref<3x16xi32, #tpu.memory_space<hbm>>
      tpu.wait_dma2 semaphore(%run_scoped3A : memref<!tpu.dma_semaphore, #tpu.memory_space<semaphore_mem>>) src(%dma_wait3A_98 : memref<3x16xi32, #tpu.memory_space<hbm>>) dst(%arg7 : memref<3x16xi32, #tpu.memory_space<vmem>>)
      tpu.yield
    }) : () -> ()
    %dma_start3A = arith.constant 0 : i32
    %dma_start3A_1 = arith.constant 0 : i32
    %dma_start3A_2 = tpu.memref_slice %arg6[%dma_start3A, %dma_start3A_1] : memref<3x16xi32, #tpu.memory_space<vmem>> -> memref<1x16xi32, #tpu.memory_space<vmem>>
    %dma_start3A_3 = tpu.memref_squeeze %dma_start3A_2 : memref<1x16xi32, #tpu.memory_space<vmem>> -> memref<16xi32, #tpu.memory_space<vmem>>
    %dma_start3A_4 = arith.constant 0 : i32
    %dma_start3A_5 = arith.constant 0 : i32
    %dma_start3A_6 = tpu.memref_slice %arg4[%dma_start3A_4, %dma_start3A_5] : memref<20608x1024xf32, #tpu.memory_space<hbm>> -> memref<20608x1024xf32, #tpu.memory_space<hbm>>
    tpu.enqueue_indirect_dma source(%dma_start3A_6 : memref<20608x1024xf32, #tpu.memory_space<hbm>>) target(%arg8 : memref<16x1024xf32, #tpu.memory_space<vmem>>) offsets(%dma_start3A_3 : memref<16xi32, #tpu.memory_space<vmem>>) semaphore(%arg10 : memref<!tpu.dma_semaphore, #tpu.memory_space<semaphore_mem>>)
    %dma_start3A_7 = arith.constant 1 : i32
    %dma_start3A_8 = arith.constant 0 : i32
    %dma_start3A_9 = tpu.memref_slice %arg6[%dma_start3A_7, %dma_start3A_8] : memref<3x16xi32, #tpu.memory_space<vmem>> -> memref<1x16xi32, #tpu.memory_space<vmem>>
    %dma_start3A_10 = tpu.memref_squeeze %dma_start3A_9 : memref<1x16xi32, #tpu.memory_space<vmem>> -> memref<16xi32, #tpu.memory_space<vmem>>
    %dma_start3A_11 = arith.constant 0 : i32
    %dma_start3A_12 = arith.constant 0 : i32
    %dma_start3A_13 = tpu.memref_slice %arg4[%dma_start3A_11, %dma_start3A_12] : memref<20608x1024xf32, #tpu.memory_space<hbm>> -> memref<20608x1024xf32, #tpu.memory_space<hbm>>
    tpu.enqueue_indirect_dma source(%dma_start3A_13 : memref<20608x1024xf32, #tpu.memory_space<hbm>>) target(%arg9 : memref<16x1024xf32, #tpu.memory_space<vmem>>) offsets(%dma_start3A_10 : memref<16xi32, #tpu.memory_space<vmem>>) semaphore(%arg11 : memref<!tpu.dma_semaphore, #tpu.memory_space<semaphore_mem>>)
    %dma_wait3A = arith.constant 0 : i32
    %dma_wait3A_14 = arith.constant 0 : i32
    %dma_wait3A_15 = tpu.memref_slice %arg6[%dma_wait3A, %dma_wait3A_14] : memref<3x16xi32, #tpu.memory_space<vmem>> -> memref<1x16xi32, #tpu.memory_space<vmem>>
    %dma_wait3A_16 = tpu.memref_squeeze %dma_wait3A_15 : memref<1x16xi32, #tpu.memory_space<vmem>> -> memref<16xi32, #tpu.memory_space<vmem>>
    %dma_wait3A_17 = arith.constant 0 : i32
    %dma_wait3A_18 = arith.constant 0 : i32
    %dma_wait3A_19 = tpu.memref_slice %arg4[%dma_wait3A_17, %dma_wait3A_18] : memref<20608x1024xf32, #tpu.memory_space<hbm>> -> memref<20608x1024xf32, #tpu.memory_space<hbm>>
    tpu.wait_indirect_dma semaphore(%arg10 : memref<!tpu.dma_semaphore, #tpu.memory_space<semaphore_mem>>) src(%dma_wait3A_19 : memref<20608x1024xf32, #tpu.memory_space<hbm>>) dst(%arg8 : memref<16x1024xf32, #tpu.memory_space<vmem>>)
    %dma_start3A_20 = arith.constant 0 : i32
    %dma_start3A_21 = arith.constant 0 : i32
    %dma_start3A_22 = tpu.memref_slice %arg7[%dma_start3A_20, %dma_start3A_21] : memref<3x16xi32, #tpu.memory_space<vmem>> -> memref<1x16xi32, #tpu.memory_space<vmem>>
    %dma_start3A_23 = tpu.memref_squeeze %dma_start3A_22 : memref<1x16xi32, #tpu.memory_space<vmem>> -> memref<16xi32, #tpu.memory_space<vmem>>
    %dma_start3A_24 = arith.constant 0 : i32
    %dma_start3A_25 = arith.constant 0 : i32
    %dma_start3A_26 = tpu.memref_slice %arg5[%dma_start3A_24, %dma_start3A_25] : memref<18432x1024xf32, #tpu.memory_space<hbm>> -> memref<18432x1024xf32, #tpu.memory_space<hbm>>
    tpu.enqueue_indirect_dma source(%arg8 : memref<16x1024xf32, #tpu.memory_space<vmem>>) target(%dma_start3A_26 : memref<18432x1024xf32, #tpu.memory_space<hbm>>) offsets(%dma_start3A_23 : memref<16xi32, #tpu.memory_space<vmem>>) semaphore(%arg12 : memref<!tpu.dma_semaphore, #tpu.memory_space<semaphore_mem>>)
    %dma_wait3A_27 = arith.constant 0 : i32
    %dma_wait3A_28 = arith.constant 0 : i32
    %dma_wait3A_29 = tpu.memref_slice %arg7[%dma_wait3A_27, %dma_wait3A_28] : memref<3x16xi32, #tpu.memory_space<vmem>> -> memref<1x16xi32, #tpu.memory_space<vmem>>
    %dma_wait3A_30 = tpu.memref_squeeze %dma_wait3A_29 : memref<1x16xi32, #tpu.memory_space<vmem>> -> memref<16xi32, #tpu.memory_space<vmem>>
    %dma_wait3A_31 = arith.constant 0 : i32
    %dma_wait3A_32 = arith.constant 0 : i32
    %dma_wait3A_33 = tpu.memref_slice %arg5[%dma_wait3A_31, %dma_wait3A_32] : memref<18432x1024xf32, #tpu.memory_space<hbm>> -> memref<18432x1024xf32, #tpu.memory_space<hbm>>
    tpu.wait_indirect_dma semaphore(%arg12 : memref<!tpu.dma_semaphore, #tpu.memory_space<semaphore_mem>>) src(%arg8 : memref<16x1024xf32, #tpu.memory_space<vmem>>) dst(%dma_wait3A_33 : memref<18432x1024xf32, #tpu.memory_space<hbm>>)
    %dma_start3A_34 = arith.constant 2 : i32
    %dma_start3A_35 = arith.constant 0 : i32
    %dma_start3A_36 = tpu.memref_slice %arg6[%dma_start3A_34, %dma_start3A_35] : memref<3x16xi32, #tpu.memory_space<vmem>> -> memref<1x16xi32, #tpu.memory_space<vmem>>
    %dma_start3A_37 = tpu.memref_squeeze %dma_start3A_36 : memref<1x16xi32, #tpu.memory_space<vmem>> -> memref<16xi32, #tpu.memory_space<vmem>>
    %dma_start3A_38 = arith.constant 0 : i32
    %dma_start3A_39 = arith.constant 0 : i32
    %dma_start3A_40 = tpu.memref_slice %arg4[%dma_start3A_38, %dma_start3A_39] : memref<20608x1024xf32, #tpu.memory_space<hbm>> -> memref<20608x1024xf32, #tpu.memory_space<hbm>>
    tpu.enqueue_indirect_dma source(%dma_start3A_40 : memref<20608x1024xf32, #tpu.memory_space<hbm>>) target(%arg8 : memref<16x1024xf32, #tpu.memory_space<vmem>>) offsets(%dma_start3A_37 : memref<16xi32, #tpu.memory_space<vmem>>) semaphore(%arg10 : memref<!tpu.dma_semaphore, #tpu.memory_space<semaphore_mem>>)
    %dma_wait3A_41 = arith.constant 1 : i32
    %dma_wait3A_42 = arith.constant 0 : i32
    %dma_wait3A_43 = tpu.memref_slice %arg6[%dma_wait3A_41, %dma_wait3A_42] : memref<3x16xi32, #tpu.memory_space<vmem>> -> memref<1x16xi32, #tpu.memory_space<vmem>>
    %dma_wait3A_44 = tpu.memref_squeeze %dma_wait3A_43 : memref<1x16xi32, #tpu.memory_space<vmem>> -> memref<16xi32, #tpu.memory_space<vmem>>
    %dma_wait3A_45 = arith.constant 0 : i32
    %dma_wait3A_46 = arith.constant 0 : i32
    %dma_wait3A_47 = tpu.memref_slice %arg4[%dma_wait3A_45, %dma_wait3A_46] : memref<20608x1024xf32, #tpu.memory_space<hbm>> -> memref<20608x1024xf32, #tpu.memory_space<hbm>>
    tpu.wait_indirect_dma semaphore(%arg11 : memref<!tpu.dma_semaphore, #tpu.memory_space<semaphore_mem>>) src(%dma_wait3A_47 : memref<20608x1024xf32, #tpu.memory_space<hbm>>) dst(%arg9 : memref<16x1024xf32, #tpu.memory_space<vmem>>)
    %dma_start3A_48 = arith.constant 1 : i32
    %dma_start3A_49 = arith.constant 0 : i32
    %dma_start3A_50 = tpu.memref_slice %arg7[%dma_start3A_48, %dma_start3A_49] : memref<3x16xi32, #tpu.memory_space<vmem>> -> memref<1x16xi32, #tpu.memory_space<vmem>>
    %dma_start3A_51 = tpu.memref_squeeze %dma_start3A_50 : memref<1x16xi32, #tpu.memory_space<vmem>> -> memref<16xi32, #tpu.memory_space<vmem>>
    %dma_start3A_52 = arith.constant 0 : i32
    %dma_start3A_53 = arith.constant 0 : i32
    %dma_start3A_54 = tpu.memref_slice %arg5[%dma_start3A_52, %dma_start3A_53] : memref<18432x1024xf32, #tpu.memory_space<hbm>> -> memref<18432x1024xf32, #tpu.memory_space<hbm>>
    tpu.enqueue_indirect_dma source(%arg9 : memref<16x1024xf32, #tpu.memory_space<vmem>>) target(%dma_start3A_54 : memref<18432x1024xf32, #tpu.memory_space<hbm>>) offsets(%dma_start3A_51 : memref<16xi32, #tpu.memory_space<vmem>>) semaphore(%arg13 : memref<!tpu.dma_semaphore, #tpu.memory_space<semaphore_mem>>)
    %dma_wait3A_55 = arith.constant 1 : i32
    %dma_wait3A_56 = arith.constant 0 : i32
    %dma_wait3A_57 = tpu.memref_slice %arg7[%dma_wait3A_55, %dma_wait3A_56] : memref<3x16xi32, #tpu.memory_space<vmem>> -> memref<1x16xi32, #tpu.memory_space<vmem>>
    %dma_wait3A_58 = tpu.memref_squeeze %dma_wait3A_57 : memref<1x16xi32, #tpu.memory_space<vmem>> -> memref<16xi32, #tpu.memory_space<vmem>>
    %dma_wait3A_59 = arith.constant 0 : i32
    %dma_wait3A_60 = arith.constant 0 : i32
    %dma_wait3A_61 = tpu.memref_slice %arg5[%dma_wait3A_59, %dma_wait3A_60] : memref<18432x1024xf32, #tpu.memory_space<hbm>> -> memref<18432x1024xf32, #tpu.memory_space<hbm>>
    tpu.wait_indirect_dma semaphore(%arg13 : memref<!tpu.dma_semaphore, #tpu.memory_space<semaphore_mem>>) src(%arg9 : memref<16x1024xf32, #tpu.memory_space<vmem>>) dst(%dma_wait3A_61 : memref<18432x1024xf32, #tpu.memory_space<hbm>>)
    %dma_wait3A_62 = arith.constant 2 : i32
    %dma_wait3A_63 = arith.constant 0 : i32
    %dma_wait3A_64 = tpu.memref_slice %arg6[%dma_wait3A_62, %dma_wait3A_63] : memref<3x16xi32, #tpu.memory_space<vmem>> -> memref<1x16xi32, #tpu.memory_space<vmem>>
    %dma_wait3A_65 = tpu.memref_squeeze %dma_wait3A_64 : memref<1x16xi32, #tpu.memory_space<vmem>> -> memref<16xi32, #tpu.memory_space<vmem>>
    %dma_wait3A_66 = arith.constant 0 : i32
    %dma_wait3A_67 = arith.constant 0 : i32
    %dma_wait3A_68 = tpu.memref_slice %arg4[%dma_wait3A_66, %dma_wait3A_67] : memref<20608x1024xf32, #tpu.memory_space<hbm>> -> memref<20608x1024xf32, #tpu.memory_space<hbm>>
    tpu.wait_indirect_dma semaphore(%arg10 : memref<!tpu.dma_semaphore, #tpu.memory_space<semaphore_mem>>) src(%dma_wait3A_68 : memref<20608x1024xf32, #tpu.memory_space<hbm>>) dst(%arg8 : memref<16x1024xf32, #tpu.memory_space<vmem>>)
    %dma_start3A_69 = arith.constant 2 : i32
    %dma_start3A_70 = arith.constant 0 : i32
    %dma_start3A_71 = tpu.memref_slice %arg7[%dma_start3A_69, %dma_start3A_70] : memref<3x16xi32, #tpu.memory_space<vmem>> -> memref<1x16xi32, #tpu.memory_space<vmem>>
    %dma_start3A_72 = tpu.memref_squeeze %dma_start3A_71 : memref<1x16xi32, #tpu.memory_space<vmem>> -> memref<16xi32, #tpu.memory_space<vmem>>
    %dma_start3A_73 = arith.constant 0 : i32
    %dma_start3A_74 = arith.constant 0 : i32
    %dma_start3A_75 = tpu.memref_slice %arg5[%dma_start3A_73, %dma_start3A_74] : memref<18432x1024xf32, #tpu.memory_space<hbm>> -> memref<18432x1024xf32, #tpu.memory_space<hbm>>
    tpu.enqueue_indirect_dma source(%arg8 : memref<16x1024xf32, #tpu.memory_space<vmem>>) target(%dma_start3A_75 : memref<18432x1024xf32, #tpu.memory_space<hbm>>) offsets(%dma_start3A_72 : memref<16xi32, #tpu.memory_space<vmem>>) semaphore(%arg12 : memref<!tpu.dma_semaphore, #tpu.memory_space<semaphore_mem>>)
    %dma_wait3A_76 = arith.constant 2 : i32
    %dma_wait3A_77 = arith.constant 0 : i32
    %dma_wait3A_78 = tpu.memref_slice %arg7[%dma_wait3A_76, %dma_wait3A_77] : memref<3x16xi32, #tpu.memory_space<vmem>> -> memref<1x16xi32, #tpu.memory_space<vmem>>
    %dma_wait3A_79 = tpu.memref_squeeze %dma_wait3A_78 : memref<1x16xi32, #tpu.memory_space<vmem>> -> memref<16xi32, #tpu.memory_space<vmem>>
    %dma_wait3A_80 = arith.constant 0 : i32
    %dma_wait3A_81 = arith.constant 0 : i32
    %dma_wait3A_82 = tpu.memref_slice %arg5[%dma_wait3A_80, %dma_wait3A_81] : memref<18432x1024xf32, #tpu.memory_space<hbm>> -> memref<18432x1024xf32, #tpu.memory_space<hbm>>
    tpu.wait_indirect_dma semaphore(%arg12 : memref<!tpu.dma_semaphore, #tpu.memory_space<semaphore_mem>>) src(%arg8 : memref<16x1024xf32, #tpu.memory_space<vmem>>) dst(%dma_wait3A_82 : memref<18432x1024xf32, #tpu.memory_space<hbm>>)
    return
  }
}

module attributes {stable_mosaic.version = 14 : i64} {
  func.func @_router_body(%arg0: i32, %arg1: memref<1024x1024xf32, #tpu.memory_space<vmem>>, %arg2: memref<1024x16xf32, #tpu.memory_space<vmem>>, %arg3: memref<1024x1024xbf16, #tpu.memory_space<vmem>>, %arg4: memref<1x1024x1xi32, #tpu.memory_space<vmem>>, %arg5: memref<1x1024x1xi32, #tpu.memory_space<vmem>>, %arg6: memref<1x1024x1xf32, #tpu.memory_space<vmem>>, %arg7: memref<1x1024x1xf32, #tpu.memory_space<vmem>>, %arg8: memref<1x1024x1xf32, #tpu.memory_space<vmem>>, %arg9: memref<1x1024x1xf32, #tpu.memory_space<vmem>>, %arg10: memref<8x128xf32, #tpu.memory_space<vmem>>, %arg11: memref<8x128xf32, #tpu.memory_space<vmem>>) attributes {dimension_semantics = [#tpu.dimension_semantics<arbitrary>], iteration_bounds = array<i64: 8>, scalar_prefetch = 0 : i64, scratch_operands = 1 : i64, tpu.core_type = #tpu.core_type<tc>, window_params = [{transform_indices = @transform_0, window_bounds = array<i64: 1024, 1024>}, {pipeline_mode = #tpu.pipeline_mode<synchronous>, transform_indices = @transform_1, window_bounds = array<i64: 1024, 16>}, {pipeline_mode = #tpu.pipeline_mode<synchronous>, transform_indices = @transform_2, window_bounds = array<i64: 1024, 1024>}, {transform_indices = @transform_3, window_bounds = array<i64: 1, 1024, 1>}, {transform_indices = @transform_4, window_bounds = array<i64: 1, 1024, 1>}, {transform_indices = @transform_5, window_bounds = array<i64: 1, 1024, 1>}, {transform_indices = @transform_6, window_bounds = array<i64: 1, 1024, 1>}, {transform_indices = @transform_7, window_bounds = array<i64: 1, 1024, 1>}, {transform_indices = @transform_8, window_bounds = array<i64: 1, 1024, 1>}, {pipeline_mode = #tpu.pipeline_mode<synchronous>, transform_indices = @transform_9, window_bounds = array<i64: 8, 128>}]} {
    %eq3A = arith.constant 0 : i32
    %eq3A_0 = arith.cmpi eq, %arg0, %eq3A : i32
    %convert_element_type3A = arith.extui %eq3A_0 : i1 to i32
    %cond3A = arith.constant 0 : i32
    %cond3A_1 = arith.cmpi ne, %convert_element_type3A, %cond3A : i32
    scf.if %cond3A_1 {
      %broadcast_in_dim3A_119 = arith.constant 0.000000e+00 : f32
      %broadcast_in_dim3A_120 = vector.broadcast %broadcast_in_dim3A_119 : f32 to vector<8x128xf32>
      %swap3A_121 = arith.constant 0 : index
      %swap3A_122 = arith.constant 0 : index
      %swap3A_123 = vector.load %arg11[%swap3A_121, %swap3A_122] : memref<8x128xf32, #tpu.memory_space<vmem>>, vector<8x128xf32>
      tpu.vector_store %arg11[%swap3A_121, %swap3A_122], %broadcast_in_dim3A_120 {strides = array<i32>} : memref<8x128xf32, #tpu.memory_space<vmem>>, vector<8x128xf32>,
    } else {
    }
    %get3A = arith.constant 0 : index
    %get3A_2 = arith.constant 0 : index
    %get3A_3 = vector.load %arg1[%get3A, %get3A_2] : memref<1024x1024xf32, #tpu.memory_space<vmem>>, vector<1024x1024xf32>
    %convert_element_type3A_4 = arith.truncf %get3A_3 : vector<1024x1024xf32> to vector<1024x1024xbf16>
    %get3A_5 = arith.constant 0 : index
    %get3A_6 = arith.constant 0 : index
    %get3A_7 = vector.load %arg2[%get3A_5, %get3A_6] : memref<1024x16xf32, #tpu.memory_space<vmem>>, vector<1024x16xf32>
    %convert_element_type3A_8 = arith.truncf %get3A_7 : vector<1024x16xf32> to vector<1024x16xbf16>
    %dot_general3A = arith.constant dense<0.000000e+00> : vector<1024x16xf32>
    %dot_general3A_9 = tpu.matmul %convert_element_type3A_4, %convert_element_type3A_8, %dot_general3A {dimension_numbers = #tpu.dot_dimension_numbers<[1], [0], [0], [1], [0, 0, 1, 1], [], []>, transpose_lhs_hint = false} : vector<1024x1024xbf16>, vector<1024x16xbf16>, vector<1024x16xf32> -> vector<1024x16xf32>
    %reduce_max3A = arith.constant dense<0xFF800000> : vector<1024xf32>
    %reduce_max3A_10 = vector.multi_reduction <maximumf>, %dot_general3A_9, %reduce_max3A [1] : vector<1024x16xf32> to vector<1024xf32>
    %broadcast_in_dim3A = vector.shape_cast %reduce_max3A_10 : vector<1024xf32> to vector<1024x1xf32>
    %sub3A = vector.broadcast %broadcast_in_dim3A : vector<1024x1xf32> to vector<1024x16xf32>
    %sub3A_11 = arith.subf %dot_general3A_9, %sub3A : vector<1024x16xf32>
    %exp3A = math.exp %sub3A_11 : vector<1024x16xf32>
    %reduce_sum3A = arith.constant dense<0.000000e+00> : vector<1024xf32>
    %reduce_sum3A_12 = vector.multi_reduction <add>, %exp3A, %reduce_sum3A [1] : vector<1024x16xf32> to vector<1024xf32>
    %broadcast_in_dim3A_13 = vector.shape_cast %reduce_sum3A_12 : vector<1024xf32> to vector<1024x1xf32>
    %div3A = vector.broadcast %broadcast_in_dim3A_13 : vector<1024x1xf32> to vector<1024x16xf32>
    %div3A_14 = arith.divf %exp3A, %div3A : vector<1024x16xf32>
    %iota3A = tpu.iota {dimensions = array<i32: 1>} : vector<1024x16xi32>
    %reduce_max3A_15 = arith.constant dense<0xFF800000> : vector<1024xf32>
    %reduce_max3A_16 = vector.multi_reduction <maximumf>, %div3A_14, %reduce_max3A_15 [1] : vector<1024x16xf32> to vector<1024xf32>
    %broadcast_in_dim3A_17 = vector.shape_cast %reduce_max3A_16 : vector<1024xf32> to vector<1024x1xf32>
    %eq3A_18 = vector.broadcast %broadcast_in_dim3A_17 : vector<1024x1xf32> to vector<1024x16xf32>
    %eq3A_19 = arith.cmpf oeq, %div3A_14, %eq3A_18 : vector<1024x16xf32>
    %jit3A = arith.constant 16 : i32
    %broadcast_in_dim3A_20 = vector.broadcast %jit3A : i32 to vector<1024x16xi32>
    %select_n3A = arith.select %eq3A_19, %iota3A, %broadcast_in_dim3A_20 : vector<1024x16xi1>, vector<1024x16xi32>
    %reduce_min3A = arith.constant dense<2147483647> : vector<1024xi32>
    %reduce_min3A_21 = vector.multi_reduction <minsi>, %select_n3A, %reduce_min3A [1] : vector<1024x16xi32> to vector<1024xi32>
    %broadcast_in_dim3A_22 = vector.shape_cast %reduce_min3A_21 : vector<1024xi32> to vector<1024x1xi32>
    %eq3A_23 = vector.broadcast %broadcast_in_dim3A_22 : vector<1024x1xi32> to vector<1024x16xi32>
    %eq3A_24 = arith.cmpi eq, %iota3A, %eq3A_23 : vector<1024x16xi32>
    %jit3A_25 = arith.constant -1.000000e+00 : f32
    %broadcast_in_dim3A_26 = vector.broadcast %jit3A_25 : f32 to vector<1024x16xf32>
    %select_n3A_27 = arith.select %eq3A_24, %broadcast_in_dim3A_26, %div3A_14 : vector<1024x16xi1>, vector<1024x16xf32>
    %reduce_max3A_28 = arith.constant dense<0xFF800000> : vector<1024xf32>
    %reduce_max3A_29 = vector.multi_reduction <maximumf>, %select_n3A_27, %reduce_max3A_28 [1] : vector<1024x16xf32> to vector<1024xf32>
    %broadcast_in_dim3A_30 = vector.shape_cast %reduce_max3A_29 : vector<1024xf32> to vector<1024x1xf32>
    %eq3A_31 = vector.broadcast %broadcast_in_dim3A_30 : vector<1024x1xf32> to vector<1024x16xf32>
    %eq3A_32 = arith.cmpf oeq, %select_n3A_27, %eq3A_31 : vector<1024x16xf32>
    %jit3A_33 = arith.constant 16 : i32
    %broadcast_in_dim3A_34 = vector.broadcast %jit3A_33 : i32 to vector<1024x16xi32>
    %select_n3A_35 = arith.select %eq3A_32, %iota3A, %broadcast_in_dim3A_34 : vector<1024x16xi1>, vector<1024x16xi32>
    %reduce_min3A_36 = arith.constant dense<2147483647> : vector<1024xi32>
    %reduce_min3A_37 = vector.multi_reduction <minsi>, %select_n3A_35, %reduce_min3A_36 [1] : vector<1024x16xi32> to vector<1024xi32>
    %broadcast_in_dim3A_38 = vector.shape_cast %reduce_min3A_37 : vector<1024xi32> to vector<1024x1xi32>
    %add3A = arith.addf %broadcast_in_dim3A_17, %broadcast_in_dim3A_30 : vector<1024x1xf32>
    %div3A_39 = arith.divf %broadcast_in_dim3A_17, %add3A : vector<1024x1xf32>
    %div3A_40 = arith.divf %broadcast_in_dim3A_30, %add3A : vector<1024x1xf32>
    %eq3A_41 = vector.broadcast %broadcast_in_dim3A_22 : vector<1024x1xi32> to vector<1024x16xi32>
    %eq3A_42 = arith.cmpi eq, %iota3A, %eq3A_41 : vector<1024x16xi32>
    %convert_element_type3A_43 = arith.extui %eq3A_42 : vector<1024x16xi1> to vector<1024x16xi32>
    %convert_element_type3A_44 = arith.sitofp %convert_element_type3A_43 : vector<1024x16xi32> to vector<1024x16xf32>
    %eq3A_45 = vector.broadcast %broadcast_in_dim3A_38 : vector<1024x1xi32> to vector<1024x16xi32>
    %eq3A_46 = arith.cmpi eq, %iota3A, %eq3A_45 : vector<1024x16xi32>
    %convert_element_type3A_47 = arith.extui %eq3A_46 : vector<1024x16xi1> to vector<1024x16xi32>
    %convert_element_type3A_48 = arith.sitofp %convert_element_type3A_47 : vector<1024x16xi32> to vector<1024x16xf32>
    %add3A_49 = arith.addf %convert_element_type3A_44, %convert_element_type3A_48 : vector<1024x16xf32>
    %get3A_50 = arith.constant 0 : index
    %get3A_51 = arith.constant 0 : index
    %get3A_52 = vector.load %arg3[%get3A_50, %get3A_51] : memref<1024x1024xbf16, #tpu.memory_space<vmem>>, vector<1024x1024xbf16>
    %convert_element_type3A_53 = arith.truncf %add3A_49 : vector<1024x16xf32> to vector<1024x16xbf16>
    %dot_general3A_54 = arith.constant dense<0.000000e+00> : vector<1024x16xf32>
    %dot_general3A_55 = tpu.matmul %get3A_52, %convert_element_type3A_53, %dot_general3A_54 {dimension_numbers = #tpu.dot_dimension_numbers<[1], [0], [0], [1], [0, 0, 1, 1], [], []>, transpose_lhs_hint = false} : vector<1024x1024xbf16>, vector<1024x16xbf16>, vector<1024x16xf32> -> vector<1024x16xf32>
    %get3A_56 = arith.constant 0 : index
    %get3A_57 = arith.constant 0 : index
    %get3A_58 = vector.load %arg11[%get3A_56, %get3A_57] : memref<8x128xf32, #tpu.memory_space<vmem>>, vector<1x16xf32>
    %add3A_59 = vector.broadcast %get3A_58 : vector<1x16xf32> to vector<1024x16xf32>
    %add3A_60 = arith.addf %add3A_59, %dot_general3A_55 : vector<1024x16xf32>
    %mul3A = arith.mulf %convert_element_type3A_44, %add3A_60 : vector<1024x16xf32>
    %reduce_sum3A_61 = arith.constant dense<0.000000e+00> : vector<1024xf32>
    %reduce_sum3A_62 = vector.multi_reduction <add>, %mul3A, %reduce_sum3A_61 [1] : vector<1024x16xf32> to vector<1024xf32>
    %broadcast_in_dim3A_63 = vector.shape_cast %reduce_sum3A_62 : vector<1024xf32> to vector<1024x1xf32>
    %mul3A_64 = arith.mulf %convert_element_type3A_48, %add3A_60 : vector<1024x16xf32>
    %reduce_sum3A_65 = arith.constant dense<0.000000e+00> : vector<1024xf32>
    %reduce_sum3A_66 = vector.multi_reduction <add>, %mul3A_64, %reduce_sum3A_65 [1] : vector<1024x16xf32> to vector<1024xf32>
    %broadcast_in_dim3A_67 = vector.shape_cast %reduce_sum3A_66 : vector<1024xf32> to vector<1024x1xf32>
    %swap3A = arith.constant 0 : index
    %swap3A_68 = arith.constant 0 : index
    %swap3A_69 = arith.constant 0 : index
    %swap3A_70 = vector.load %arg4[%swap3A, %swap3A_68, %swap3A_69] : memref<1x1024x1xi32, #tpu.memory_space<vmem>>, vector<1x1024x1xi32>
    %swap3A_71 = vector.shape_cast %swap3A_70 : vector<1x1024x1xi32> to vector<1024x1xi32>
    %swap3A_72 = vector.shape_cast %broadcast_in_dim3A_22 : vector<1024x1xi32> to vector<1x1024x1xi32>
    tpu.vector_store %arg4[%swap3A, %swap3A_68, %swap3A_69], %swap3A_72 {strides = array<i32>} : memref<1x1024x1xi32, #tpu.memory_space<vmem>>, vector<1x1024x1xi32>,
    %swap3A_73 = arith.constant 0 : index
    %swap3A_74 = arith.constant 0 : index
    %swap3A_75 = arith.constant 0 : index
    %swap3A_76 = vector.load %arg5[%swap3A_73, %swap3A_74, %swap3A_75] : memref<1x1024x1xi32, #tpu.memory_space<vmem>>, vector<1x1024x1xi32>
    %swap3A_77 = vector.shape_cast %swap3A_76 : vector<1x1024x1xi32> to vector<1024x1xi32>
    %swap3A_78 = vector.shape_cast %broadcast_in_dim3A_38 : vector<1024x1xi32> to vector<1x1024x1xi32>
    tpu.vector_store %arg5[%swap3A_73, %swap3A_74, %swap3A_75], %swap3A_78 {strides = array<i32>} : memref<1x1024x1xi32, #tpu.memory_space<vmem>>, vector<1x1024x1xi32>,
    %swap3A_79 = arith.constant 0 : index
    %swap3A_80 = arith.constant 0 : index
    %swap3A_81 = arith.constant 0 : index
    %swap3A_82 = vector.load %arg6[%swap3A_79, %swap3A_80, %swap3A_81] : memref<1x1024x1xf32, #tpu.memory_space<vmem>>, vector<1x1024x1xf32>
    %swap3A_83 = vector.shape_cast %swap3A_82 : vector<1x1024x1xf32> to vector<1024x1xf32>
    %swap3A_84 = vector.shape_cast %broadcast_in_dim3A_63 : vector<1024x1xf32> to vector<1x1024x1xf32>
    tpu.vector_store %arg6[%swap3A_79, %swap3A_80, %swap3A_81], %swap3A_84 {strides = array<i32>} : memref<1x1024x1xf32, #tpu.memory_space<vmem>>, vector<1x1024x1xf32>,
    %swap3A_85 = arith.constant 0 : index
    %swap3A_86 = arith.constant 0 : index
    %swap3A_87 = arith.constant 0 : index
    %swap3A_88 = vector.load %arg7[%swap3A_85, %swap3A_86, %swap3A_87] : memref<1x1024x1xf32, #tpu.memory_space<vmem>>, vector<1x1024x1xf32>
    %swap3A_89 = vector.shape_cast %swap3A_88 : vector<1x1024x1xf32> to vector<1024x1xf32>
    %swap3A_90 = vector.shape_cast %broadcast_in_dim3A_67 : vector<1024x1xf32> to vector<1x1024x1xf32>
    tpu.vector_store %arg7[%swap3A_85, %swap3A_86, %swap3A_87], %swap3A_90 {strides = array<i32>} : memref<1x1024x1xf32, #tpu.memory_space<vmem>>, vector<1x1024x1xf32>,
    %swap3A_91 = arith.constant 0 : index
    %swap3A_92 = arith.constant 0 : index
    %swap3A_93 = arith.constant 0 : index
    %swap3A_94 = vector.load %arg8[%swap3A_91, %swap3A_92, %swap3A_93] : memref<1x1024x1xf32, #tpu.memory_space<vmem>>, vector<1x1024x1xf32>
    %swap3A_95 = vector.shape_cast %swap3A_94 : vector<1x1024x1xf32> to vector<1024x1xf32>
    %swap3A_96 = vector.shape_cast %div3A_39 : vector<1024x1xf32> to vector<1x1024x1xf32>
    tpu.vector_store %arg8[%swap3A_91, %swap3A_92, %swap3A_93], %swap3A_96 {strides = array<i32>} : memref<1x1024x1xf32, #tpu.memory_space<vmem>>, vector<1x1024x1xf32>,
    %swap3A_97 = arith.constant 0 : index
    %swap3A_98 = arith.constant 0 : index
    %swap3A_99 = arith.constant 0 : index
    %swap3A_100 = vector.load %arg9[%swap3A_97, %swap3A_98, %swap3A_99] : memref<1x1024x1xf32, #tpu.memory_space<vmem>>, vector<1x1024x1xf32>
    %swap3A_101 = vector.shape_cast %swap3A_100 : vector<1x1024x1xf32> to vector<1024x1xf32>
    %swap3A_102 = vector.shape_cast %div3A_40 : vector<1024x1xf32> to vector<1x1024x1xf32>
    tpu.vector_store %arg9[%swap3A_97, %swap3A_98, %swap3A_99], %swap3A_102 {strides = array<i32>} : memref<1x1024x1xf32, #tpu.memory_space<vmem>>, vector<1x1024x1xf32>,
    %get3A_103 = arith.constant 0 : index
    %get3A_104 = arith.constant 0 : index
    %get3A_105 = vector.load %arg11[%get3A_103, %get3A_104] : memref<8x128xf32, #tpu.memory_space<vmem>>, vector<1x16xf32>
    %reduce_sum3A_106 = arith.constant dense<0.000000e+00> : vector<16xf32>
    %reduce_sum3A_107 = vector.multi_reduction <add>, %add3A_49, %reduce_sum3A_106 [0] : vector<1024x16xf32> to vector<16xf32>
    %broadcast_in_dim3A_108 = vector.shape_cast %reduce_sum3A_107 : vector<16xf32> to vector<1x16xf32>
    %add3A_109 = arith.addf %get3A_105, %broadcast_in_dim3A_108 : vector<1x16xf32>
    %swap3A_110 = arith.constant 0 : index
    %swap3A_111 = arith.constant 0 : index
    %swap3A_112 = vector.load %arg11[%swap3A_110, %swap3A_111] : memref<8x128xf32, #tpu.memory_space<vmem>>, vector<1x16xf32>
    tpu.vector_store %arg11[%swap3A_110, %swap3A_111], %add3A_109 {strides = array<i32>} : memref<8x128xf32, #tpu.memory_space<vmem>>, vector<1x16xf32>,
    %get3A_113 = arith.constant 0 : index
    %get3A_114 = arith.constant 0 : index
    %get3A_115 = vector.load %arg11[%get3A_113, %get3A_114] : memref<8x128xf32, #tpu.memory_space<vmem>>, vector<8x128xf32>
    %swap3A_116 = arith.constant 0 : index
    %swap3A_117 = arith.constant 0 : index
    %swap3A_118 = vector.load %arg10[%swap3A_116, %swap3A_117] : memref<8x128xf32, #tpu.memory_space<vmem>>, vector<8x128xf32>
    tpu.vector_store %arg10[%swap3A_116, %swap3A_117], %get3A_115 {strides = array<i32>} : memref<8x128xf32, #tpu.memory_space<vmem>>, vector<8x128xf32>,
    return
  }
  func.func @transform_0(%arg0: i32) -> (i32, i32) {
    %c0_i32 = arith.constant 0 : i32
    %c0_i32_0 = arith.constant 0 : i32
    return %arg0, %c0_i32 : i32, i32
  }
  func.func @transform_1(%arg0: i32) -> (i32, i32) {
    %c0_i32 = arith.constant 0 : i32
    %c0_i32_0 = arith.constant 0 : i32
    %c0_i32_1 = arith.constant 0 : i32
    return %c0_i32, %c0_i32_0 : i32, i32
  }
  func.func @transform_2(%arg0: i32) -> (i32, i32) {
    %c0_i32 = arith.constant 0 : i32
    %c0_i32_0 = arith.constant 0 : i32
    %c0_i32_1 = arith.constant 0 : i32
    return %c0_i32, %c0_i32_0 : i32, i32
  }
  func.func @transform_3(%arg0: i32) -> (i32, i32, i32) {
    %c0_i32 = arith.constant 0 : i32
    %c0_i32_0 = arith.constant 0 : i32
    %c0_i32_1 = arith.constant 0 : i32
    return %arg0, %c0_i32, %c0_i32_0 : i32, i32, i32
  }
  func.func @transform_4(%arg0: i32) -> (i32, i32, i32) {
    %c0_i32 = arith.constant 0 : i32
    %c0_i32_0 = arith.constant 0 : i32
    %c0_i32_1 = arith.constant 0 : i32
    return %arg0, %c0_i32, %c0_i32_0 : i32, i32, i32
  }
  func.func @transform_5(%arg0: i32) -> (i32, i32, i32) {
    %c0_i32 = arith.constant 0 : i32
    %c0_i32_0 = arith.constant 0 : i32
    %c0_i32_1 = arith.constant 0 : i32
    return %arg0, %c0_i32, %c0_i32_0 : i32, i32, i32
  }
  func.func @transform_6(%arg0: i32) -> (i32, i32, i32) {
    %c0_i32 = arith.constant 0 : i32
    %c0_i32_0 = arith.constant 0 : i32
    %c0_i32_1 = arith.constant 0 : i32
    return %arg0, %c0_i32, %c0_i32_0 : i32, i32, i32
  }
  func.func @transform_7(%arg0: i32) -> (i32, i32, i32) {
    %c0_i32 = arith.constant 0 : i32
    %c0_i32_0 = arith.constant 0 : i32
    %c0_i32_1 = arith.constant 0 : i32
    return %arg0, %c0_i32, %c0_i32_0 : i32, i32, i32
  }
  func.func @transform_8(%arg0: i32) -> (i32, i32, i32) {
    %c0_i32 = arith.constant 0 : i32
    %c0_i32_0 = arith.constant 0 : i32
    %c0_i32_1 = arith.constant 0 : i32
    return %arg0, %c0_i32, %c0_i32_0 : i32, i32, i32
  }
  func.func @transform_9(%arg0: i32) -> (i32, i32) {
    %c0_i32 = arith.constant 0 : i32
    %c0_i32_0 = arith.constant 0 : i32
    %c0_i32_1 = arith.constant 0 : i32
    return %c0_i32, %c0_i32_0 : i32, i32
  }
}

module attributes {stable_mosaic.version = 14 : i64} {
  func.func @_pos_body(%arg0: i32, %arg1: memref<1x1024x1xi32, #tpu.memory_space<vmem>>, %arg2: memref<1x1024x1xi32, #tpu.memory_space<vmem>>, %arg3: memref<1x1024x1xf32, #tpu.memory_space<vmem>>, %arg4: memref<1x1024x1xf32, #tpu.memory_space<vmem>>, %arg5: memref<1x1024x1xf32, #tpu.memory_space<vmem>>, %arg6: memref<1x1024x1xf32, #tpu.memory_space<vmem>>, %arg7: memref<8x128xf32, #tpu.memory_space<vmem>>, %arg8: memref<1024x1024xbf16, #tpu.memory_space<vmem>>, %arg9: memref<1x1024x1xi32, #tpu.memory_space<vmem>>, %arg10: memref<1x1024x1xi32, #tpu.memory_space<vmem>>, %arg11: memref<1x1024x128xi32, #tpu.memory_space<vmem>>, %arg12: memref<1x1024x128xi32, #tpu.memory_space<vmem>>, %arg13: memref<1x1024x1xf32, #tpu.memory_space<vmem>>, %arg14: memref<1x1024x1xf32, #tpu.memory_space<vmem>>, %arg15: memref<16x128xi32, #tpu.memory_space<vmem>>, %arg16: memref<8x128xf32, #tpu.memory_space<vmem>>) attributes {dimension_semantics = [#tpu.dimension_semantics<arbitrary>], iteration_bounds = array<i64: 8>, scalar_prefetch = 0 : i64, scratch_operands = 1 : i64, tpu.core_type = #tpu.core_type<tc>, window_params = [{transform_indices = @transform_0, window_bounds = array<i64: 1, 1024, 1>}, {transform_indices = @transform_1, window_bounds = array<i64: 1, 1024, 1>}, {transform_indices = @transform_2, window_bounds = array<i64: 1, 1024, 1>}, {transform_indices = @transform_3, window_bounds = array<i64: 1, 1024, 1>}, {transform_indices = @transform_4, window_bounds = array<i64: 1, 1024, 1>}, {transform_indices = @transform_5, window_bounds = array<i64: 1, 1024, 1>}, {pipeline_mode = #tpu.pipeline_mode<synchronous>, transform_indices = @transform_6, window_bounds = array<i64: 8, 128>}, {pipeline_mode = #tpu.pipeline_mode<synchronous>, transform_indices = @transform_7, window_bounds = array<i64: 1024, 1024>}, {transform_indices = @transform_8, window_bounds = array<i64: 1, 1024, 1>}, {transform_indices = @transform_9, window_bounds = array<i64: 1, 1024, 1>}, {transform_indices = @transform_10, window_bounds = array<i64: 1, 1024, 128>}, {transform_indices = @transform_11, window_bounds = array<i64: 1, 1024, 128>}, {transform_indices = @transform_12, window_bounds = array<i64: 1, 1024, 1>}, {transform_indices = @transform_13, window_bounds = array<i64: 1, 1024, 1>}, {pipeline_mode = #tpu.pipeline_mode<synchronous>, transform_indices = @transform_14, window_bounds = array<i64: 16, 128>}]} {
    %eq3A = arith.constant 0 : i32
    %eq3A_0 = arith.cmpi eq, %arg0, %eq3A : i32
    %convert_element_type3A = arith.extui %eq3A_0 : i1 to i32
    %cond3A = arith.constant 0 : i32
    %cond3A_1 = arith.cmpi ne, %convert_element_type3A, %cond3A : i32
    scf.if %cond3A_1 {
      %broadcast_in_dim3A_397 = arith.constant 0.000000e+00 : f32
      %broadcast_in_dim3A_398 = vector.broadcast %broadcast_in_dim3A_397 : f32 to vector<8x128xf32>
      %swap3A_399 = arith.constant 0 : index
      %swap3A_400 = arith.constant 0 : index
      %swap3A_401 = vector.load %arg16[%swap3A_399, %swap3A_400] : memref<8x128xf32, #tpu.memory_space<vmem>>, vector<8x128xf32>
      tpu.vector_store %arg16[%swap3A_399, %swap3A_400], %broadcast_in_dim3A_398 {strides = array<i32>} : memref<8x128xf32, #tpu.memory_space<vmem>>, vector<8x128xf32>,
    } else {
    }
    %get3A = arith.constant 0 : index
    %get3A_2 = arith.constant 0 : index
    %get3A_3 = vector.load %arg7[%get3A, %get3A_2] : memref<8x128xf32, #tpu.memory_space<vmem>>, vector<1x16xf32>
    %gt3A = arith.constant 0.000000e+00 : f32
    %gt3A_4 = vector.broadcast %gt3A : f32 to vector<1x16xf32>
    %gt3A_5 = arith.cmpf ogt, %get3A_3, %gt3A_4 : vector<1x16xf32>
    %convert_element_type3A_6 = arith.extui %gt3A_5 : vector<1x16xi1> to vector<1x16xi32>
    %convert_element_type3A_7 = arith.sitofp %convert_element_type3A_6 : vector<1x16xi32> to vector<1x16xf32>
    %sub3A = arith.subf %get3A_3, %convert_element_type3A_7 : vector<1x16xf32>
    %broadcast_in_dim3A = vector.shape_cast %sub3A : vector<1x16xf32> to vector<1x16xf32>
    %broadcast_in_dim3A_8 = vector.broadcast %broadcast_in_dim3A : vector<1x16xf32> to vector<16x16xf32>
    %broadcast_in_dim3A_9 = vector.shape_cast %get3A_3 : vector<1x16xf32> to vector<1x16xf32>
    %broadcast_in_dim3A_10 = vector.broadcast %broadcast_in_dim3A_9 : vector<1x16xf32> to vector<16x16xf32>
    %iota3A = tpu.iota {dimensions = array<i32: 0>} : vector<16x16xi32>
    %iota3A_11 = tpu.iota {dimensions = array<i32: 1>} : vector<16x16xi32>
    %lt3A = arith.cmpi slt, %iota3A_11, %iota3A : vector<16x16xi32>
    %convert_element_type3A_12 = arith.extui %lt3A : vector<16x16xi1> to vector<16x16xi32>
    %convert_element_type3A_13 = arith.sitofp %convert_element_type3A_12 : vector<16x16xi32> to vector<16x16xf32>
    %mul3A = arith.mulf %broadcast_in_dim3A_8, %convert_element_type3A_13 : vector<16x16xf32>
    %reduce_sum3A = arith.constant dense<0.000000e+00> : vector<16xf32>
    %reduce_sum3A_14 = vector.multi_reduction <add>, %mul3A, %reduce_sum3A [1] : vector<16x16xf32> to vector<16xf32>
    %broadcast_in_dim3A_15 = vector.shape_cast %reduce_sum3A_14 : vector<16xf32> to vector<16x1xf32>
    %eq3A_16 = arith.cmpi eq, %iota3A_11, %iota3A : vector<16x16xi32>
    %convert_element_type3A_17 = arith.extui %eq3A_16 : vector<16x16xi1> to vector<16x16xi32>
    %convert_element_type3A_18 = arith.sitofp %convert_element_type3A_17 : vector<16x16xi32> to vector<16x16xf32>
    %mul3A_19 = arith.mulf %broadcast_in_dim3A_10, %convert_element_type3A_18 : vector<16x16xf32>
    %reduce_sum3A_20 = arith.constant dense<0.000000e+00> : vector<16xf32>
    %reduce_sum3A_21 = vector.multi_reduction <add>, %mul3A_19, %reduce_sum3A_20 [1] : vector<16x16xf32> to vector<16xf32>
    %broadcast_in_dim3A_22 = vector.shape_cast %reduce_sum3A_21 : vector<16xf32> to vector<16x1xf32>
    %min3A = arith.constant 1.279000e+03 : f32
    %min3A_23 = vector.broadcast %min3A : f32 to vector<16x1xf32>
    %min3A_24 = arith.minimumf %broadcast_in_dim3A_15, %min3A_23 : vector<16x1xf32>
    %gt3A_25 = arith.constant 0.000000e+00 : f32
    %gt3A_26 = vector.broadcast %gt3A_25 : f32 to vector<16x1xf32>
    %gt3A_27 = arith.cmpf ogt, %broadcast_in_dim3A_22, %gt3A_26 : vector<16x1xf32>
    %add3A = arith.addf %broadcast_in_dim3A_15, %broadcast_in_dim3A_22 : vector<16x1xf32>
    %min3A_28 = arith.constant 1.280000e+03 : f32
    %min3A_29 = vector.broadcast %min3A_28 : f32 to vector<16x1xf32>
    %min3A_30 = arith.minimumf %add3A, %min3A_29 : vector<16x1xf32>
    %jit3A = arith.constant 0.000000e+00 : f32
    %broadcast_in_dim3A_31 = vector.broadcast %jit3A : f32 to vector<16x1xf32>
    %select_n3A = arith.select %gt3A_27, %min3A_30, %broadcast_in_dim3A_31 : vector<16x1xi1>, vector<16x1xf32>
    %sub3A_32 = arith.subf %select_n3A, %min3A_24 : vector<16x1xf32>
    %max3A = arith.constant 0.000000e+00 : f32
    %max3A_33 = vector.broadcast %max3A : f32 to vector<16x1xf32>
    %max3A_34 = arith.maximumf %sub3A_32, %max3A_33 : vector<16x1xf32>
    %reduce_sum3A_35 = arith.constant dense<0.000000e+00> : vector<1xf32>
    %reduce_sum3A_36 = vector.multi_reduction <add>, %max3A_34, %reduce_sum3A_35 [0] : vector<16x1xf32> to vector<1xf32>
    %broadcast_in_dim3A_37 = vector.shape_cast %reduce_sum3A_36 : vector<1xf32> to vector<1x1xf32>
    %div3A = arith.constant 1.280000e+02 : f32
    %div3A_38 = vector.broadcast %div3A : f32 to vector<16x1xf32>
    %div3A_39 = arith.divf %min3A_24, %div3A_38 : vector<16x1xf32>
    %floor3A = math.floor %div3A_39 : vector<16x1xf32>
    %add3A_40 = arith.constant 1.280000e+02 : f32
    %add3A_41 = vector.broadcast %add3A_40 : f32 to vector<16x1xf32>
    %add3A_42 = arith.addf %select_n3A, %add3A_41 : vector<16x1xf32>
    %sub3A_43 = arith.constant 1.000000e+00 : f32
    %sub3A_44 = vector.broadcast %sub3A_43 : f32 to vector<16x1xf32>
    %sub3A_45 = arith.subf %add3A_42, %sub3A_44 : vector<16x1xf32>
    %div3A_46 = arith.constant 1.280000e+02 : f32
    %div3A_47 = vector.broadcast %div3A_46 : f32 to vector<16x1xf32>
    %div3A_48 = arith.divf %sub3A_45, %div3A_47 : vector<16x1xf32>
    %floor3A_49 = math.floor %div3A_48 : vector<16x1xf32>
    %iota3A_50 = tpu.iota {dimensions = array<i32: 1>} : vector<16x128xi32>
    %eq3A_51 = arith.constant 0 : i32
    %eq3A_52 = vector.broadcast %eq3A_51 : i32 to vector<16x128xi32>
    %eq3A_53 = arith.cmpi eq, %iota3A_50, %eq3A_52 : vector<16x128xi32>
    %eq3A_54 = arith.constant 1 : i32
    %eq3A_55 = vector.broadcast %eq3A_54 : i32 to vector<16x128xi32>
    %eq3A_56 = arith.cmpi eq, %iota3A_50, %eq3A_55 : vector<16x128xi32>
    %jit3A_57 = arith.constant 0.000000e+00 : f32
    %broadcast_in_dim3A_58 = vector.shape_cast %floor3A_49 : vector<16x1xf32> to vector<16x1xf32>
    %broadcast_in_dim3A_59 = vector.broadcast %broadcast_in_dim3A_58 : vector<16x1xf32> to vector<16x128xf32>
    %broadcast_in_dim3A_60 = vector.broadcast %jit3A_57 : f32 to vector<16x128xf32>
    %select_n3A_61 = arith.select %eq3A_56, %broadcast_in_dim3A_59, %broadcast_in_dim3A_60 : vector<16x128xi1>, vector<16x128xf32>
    %broadcast_in_dim3A_62 = vector.shape_cast %floor3A : vector<16x1xf32> to vector<16x1xf32>
    %broadcast_in_dim3A_63 = vector.broadcast %broadcast_in_dim3A_62 : vector<16x1xf32> to vector<16x128xf32>
    %select_n3A_64 = arith.select %eq3A_53, %broadcast_in_dim3A_63, %select_n3A_61 : vector<16x128xi1>, vector<16x128xf32>
    %convert_element_type3A_65 = arith.fptosi %select_n3A_64 : vector<16x128xf32> to vector<16x128xi32>
    %swap3A = arith.constant 0 : index
    %swap3A_66 = arith.constant 0 : index
    %swap3A_67 = vector.load %arg15[%swap3A, %swap3A_66] : memref<16x128xi32, #tpu.memory_space<vmem>>, vector<16x128xi32>
    tpu.vector_store %arg15[%swap3A, %swap3A_66], %convert_element_type3A_65 {strides = array<i32>} : memref<16x128xi32, #tpu.memory_space<vmem>>, vector<16x128xi32>,
    %get3A_68 = arith.constant 0 : index
    %get3A_69 = arith.constant 0 : index
    %get3A_70 = arith.constant 0 : index
    %get3A_71 = vector.load %arg1[%get3A_68, %get3A_69, %get3A_70] : memref<1x1024x1xi32, #tpu.memory_space<vmem>>, vector<1x1024x1xi32>
    %get3A_72 = vector.shape_cast %get3A_71 : vector<1x1024x1xi32> to vector<1024x1xi32>
    %get3A_73 = arith.constant 0 : index
    %get3A_74 = arith.constant 0 : index
    %get3A_75 = arith.constant 0 : index
    %get3A_76 = vector.load %arg3[%get3A_73, %get3A_74, %get3A_75] : memref<1x1024x1xf32, #tpu.memory_space<vmem>>, vector<1x1024x1xf32>
    %get3A_77 = vector.shape_cast %get3A_76 : vector<1x1024x1xf32> to vector<1024x1xf32>
    %get3A_78 = arith.constant 0 : index
    %get3A_79 = arith.constant 0 : index
    %get3A_80 = arith.constant 0 : index
    %get3A_81 = vector.load %arg5[%get3A_78, %get3A_79, %get3A_80] : memref<1x1024x1xf32, #tpu.memory_space<vmem>>, vector<1x1024x1xf32>
    %get3A_82 = vector.shape_cast %get3A_81 : vector<1x1024x1xf32> to vector<1024x1xf32>
    %iota3A_83 = tpu.iota {dimensions = array<i32: 1>} : vector<1024x16xi32>
    %lt3A_84 = vector.broadcast %get3A_72 : vector<1024x1xi32> to vector<1024x16xi32>
    %lt3A_85 = arith.cmpi slt, %iota3A_83, %lt3A_84 : vector<1024x16xi32>
    %convert_element_type3A_86 = arith.extui %lt3A_85 : vector<1024x16xi1> to vector<1024x16xi32>
    %convert_element_type3A_87 = arith.sitofp %convert_element_type3A_86 : vector<1024x16xi32> to vector<1024x16xf32>
    %mul3A_88 = vector.broadcast %sub3A : vector<1x16xf32> to vector<1024x16xf32>
    %mul3A_89 = arith.mulf %mul3A_88, %convert_element_type3A_87 : vector<1024x16xf32>
    %reduce_sum3A_90 = arith.constant dense<0.000000e+00> : vector<1024xf32>
    %reduce_sum3A_91 = vector.multi_reduction <add>, %mul3A_89, %reduce_sum3A_90 [1] : vector<1024x16xf32> to vector<1024xf32>
    %broadcast_in_dim3A_92 = vector.shape_cast %reduce_sum3A_91 : vector<1024xf32> to vector<1024x1xf32>
    %eq3A_93 = vector.broadcast %get3A_72 : vector<1024x1xi32> to vector<1024x16xi32>
    %eq3A_94 = arith.cmpi eq, %iota3A_83, %eq3A_93 : vector<1024x16xi32>
    %convert_element_type3A_95 = arith.extui %eq3A_94 : vector<1024x16xi1> to vector<1024x16xi32>
    %convert_element_type3A_96 = arith.sitofp %convert_element_type3A_95 : vector<1024x16xi32> to vector<1024x16xf32>
    %mul3A_97 = vector.broadcast %get3A_3 : vector<1x16xf32> to vector<1024x16xf32>
    %mul3A_98 = arith.mulf %convert_element_type3A_96, %mul3A_97 : vector<1024x16xf32>
    %reduce_sum3A_99 = arith.constant dense<0.000000e+00> : vector<1024xf32>
    %reduce_sum3A_100 = vector.multi_reduction <add>, %mul3A_98, %reduce_sum3A_99 [1] : vector<1024x16xf32> to vector<1024xf32>
    %broadcast_in_dim3A_101 = vector.shape_cast %reduce_sum3A_100 : vector<1024xf32> to vector<1024x1xf32>
    %add3A_102 = arith.addf %get3A_77, %broadcast_in_dim3A_92 : vector<1024x1xf32>
    %lt3A_103 = arith.constant 1.279000e+03 : f32
    %lt3A_104 = vector.broadcast %lt3A_103 : f32 to vector<1024x1xf32>
    %lt3A_105 = arith.cmpf olt, %add3A_102, %lt3A_104 : vector<1024x1xf32>
    %sub3A_106 = arith.constant 1.000000e+00 : f32
    %sub3A_107 = vector.broadcast %sub3A_106 : f32 to vector<1024x1xf32>
    %sub3A_108 = arith.subf %broadcast_in_dim3A_101, %sub3A_107 : vector<1024x1xf32>
    %eq3A_109 = arith.cmpf oeq, %get3A_77, %sub3A_108 : vector<1024x1xf32>
    %or3A = arith.ori %lt3A_105, %eq3A_109 : vector<1024x1xi1>
    %convert_element_type3A_110 = arith.extui %or3A : vector<1024x1xi1> to vector<1024x1xi32>
    %convert_element_type3A_111 = arith.sitofp %convert_element_type3A_110 : vector<1024x1xi32> to vector<1024x1xf32>
    %min3A_112 = arith.constant 1.279000e+03 : f32
    %min3A_113 = vector.broadcast %min3A_112 : f32 to vector<1024x1xf32>
    %min3A_114 = arith.minimumf %add3A_102, %min3A_113 : vector<1024x1xf32>
    %convert_element_type3A_115 = arith.sitofp %get3A_72 : vector<1024x1xi32> to vector<1024x1xf32>
    %mul3A_116 = arith.constant 1.288000e+03 : f32
    %mul3A_117 = vector.broadcast %mul3A_116 : f32 to vector<1024x1xf32>
    %mul3A_118 = arith.mulf %convert_element_type3A_115, %mul3A_117 : vector<1024x1xf32>
    %add3A_119 = arith.addf %mul3A_118, %min3A_114 : vector<1024x1xf32>
    %add3A_120 = arith.constant 1.280000e+03 : f32
    %add3A_121 = vector.broadcast %add3A_120 : f32 to vector<1024x1xf32>
    %add3A_122 = arith.addf %mul3A_118, %add3A_121 : vector<1024x1xf32>
    %gt3A_123 = arith.constant 0.000000e+00 : f32
    %gt3A_124 = vector.broadcast %gt3A_123 : f32 to vector<1024x1xf32>
    %gt3A_125 = arith.cmpf ogt, %convert_element_type3A_111, %gt3A_124 : vector<1024x1xf32>
    %jit3A_126 = arith.constant 0.000000e+00 : f32
    %broadcast_in_dim3A_127 = vector.broadcast %jit3A_126 : f32 to vector<1024x1xf32>
    %select_n3A_128 = arith.select %gt3A_125, %get3A_82, %broadcast_in_dim3A_127 : vector<1024x1xi1>, vector<1024x1xf32>
    %get3A_129 = arith.constant 0 : index
    %get3A_130 = arith.constant 0 : index
    %get3A_131 = arith.constant 0 : index
    %get3A_132 = vector.load %arg2[%get3A_129, %get3A_130, %get3A_131] : memref<1x1024x1xi32, #tpu.memory_space<vmem>>, vector<1x1024x1xi32>
    %get3A_133 = vector.shape_cast %get3A_132 : vector<1x1024x1xi32> to vector<1024x1xi32>
    %get3A_134 = arith.constant 0 : index
    %get3A_135 = arith.constant 0 : index
    %get3A_136 = arith.constant 0 : index
    %get3A_137 = vector.load %arg4[%get3A_134, %get3A_135, %get3A_136] : memref<1x1024x1xf32, #tpu.memory_space<vmem>>, vector<1x1024x1xf32>
    %get3A_138 = vector.shape_cast %get3A_137 : vector<1x1024x1xf32> to vector<1024x1xf32>
    %get3A_139 = arith.constant 0 : index
    %get3A_140 = arith.constant 0 : index
    %get3A_141 = arith.constant 0 : index
    %get3A_142 = vector.load %arg6[%get3A_139, %get3A_140, %get3A_141] : memref<1x1024x1xf32, #tpu.memory_space<vmem>>, vector<1x1024x1xf32>
    %get3A_143 = vector.shape_cast %get3A_142 : vector<1x1024x1xf32> to vector<1024x1xf32>
    %iota3A_144 = tpu.iota {dimensions = array<i32: 1>} : vector<1024x16xi32>
    %lt3A_145 = vector.broadcast %get3A_133 : vector<1024x1xi32> to vector<1024x16xi32>
    %lt3A_146 = arith.cmpi slt, %iota3A_144, %lt3A_145 : vector<1024x16xi32>
    %convert_element_type3A_147 = arith.extui %lt3A_146 : vector<1024x16xi1> to vector<1024x16xi32>
    %convert_element_type3A_148 = arith.sitofp %convert_element_type3A_147 : vector<1024x16xi32> to vector<1024x16xf32>
    %mul3A_149 = vector.broadcast %sub3A : vector<1x16xf32> to vector<1024x16xf32>
    %mul3A_150 = arith.mulf %mul3A_149, %convert_element_type3A_148 : vector<1024x16xf32>
    %reduce_sum3A_151 = arith.constant dense<0.000000e+00> : vector<1024xf32>
    %reduce_sum3A_152 = vector.multi_reduction <add>, %mul3A_150, %reduce_sum3A_151 [1] : vector<1024x16xf32> to vector<1024xf32>
    %broadcast_in_dim3A_153 = vector.shape_cast %reduce_sum3A_152 : vector<1024xf32> to vector<1024x1xf32>
    %eq3A_154 = vector.broadcast %get3A_133 : vector<1024x1xi32> to vector<1024x16xi32>
    %eq3A_155 = arith.cmpi eq, %iota3A_144, %eq3A_154 : vector<1024x16xi32>
    %convert_element_type3A_156 = arith.extui %eq3A_155 : vector<1024x16xi1> to vector<1024x16xi32>
    %convert_element_type3A_157 = arith.sitofp %convert_element_type3A_156 : vector<1024x16xi32> to vector<1024x16xf32>
    %mul3A_158 = vector.broadcast %get3A_3 : vector<1x16xf32> to vector<1024x16xf32>
    %mul3A_159 = arith.mulf %convert_element_type3A_157, %mul3A_158 : vector<1024x16xf32>
    %reduce_sum3A_160 = arith.constant dense<0.000000e+00> : vector<1024xf32>
    %reduce_sum3A_161 = vector.multi_reduction <add>, %mul3A_159, %reduce_sum3A_160 [1] : vector<1024x16xf32> to vector<1024xf32>
    %broadcast_in_dim3A_162 = vector.shape_cast %reduce_sum3A_161 : vector<1024xf32> to vector<1024x1xf32>
    %add3A_163 = arith.addf %get3A_138, %broadcast_in_dim3A_153 : vector<1024x1xf32>
    %lt3A_164 = arith.constant 1.279000e+03 : f32
    %lt3A_165 = vector.broadcast %lt3A_164 : f32 to vector<1024x1xf32>
    %lt3A_166 = arith.cmpf olt, %add3A_163, %lt3A_165 : vector<1024x1xf32>
    %sub3A_167 = arith.constant 1.000000e+00 : f32
    %sub3A_168 = vector.broadcast %sub3A_167 : f32 to vector<1024x1xf32>
    %sub3A_169 = arith.subf %broadcast_in_dim3A_162, %sub3A_168 : vector<1024x1xf32>
    %eq3A_170 = arith.cmpf oeq, %get3A_138, %sub3A_169 : vector<1024x1xf32>
    %or3A_171 = arith.ori %lt3A_166, %eq3A_170 : vector<1024x1xi1>
    %convert_element_type3A_172 = arith.extui %or3A_171 : vector<1024x1xi1> to vector<1024x1xi32>
    %convert_element_type3A_173 = arith.sitofp %convert_element_type3A_172 : vector<1024x1xi32> to vector<1024x1xf32>
    %min3A_174 = arith.constant 1.279000e+03 : f32
    %min3A_175 = vector.broadcast %min3A_174 : f32 to vector<1024x1xf32>
    %min3A_176 = arith.minimumf %add3A_163, %min3A_175 : vector<1024x1xf32>
    %convert_element_type3A_177 = arith.sitofp %get3A_133 : vector<1024x1xi32> to vector<1024x1xf32>
    %mul3A_178 = arith.constant 1.288000e+03 : f32
    %mul3A_179 = vector.broadcast %mul3A_178 : f32 to vector<1024x1xf32>
    %mul3A_180 = arith.mulf %convert_element_type3A_177, %mul3A_179 : vector<1024x1xf32>
    %add3A_181 = arith.addf %mul3A_180, %min3A_176 : vector<1024x1xf32>
    %add3A_182 = arith.constant 1.280000e+03 : f32
    %add3A_183 = vector.broadcast %add3A_182 : f32 to vector<1024x1xf32>
    %add3A_184 = arith.addf %mul3A_180, %add3A_183 : vector<1024x1xf32>
    %gt3A_185 = arith.constant 0.000000e+00 : f32
    %gt3A_186 = vector.broadcast %gt3A_185 : f32 to vector<1024x1xf32>
    %gt3A_187 = arith.cmpf ogt, %convert_element_type3A_173, %gt3A_186 : vector<1024x1xf32>
    %jit3A_188 = arith.constant 0.000000e+00 : f32
    %broadcast_in_dim3A_189 = vector.broadcast %jit3A_188 : f32 to vector<1024x1xf32>
    %select_n3A_190 = arith.select %gt3A_187, %get3A_143, %broadcast_in_dim3A_189 : vector<1024x1xi1>, vector<1024x1xf32>
    %add3A_191 = arith.addf %convert_element_type3A_111, %convert_element_type3A_173 : vector<1024x1xf32>
    %get3A_192 = arith.constant 0 : index
    %get3A_193 = arith.constant 0 : index
    %get3A_194 = vector.load %arg8[%get3A_192, %get3A_193] : memref<1024x1024xbf16, #tpu.memory_space<vmem>>, vector<1024x1024xbf16>
    %convert_element_type3A_195 = arith.truncf %add3A_191 : vector<1024x1xf32> to vector<1024x1xbf16>
    %dot_general3A = arith.constant dense<0.000000e+00> : vector<1024x1xf32>
    %dot_general3A_196 = tpu.matmul %get3A_194, %convert_element_type3A_195, %dot_general3A {dimension_numbers = #tpu.dot_dimension_numbers<[1], [0], [0], [1], [0, 0, 1, 1], [], []>, transpose_lhs_hint = false} : vector<1024x1024xbf16>, vector<1024x1xbf16>, vector<1024x1xf32> -> vector<1024x1xf32>
    %get3A_197 = arith.constant 0 : index
    %get3A_198 = arith.constant 0 : index
    %get3A_199 = vector.load %arg16[%get3A_197, %get3A_198] : memref<8x128xf32, #tpu.memory_space<vmem>>, vector<1x1xf32>
    %add3A_200 = vector.broadcast %get3A_199 : vector<1x1xf32> to vector<1024x1xf32>
    %add3A_201 = arith.addf %add3A_200, %dot_general3A_196 : vector<1024x1xf32>
    %add3A_202 = arith.addf %add3A_201, %convert_element_type3A_111 : vector<1024x1xf32>
    %iota3A_203 = tpu.iota {dimensions = array<i32: 0>} : vector<1024x1xi32>
    %mul3A_204 = arith.constant 1024 : i32
    %mul3A_205 = arith.muli %arg0, %mul3A_204 : i32
    %add3A_206 = vector.broadcast %mul3A_205 : i32 to vector<1024x1xi32>
    %add3A_207 = arith.addi %iota3A_203, %add3A_206 : vector<1024x1xi32>
    %convert_element_type3A_208 = arith.fptosi %broadcast_in_dim3A_37 : vector<1x1xf32> to vector<1x1xi32>
    %sub3A_209 = arith.constant 1536 : i32
    %sub3A_210 = vector.broadcast %sub3A_209 : i32 to vector<1x1xi32>
    %sub3A_211 = arith.subi %sub3A_210, %convert_element_type3A_208 : vector<1x1xi32>
    %convert_element_type3A_212 = arith.sitofp %sub3A_211 : vector<1x1xi32> to vector<1x1xf32>
    %mul3A_213 = arith.constant 2 : i32
    %mul3A_214 = vector.broadcast %mul3A_213 : i32 to vector<1024x1xi32>
    %mul3A_215 = arith.muli %mul3A_214, %add3A_207 : vector<1024x1xi32>
    %convert_element_type3A_216 = arith.fptosi %add3A_201 : vector<1024x1xf32> to vector<1024x1xi32>
    %sub3A_217 = arith.subi %mul3A_215, %convert_element_type3A_216 : vector<1024x1xi32>
    %mul3A_218 = arith.constant 2 : i32
    %mul3A_219 = vector.broadcast %mul3A_218 : i32 to vector<1024x1xi32>
    %mul3A_220 = arith.muli %mul3A_219, %add3A_207 : vector<1024x1xi32>
    %add3A_221 = arith.constant 1 : i32
    %add3A_222 = vector.broadcast %add3A_221 : i32 to vector<1024x1xi32>
    %add3A_223 = arith.addi %mul3A_220, %add3A_222 : vector<1024x1xi32>
    %convert_element_type3A_224 = arith.fptosi %add3A_202 : vector<1024x1xf32> to vector<1024x1xi32>
    %sub3A_225 = arith.subi %add3A_223, %convert_element_type3A_224 : vector<1024x1xi32>
    %gt3A_226 = arith.constant 0.000000e+00 : f32
    %gt3A_227 = vector.broadcast %gt3A_226 : f32 to vector<1024x1xf32>
    %gt3A_228 = arith.cmpf ogt, %convert_element_type3A_111, %gt3A_227 : vector<1024x1xf32>
    %convert_element_type3A_229 = arith.fptosi %add3A_201 : vector<1024x1xf32> to vector<1024x1xi32>
    %convert_element_type3A_230 = arith.sitofp %sub3A_217 : vector<1024x1xi32> to vector<1024x1xf32>
    %div3A_231 = vector.broadcast %convert_element_type3A_212 : vector<1x1xf32> to vector<1024x1xf32>
    %div3A_232 = arith.divf %convert_element_type3A_230, %div3A_231 : vector<1024x1xf32>
    %floor3A_233 = math.floor %div3A_232 : vector<1024x1xf32>
    %convert_element_type3A_234 = arith.fptosi %floor3A_233 : vector<1024x1xf32> to vector<1024x1xi32>
    %mul3A_235 = vector.broadcast %sub3A_211 : vector<1x1xi32> to vector<1024x1xi32>
    %mul3A_236 = arith.muli %convert_element_type3A_234, %mul3A_235 : vector<1024x1xi32>
    %sub3A_237 = arith.subi %sub3A_217, %mul3A_236 : vector<1024x1xi32>
    %lt3A_238 = arith.constant 0 : i32
    %lt3A_239 = vector.broadcast %lt3A_238 : i32 to vector<1024x1xi32>
    %lt3A_240 = arith.cmpi slt, %sub3A_237, %lt3A_239 : vector<1024x1xi32>
    %add3A_241 = vector.broadcast %sub3A_211 : vector<1x1xi32> to vector<1024x1xi32>
    %add3A_242 = arith.addi %sub3A_237, %add3A_241 : vector<1024x1xi32>
    %select_n3A_243 = arith.select %lt3A_240, %add3A_242, %sub3A_237 : vector<1024x1xi1>, vector<1024x1xi32>
    %ge3A = vector.broadcast %sub3A_211 : vector<1x1xi32> to vector<1024x1xi32>
    %ge3A_244 = arith.cmpi sge, %select_n3A_243, %ge3A : vector<1024x1xi32>
    %sub3A_245 = vector.broadcast %sub3A_211 : vector<1x1xi32> to vector<1024x1xi32>
    %sub3A_246 = arith.subi %select_n3A_243, %sub3A_245 : vector<1024x1xi32>
    %select_n3A_247 = arith.select %ge3A_244, %sub3A_246, %select_n3A_243 : vector<1024x1xi1>, vector<1024x1xi32>
    %add3A_248 = vector.broadcast %convert_element_type3A_208 : vector<1x1xi32> to vector<1024x1xi32>
    %add3A_249 = arith.addi %add3A_248, %select_n3A_247 : vector<1024x1xi32>
    %select_n3A_250 = arith.select %gt3A_228, %convert_element_type3A_229, %add3A_249 : vector<1024x1xi1>, vector<1024x1xi32>
    %gt3A_251 = arith.constant 0.000000e+00 : f32
    %gt3A_252 = vector.broadcast %gt3A_251 : f32 to vector<1024x1xf32>
    %gt3A_253 = arith.cmpf ogt, %convert_element_type3A_173, %gt3A_252 : vector<1024x1xf32>
    %convert_element_type3A_254 = arith.fptosi %add3A_202 : vector<1024x1xf32> to vector<1024x1xi32>
    %convert_element_type3A_255 = arith.sitofp %sub3A_225 : vector<1024x1xi32> to vector<1024x1xf32>
    %div3A_256 = vector.broadcast %convert_element_type3A_212 : vector<1x1xf32> to vector<1024x1xf32>
    %div3A_257 = arith.divf %convert_element_type3A_255, %div3A_256 : vector<1024x1xf32>
    %floor3A_258 = math.floor %div3A_257 : vector<1024x1xf32>
    %convert_element_type3A_259 = arith.fptosi %floor3A_258 : vector<1024x1xf32> to vector<1024x1xi32>
    %mul3A_260 = vector.broadcast %sub3A_211 : vector<1x1xi32> to vector<1024x1xi32>
    %mul3A_261 = arith.muli %convert_element_type3A_259, %mul3A_260 : vector<1024x1xi32>
    %sub3A_262 = arith.subi %sub3A_225, %mul3A_261 : vector<1024x1xi32>
    %lt3A_263 = arith.constant 0 : i32
    %lt3A_264 = vector.broadcast %lt3A_263 : i32 to vector<1024x1xi32>
    %lt3A_265 = arith.cmpi slt, %sub3A_262, %lt3A_264 : vector<1024x1xi32>
    %add3A_266 = vector.broadcast %sub3A_211 : vector<1x1xi32> to vector<1024x1xi32>
    %add3A_267 = arith.addi %sub3A_262, %add3A_266 : vector<1024x1xi32>
    %select_n3A_268 = arith.select %lt3A_265, %add3A_267, %sub3A_262 : vector<1024x1xi1>, vector<1024x1xi32>
    %ge3A_269 = vector.broadcast %sub3A_211 : vector<1x1xi32> to vector<1024x1xi32>
    %ge3A_270 = arith.cmpi sge, %select_n3A_268, %ge3A_269 : vector<1024x1xi32>
    %sub3A_271 = vector.broadcast %sub3A_211 : vector<1x1xi32> to vector<1024x1xi32>
    %sub3A_272 = arith.subi %select_n3A_268, %sub3A_271 : vector<1024x1xi32>
    %select_n3A_273 = arith.select %ge3A_270, %sub3A_272, %select_n3A_268 : vector<1024x1xi1>, vector<1024x1xi32>
    %add3A_274 = vector.broadcast %convert_element_type3A_208 : vector<1x1xi32> to vector<1024x1xi32>
    %add3A_275 = arith.addi %add3A_274, %select_n3A_273 : vector<1024x1xi32>
    %select_n3A_276 = arith.select %gt3A_253, %convert_element_type3A_254, %add3A_275 : vector<1024x1xi1>, vector<1024x1xi32>
    %and3A = arith.constant 1023 : i32
    %and3A_277 = vector.broadcast %and3A : i32 to vector<1024x1xi32>
    %and3A_278 = arith.andi %add3A_207, %and3A_277 : vector<1024x1xi32>
    %add3A_279 = arith.constant 17408 : i32
    %add3A_280 = vector.broadcast %add3A_279 : i32 to vector<1024x1xi32>
    %add3A_281 = arith.addi %add3A_280, %and3A_278 : vector<1024x1xi32>
    %gt3A_282 = arith.constant 0.000000e+00 : f32
    %gt3A_283 = vector.broadcast %gt3A_282 : f32 to vector<1024x1xf32>
    %gt3A_284 = arith.cmpf ogt, %convert_element_type3A_111, %gt3A_283 : vector<1024x1xf32>
    %select_n3A_285 = arith.select %gt3A_284, %add3A_207, %add3A_281 : vector<1024x1xi1>, vector<1024x1xi32>
    %gt3A_286 = arith.constant 0.000000e+00 : f32
    %gt3A_287 = vector.broadcast %gt3A_286 : f32 to vector<1024x1xf32>
    %gt3A_288 = arith.cmpf ogt, %convert_element_type3A_173, %gt3A_287 : vector<1024x1xf32>
    %add3A_289 = arith.constant 9216 : i32
    %add3A_290 = vector.broadcast %add3A_289 : i32 to vector<1024x1xi32>
    %add3A_291 = arith.addi %add3A_290, %add3A_207 : vector<1024x1xi32>
    %select_n3A_292 = arith.select %gt3A_288, %add3A_291, %add3A_281 : vector<1024x1xi1>, vector<1024x1xi32>
    %convert_element_type3A_293 = arith.fptosi %add3A_122 : vector<1024x1xf32> to vector<1024x1xi32>
    %and3A_294 = arith.constant 7 : i32
    %and3A_295 = vector.broadcast %and3A_294 : i32 to vector<1024x1xi32>
    %and3A_296 = arith.andi %add3A_207, %and3A_295 : vector<1024x1xi32>
    %add3A_297 = arith.addi %convert_element_type3A_293, %and3A_296 : vector<1024x1xi32>
    %convert_element_type3A_298 = arith.fptosi %add3A_184 : vector<1024x1xf32> to vector<1024x1xi32>
    %and3A_299 = arith.constant 7 : i32
    %and3A_300 = vector.broadcast %and3A_299 : i32 to vector<1024x1xi32>
    %and3A_301 = arith.andi %add3A_207, %and3A_300 : vector<1024x1xi32>
    %add3A_302 = arith.addi %convert_element_type3A_298, %and3A_301 : vector<1024x1xi32>
    %gt3A_303 = arith.constant 0.000000e+00 : f32
    %gt3A_304 = vector.broadcast %gt3A_303 : f32 to vector<1024x1xf32>
    %gt3A_305 = arith.cmpf ogt, %convert_element_type3A_111, %gt3A_304 : vector<1024x1xf32>
    %convert_element_type3A_306 = arith.fptosi %add3A_119 : vector<1024x1xf32> to vector<1024x1xi32>
    %select_n3A_307 = arith.select %gt3A_305, %convert_element_type3A_306, %add3A_297 : vector<1024x1xi1>, vector<1024x1xi32>
    %gt3A_308 = arith.constant 0.000000e+00 : f32
    %gt3A_309 = vector.broadcast %gt3A_308 : f32 to vector<1024x1xf32>
    %gt3A_310 = arith.cmpf ogt, %convert_element_type3A_173, %gt3A_309 : vector<1024x1xf32>
    %convert_element_type3A_311 = arith.fptosi %add3A_181 : vector<1024x1xf32> to vector<1024x1xi32>
    %select_n3A_312 = arith.select %gt3A_310, %convert_element_type3A_311, %add3A_302 : vector<1024x1xi1>, vector<1024x1xi32>
    %iota3A_313 = tpu.iota {dimensions = array<i32: 1>} : vector<1024x128xi32>
    %swap3A_314 = arith.constant 0 : index
    %swap3A_315 = arith.constant 0 : index
    %swap3A_316 = arith.constant 0 : index
    %swap3A_317 = vector.load %arg9[%swap3A_314, %swap3A_315, %swap3A_316] : memref<1x1024x1xi32, #tpu.memory_space<vmem>>, vector<1x1024x1xi32>
    %swap3A_318 = vector.shape_cast %swap3A_317 : vector<1x1024x1xi32> to vector<1024x1xi32>
    %swap3A_319 = vector.shape_cast %select_n3A_250 : vector<1024x1xi32> to vector<1x1024x1xi32>
    tpu.vector_store %arg9[%swap3A_314, %swap3A_315, %swap3A_316], %swap3A_319 {strides = array<i32>} : memref<1x1024x1xi32, #tpu.memory_space<vmem>>, vector<1x1024x1xi32>,
    %swap3A_320 = arith.constant 0 : index
    %swap3A_321 = arith.constant 0 : index
    %swap3A_322 = arith.constant 0 : index
    %swap3A_323 = vector.load %arg10[%swap3A_320, %swap3A_321, %swap3A_322] : memref<1x1024x1xi32, #tpu.memory_space<vmem>>, vector<1x1024x1xi32>
    %swap3A_324 = vector.shape_cast %swap3A_323 : vector<1x1024x1xi32> to vector<1024x1xi32>
    %swap3A_325 = vector.shape_cast %select_n3A_276 : vector<1024x1xi32> to vector<1x1024x1xi32>
    tpu.vector_store %arg10[%swap3A_320, %swap3A_321, %swap3A_322], %swap3A_325 {strides = array<i32>} : memref<1x1024x1xi32, #tpu.memory_space<vmem>>, vector<1x1024x1xi32>,
    %eq3A_326 = arith.constant 0 : i32
    %eq3A_327 = vector.broadcast %eq3A_326 : i32 to vector<1024x128xi32>
    %eq3A_328 = arith.cmpi eq, %iota3A_313, %eq3A_327 : vector<1024x128xi32>
    %eq3A_329 = arith.constant 1 : i32
    %eq3A_330 = vector.broadcast %eq3A_329 : i32 to vector<1024x128xi32>
    %eq3A_331 = arith.cmpi eq, %iota3A_313, %eq3A_330 : vector<1024x128xi32>
    %eq3A_332 = arith.constant 2 : i32
    %eq3A_333 = vector.broadcast %eq3A_332 : i32 to vector<1024x128xi32>
    %eq3A_334 = arith.cmpi eq, %iota3A_313, %eq3A_333 : vector<1024x128xi32>
    %jit3A_335 = arith.constant 0 : i32
    %broadcast_in_dim3A_336 = vector.shape_cast %select_n3A_285 : vector<1024x1xi32> to vector<1024x1xi32>
    %broadcast_in_dim3A_337 = vector.broadcast %broadcast_in_dim3A_336 : vector<1024x1xi32> to vector<1024x128xi32>
    %broadcast_in_dim3A_338 = vector.broadcast %jit3A_335 : i32 to vector<1024x128xi32>
    %select_n3A_339 = arith.select %eq3A_334, %broadcast_in_dim3A_337, %broadcast_in_dim3A_338 : vector<1024x128xi1>, vector<1024x128xi32>
    %broadcast_in_dim3A_340 = vector.shape_cast %select_n3A_307 : vector<1024x1xi32> to vector<1024x1xi32>
    %broadcast_in_dim3A_341 = vector.broadcast %broadcast_in_dim3A_340 : vector<1024x1xi32> to vector<1024x128xi32>
    %select_n3A_342 = arith.select %eq3A_331, %broadcast_in_dim3A_341, %select_n3A_339 : vector<1024x128xi1>, vector<1024x128xi32>
    %broadcast_in_dim3A_343 = vector.shape_cast %add3A_207 : vector<1024x1xi32> to vector<1024x1xi32>
    %broadcast_in_dim3A_344 = vector.broadcast %broadcast_in_dim3A_343 : vector<1024x1xi32> to vector<1024x128xi32>
    %select_n3A_345 = arith.select %eq3A_328, %broadcast_in_dim3A_344, %select_n3A_342 : vector<1024x128xi1>, vector<1024x128xi32>
    %swap3A_346 = arith.constant 0 : index
    %swap3A_347 = arith.constant 0 : index
    %swap3A_348 = arith.constant 0 : index
    %swap3A_349 = vector.load %arg11[%swap3A_346, %swap3A_347, %swap3A_348] : memref<1x1024x128xi32, #tpu.memory_space<vmem>>, vector<1x1024x128xi32>
    %swap3A_350 = vector.shape_cast %swap3A_349 : vector<1x1024x128xi32> to vector<1024x128xi32>
    %swap3A_351 = vector.shape_cast %select_n3A_345 : vector<1024x128xi32> to vector<1x1024x128xi32>
    tpu.vector_store %arg11[%swap3A_346, %swap3A_347, %swap3A_348], %swap3A_351 {strides = array<i32>} : memref<1x1024x128xi32, #tpu.memory_space<vmem>>, vector<1x1024x128xi32>,
    %eq3A_352 = arith.constant 0 : i32
    %eq3A_353 = vector.broadcast %eq3A_352 : i32 to vector<1024x128xi32>
    %eq3A_354 = arith.cmpi eq, %iota3A_313, %eq3A_353 : vector<1024x128xi32>
    %eq3A_355 = arith.constant 1 : i32
    %eq3A_356 = vector.broadcast %eq3A_355 : i32 to vector<1024x128xi32>
    %eq3A_357 = arith.cmpi eq, %iota3A_313, %eq3A_356 : vector<1024x128xi32>
    %eq3A_358 = arith.constant 2 : i32
    %eq3A_359 = vector.broadcast %eq3A_358 : i32 to vector<1024x128xi32>
    %eq3A_360 = arith.cmpi eq, %iota3A_313, %eq3A_359 : vector<1024x128xi32>
    %jit3A_361 = arith.constant 0 : i32
    %broadcast_in_dim3A_362 = vector.shape_cast %select_n3A_292 : vector<1024x1xi32> to vector<1024x1xi32>
    %broadcast_in_dim3A_363 = vector.broadcast %broadcast_in_dim3A_362 : vector<1024x1xi32> to vector<1024x128xi32>
    %broadcast_in_dim3A_364 = vector.broadcast %jit3A_361 : i32 to vector<1024x128xi32>
    %select_n3A_365 = arith.select %eq3A_360, %broadcast_in_dim3A_363, %broadcast_in_dim3A_364 : vector<1024x128xi1>, vector<1024x128xi32>
    %broadcast_in_dim3A_366 = vector.shape_cast %select_n3A_312 : vector<1024x1xi32> to vector<1024x1xi32>
    %broadcast_in_dim3A_367 = vector.broadcast %broadcast_in_dim3A_366 : vector<1024x1xi32> to vector<1024x128xi32>
    %select_n3A_368 = arith.select %eq3A_357, %broadcast_in_dim3A_367, %select_n3A_365 : vector<1024x128xi1>, vector<1024x128xi32>
    %broadcast_in_dim3A_369 = vector.shape_cast %add3A_207 : vector<1024x1xi32> to vector<1024x1xi32>
    %broadcast_in_dim3A_370 = vector.broadcast %broadcast_in_dim3A_369 : vector<1024x1xi32> to vector<1024x128xi32>
    %select_n3A_371 = arith.select %eq3A_354, %broadcast_in_dim3A_370, %select_n3A_368 : vector<1024x128xi1>, vector<1024x128xi32>
    %swap3A_372 = arith.constant 0 : index
    %swap3A_373 = arith.constant 0 : index
    %swap3A_374 = arith.constant 0 : index
    %swap3A_375 = vector.load %arg12[%swap3A_372, %swap3A_373, %swap3A_374] : memref<1x1024x128xi32, #tpu.memory_space<vmem>>, vector<1x1024x128xi32>
    %swap3A_376 = vector.shape_cast %swap3A_375 : vector<1x1024x128xi32> to vector<1024x128xi32>
    %swap3A_377 = vector.shape_cast %select_n3A_371 : vector<1024x128xi32> to vector<1x1024x128xi32>
    tpu.vector_store %arg12[%swap3A_372, %swap3A_373, %swap3A_374], %swap3A_377 {strides = array<i32>} : memref<1x1024x128xi32, #tpu.memory_space<vmem>>, vector<1x1024x128xi32>,
    %swap3A_378 = arith.constant 0 : index
    %swap3A_379 = arith.constant 0 : index
    %swap3A_380 = arith.constant 0 : index
    %swap3A_381 = vector.load %arg13[%swap3A_378, %swap3A_379, %swap3A_380] : memref<1x1024x1xf32, #tpu.memory_space<vmem>>, vector<1x1024x1xf32>
    %swap3A_382 = vector.shape_cast %swap3A_381 : vector<1x1024x1xf32> to vector<1024x1xf32>
    %swap3A_383 = vector.shape_cast %select_n3A_128 : vector<1024x1xf32> to vector<1x1024x1xf32>
    tpu.vector_store %arg13[%swap3A_378, %swap3A_379, %swap3A_380], %swap3A_383 {strides = array<i32>} : memref<1x1024x1xf32, #tpu.memory_space<vmem>>, vector<1x1024x1xf32>,
    %swap3A_384 = arith.constant 0 : index
    %swap3A_385 = arith.constant 0 : index
    %swap3A_386 = arith.constant 0 : index
    %swap3A_387 = vector.load %arg14[%swap3A_384, %swap3A_385, %swap3A_386] : memref<1x1024x1xf32, #tpu.memory_space<vmem>>, vector<1x1024x1xf32>
    %swap3A_388 = vector.shape_cast %swap3A_387 : vector<1x1024x1xf32> to vector<1024x1xf32>
    %swap3A_389 = vector.shape_cast %select_n3A_190 : vector<1024x1xf32> to vector<1x1024x1xf32>
    tpu.vector_store %arg14[%swap3A_384, %swap3A_385, %swap3A_386], %swap3A_389 {strides = array<i32>} : memref<1x1024x1xf32, #tpu.memory_space<vmem>>, vector<1x1024x1xf32>,
    %reduce_sum3A_390 = arith.constant dense<0.000000e+00> : vector<1xf32>
    %reduce_sum3A_391 = vector.multi_reduction <add>, %add3A_191, %reduce_sum3A_390 [0] : vector<1024x1xf32> to vector<1xf32>
    %broadcast_in_dim3A_392 = vector.shape_cast %reduce_sum3A_391 : vector<1xf32> to vector<1x1xf32>
    %add3A_393 = arith.addf %get3A_199, %broadcast_in_dim3A_392 : vector<1x1xf32>
    %swap3A_394 = arith.constant 0 : index
    %swap3A_395 = arith.constant 0 : index
    %swap3A_396 = vector.load %arg16[%swap3A_394, %swap3A_395] : memref<8x128xf32, #tpu.memory_space<vmem>>, vector<1x1xf32>
    tpu.vector_store %arg16[%swap3A_394, %swap3A_395], %add3A_393 {strides = array<i32>} : memref<8x128xf32, #tpu.memory_space<vmem>>, vector<1x1xf32>,
    return
  }
  func.func @transform_0(%arg0: i32) -> (i32, i32, i32) {
    %c0_i32 = arith.constant 0 : i32
    %c0_i32_0 = arith.constant 0 : i32
    %c0_i32_1 = arith.constant 0 : i32
    return %arg0, %c0_i32, %c0_i32_0 : i32, i32, i32
  }
  func.func @transform_1(%arg0: i32) -> (i32, i32, i32) {
    %c0_i32 = arith.constant 0 : i32
    %c0_i32_0 = arith.constant 0 : i32
    %c0_i32_1 = arith.constant 0 : i32
    return %arg0, %c0_i32, %c0_i32_0 : i32, i32, i32
  }
  func.func @transform_2(%arg0: i32) -> (i32, i32, i32) {
    %c0_i32 = arith.constant 0 : i32
    %c0_i32_0 = arith.constant 0 : i32
    %c0_i32_1 = arith.constant 0 : i32
    return %arg0, %c0_i32, %c0_i32_0 : i32, i32, i32
  }
  func.func @transform_3(%arg0: i32) -> (i32, i32, i32) {
    %c0_i32 = arith.constant 0 : i32
    %c0_i32_0 = arith.constant 0 : i32
    %c0_i32_1 = arith.constant 0 : i32
    return %arg0, %c0_i32, %c0_i32_0 : i32, i32, i32
  }
  func.func @transform_4(%arg0: i32) -> (i32, i32, i32) {
    %c0_i32 = arith.constant 0 : i32
    %c0_i32_0 = arith.constant 0 : i32
    %c0_i32_1 = arith.constant 0 : i32
    return %arg0, %c0_i32, %c0_i32_0 : i32, i32, i32
  }
  func.func @transform_5(%arg0: i32) -> (i32, i32, i32) {
    %c0_i32 = arith.constant 0 : i32
    %c0_i32_0 = arith.constant 0 : i32
    %c0_i32_1 = arith.constant 0 : i32
    return %arg0, %c0_i32, %c0_i32_0 : i32, i32, i32
  }
  func.func @transform_6(%arg0: i32) -> (i32, i32) {
    %c0_i32 = arith.constant 0 : i32
    %c0_i32_0 = arith.constant 0 : i32
    %c0_i32_1 = arith.constant 0 : i32
    return %c0_i32, %c0_i32_0 : i32, i32
  }
  func.func @transform_7(%arg0: i32) -> (i32, i32) {
    %c0_i32 = arith.constant 0 : i32
    %c0_i32_0 = arith.constant 0 : i32
    %c0_i32_1 = arith.constant 0 : i32
    return %c0_i32, %c0_i32_0 : i32, i32
  }
  func.func @transform_8(%arg0: i32) -> (i32, i32, i32) {
    %c0_i32 = arith.constant 0 : i32
    %c0_i32_0 = arith.constant 0 : i32
    %c0_i32_1 = arith.constant 0 : i32
    return %arg0, %c0_i32, %c0_i32_0 : i32, i32, i32
  }
  func.func @transform_9(%arg0: i32) -> (i32, i32, i32) {
    %c0_i32 = arith.constant 0 : i32
    %c0_i32_0 = arith.constant 0 : i32
    %c0_i32_1 = arith.constant 0 : i32
    return %arg0, %c0_i32, %c0_i32_0 : i32, i32, i32
  }
  func.func @transform_10(%arg0: i32) -> (i32, i32, i32) {
    %c0_i32 = arith.constant 0 : i32
    %c0_i32_0 = arith.constant 0 : i32
    %c0_i32_1 = arith.constant 0 : i32
    return %arg0, %c0_i32, %c0_i32_0 : i32, i32, i32
  }
  func.func @transform_11(%arg0: i32) -> (i32, i32, i32) {
    %c0_i32 = arith.constant 0 : i32
    %c0_i32_0 = arith.constant 0 : i32
    %c0_i32_1 = arith.constant 0 : i32
    return %arg0, %c0_i32, %c0_i32_0 : i32, i32, i32
  }
  func.func @transform_12(%arg0: i32) -> (i32, i32, i32) {
    %c0_i32 = arith.constant 0 : i32
    %c0_i32_0 = arith.constant 0 : i32
    %c0_i32_1 = arith.constant 0 : i32
    return %arg0, %c0_i32, %c0_i32_0 : i32, i32, i32
  }
  func.func @transform_13(%arg0: i32) -> (i32, i32, i32) {
    %c0_i32 = arith.constant 0 : i32
    %c0_i32_0 = arith.constant 0 : i32
    %c0_i32_1 = arith.constant 0 : i32
    return %arg0, %c0_i32, %c0_i32_0 : i32, i32, i32
  }
  func.func @transform_14(%arg0: i32) -> (i32, i32) {
    %c0_i32 = arith.constant 0 : i32
    %c0_i32_0 = arith.constant 0 : i32
    %c0_i32_1 = arith.constant 0 : i32
    return %c0_i32, %c0_i32_0 : i32, i32
  }
}

module attributes {stable_mosaic.version = 14 : i64} {
  func.func @body(%arg0: i32, %arg1: memref<1536x128xi32, #tpu.memory_space<vmem>>, %arg2: memref<1536x1xi32, #tpu.memory_space<vmem>>, %arg3: memref<1536x1xi32, #tpu.memory_space<vmem>>, %arg4: memref<1536x1xi32, #tpu.memory_space<vmem>>) attributes {dimension_semantics = [#tpu.dimension_semantics<arbitrary>], iteration_bounds = array<i64: 1>, scalar_prefetch = 0 : i64, scratch_operands = 0 : i64, tpu.core_type = #tpu.core_type<tc>, window_params = [{pipeline_mode = #tpu.pipeline_mode<synchronous>, transform_indices = @transform_0, window_bounds = array<i64: 1536, 128>}, {pipeline_mode = #tpu.pipeline_mode<synchronous>, transform_indices = @transform_1, window_bounds = array<i64: 1536, 1>}, {pipeline_mode = #tpu.pipeline_mode<synchronous>, transform_indices = @transform_2, window_bounds = array<i64: 1536, 1>}, {pipeline_mode = #tpu.pipeline_mode<synchronous>, transform_indices = @transform_3, window_bounds = array<i64: 1536, 1>}]} {
    %get3A = arith.constant 0 : index
    %get3A_0 = arith.constant 0 : index
    %get3A_1 = vector.load %arg1[%get3A, %get3A_0] : memref<1536x128xi32, #tpu.memory_space<vmem>>, vector<1536x128xi32>
    %slice3A = vector.extract_strided_slice %get3A_1 {offsets = [0, 0], sizes = [1536, 1], strides = [1, 1]} : vector<1536x128xi32> to vector<1536x1xi32>
    %swap3A = arith.constant 0 : index
    %swap3A_2 = arith.constant 0 : index
    %swap3A_3 = vector.load %arg2[%swap3A, %swap3A_2] : memref<1536x1xi32, #tpu.memory_space<vmem>>, vector<1536x1xi32>
    tpu.vector_store %arg2[%swap3A, %swap3A_2], %slice3A {strides = array<i32>} : memref<1536x1xi32, #tpu.memory_space<vmem>>, vector<1536x1xi32>,
    %slice3A_4 = vector.extract_strided_slice %get3A_1 {offsets = [0, 1], sizes = [1536, 1], strides = [1, 1]} : vector<1536x128xi32> to vector<1536x1xi32>
    %swap3A_5 = arith.constant 0 : index
    %swap3A_6 = arith.constant 0 : index
    %swap3A_7 = vector.load %arg3[%swap3A_5, %swap3A_6] : memref<1536x1xi32, #tpu.memory_space<vmem>>, vector<1536x1xi32>
    tpu.vector_store %arg3[%swap3A_5, %swap3A_6], %slice3A_4 {strides = array<i32>} : memref<1536x1xi32, #tpu.memory_space<vmem>>, vector<1536x1xi32>,
    %slice3A_8 = vector.extract_strided_slice %get3A_1 {offsets = [0, 2], sizes = [1536, 1], strides = [1, 1]} : vector<1536x128xi32> to vector<1536x1xi32>
    %swap3A_9 = arith.constant 0 : index
    %swap3A_10 = arith.constant 0 : index
    %swap3A_11 = vector.load %arg4[%swap3A_9, %swap3A_10] : memref<1536x1xi32, #tpu.memory_space<vmem>>, vector<1536x1xi32>
    tpu.vector_store %arg4[%swap3A_9, %swap3A_10], %slice3A_8 {strides = array<i32>} : memref<1536x1xi32, #tpu.memory_space<vmem>>, vector<1536x1xi32>,
    return
  }
  func.func @transform_0(%arg0: i32) -> (i32, i32) {
    %c0_i32 = arith.constant 0 : i32
    %c0_i32_0 = arith.constant 0 : i32
    %c0_i32_1 = arith.constant 0 : i32
    return %c0_i32, %c0_i32_0 : i32, i32
  }
  func.func @transform_1(%arg0: i32) -> (i32, i32) {
    %c0_i32 = arith.constant 0 : i32
    %c0_i32_0 = arith.constant 0 : i32
    %c0_i32_1 = arith.constant 0 : i32
    return %c0_i32, %c0_i32_0 : i32, i32
  }
  func.func @transform_2(%arg0: i32) -> (i32, i32) {
    %c0_i32 = arith.constant 0 : i32
    %c0_i32_0 = arith.constant 0 : i32
    %c0_i32_1 = arith.constant 0 : i32
    return %c0_i32, %c0_i32_0 : i32, i32
  }
  func.func @transform_3(%arg0: i32) -> (i32, i32) {
    %c0_i32 = arith.constant 0 : i32
    %c0_i32_0 = arith.constant 0 : i32
    %c0_i32_1 = arith.constant 0 : i32
    return %c0_i32, %c0_i32_0 : i32, i32
  }
}

module attributes {stable_mosaic.version = 14 : i64} {
  func.func @_mlp_body(%arg0: i32, %arg1: i32, %arg2: memref<32xi32, #tpu.memory_space<smem>>, %arg3: memref<1x1288x1024xf32, #tpu.memory_space<vmem>>, %arg4: memref<1x1024x256xf32, #tpu.memory_space<vmem>>, %arg5: memref<1x1024x256xf32, #tpu.memory_space<vmem>>, %arg6: memref<1x256x1024xf32, #tpu.memory_space<vmem>>, %arg7: memref<1x1288x1024xf32, #tpu.memory_space<vmem>>, %arg8: memref<1288x1024xbf16, #tpu.memory_space<vmem>>) attributes {dimension_semantics = [#tpu.dimension_semantics<arbitrary>, #tpu.dimension_semantics<arbitrary>], iteration_bounds = array<i64: 16, 11>, scalar_prefetch = 1 : i64, scratch_operands = 1 : i64, tpu.core_type = #tpu.core_type<tc>, window_params = [{transform_indices = @transform_0, window_bounds = array<i64: 1, 1288, 1024>}, {transform_indices = @transform_1, window_bounds = array<i64: 1, 1024, 256>}, {transform_indices = @transform_2, window_bounds = array<i64: 1, 1024, 256>}, {transform_indices = @transform_3, window_bounds = array<i64: 1, 256, 1024>}, {transform_indices = @transform_4, window_bounds = array<i64: 1, 1288, 1024>}]} {
    %get3A = arith.index_cast %arg0 : i32 to index
    %get3A_0 = memref.load %arg2[%get3A] : memref<32xi32, #tpu.memory_space<smem>>
    %add3A = arith.constant 16 : i32
    %add3A_1 = arith.addi %add3A, %arg0 : i32
    %get3A_2 = arith.index_cast %add3A_1 : i32 to index
    %get3A_3 = memref.load %arg2[%get3A_2] : memref<32xi32, #tpu.memory_space<smem>>
    %get3A_4 = arith.constant 0 : index
    %get3A_5 = arith.constant 0 : index
    %get3A_6 = arith.constant 0 : index
    %get3A_7 = vector.load %arg4[%get3A_4, %get3A_5, %get3A_6] : memref<1x1024x256xf32, #tpu.memory_space<vmem>>, vector<1x1024x256xf32>
    %get3A_8 = vector.shape_cast %get3A_7 : vector<1x1024x256xf32> to vector<1024x256xf32>
    %convert_element_type3A = arith.truncf %get3A_8 : vector<1024x256xf32> to vector<1024x256xbf16>
    %get3A_9 = arith.constant 0 : index
    %get3A_10 = arith.constant 0 : index
    %get3A_11 = arith.constant 0 : index
    %get3A_12 = vector.load %arg5[%get3A_9, %get3A_10, %get3A_11] : memref<1x1024x256xf32, #tpu.memory_space<vmem>>, vector<1x1024x256xf32>
    %get3A_13 = vector.shape_cast %get3A_12 : vector<1x1024x256xf32> to vector<1024x256xf32>
    %convert_element_type3A_14 = arith.truncf %get3A_13 : vector<1024x256xf32> to vector<1024x256xbf16>
    %get3A_15 = arith.constant 0 : index
    %get3A_16 = arith.constant 0 : index
    %get3A_17 = arith.constant 0 : index
    %get3A_18 = vector.load %arg6[%get3A_15, %get3A_16, %get3A_17] : memref<1x256x1024xf32, #tpu.memory_space<vmem>>, vector<1x256x1024xf32>
    %get3A_19 = vector.shape_cast %get3A_18 : vector<1x256x1024xf32> to vector<256x1024xf32>
    %convert_element_type3A_20 = arith.truncf %get3A_19 : vector<256x1024xf32> to vector<256x1024xbf16>
    %eq3A = arith.constant 0 : i32
    %eq3A_21 = arith.cmpi eq, %arg1, %eq3A : i32
    %convert_element_type3A_22 = arith.extui %eq3A_21 : i1 to i32
    %cond3A = arith.constant 0 : i32
    %cond3A_23 = arith.cmpi ne, %convert_element_type3A_22, %cond3A : i32
    scf.if %cond3A_23 {
      %while3A_32 = arith.constant 0 : i32
      %while3A_33 = arith.subi %get3A_3, %get3A_0 : i32
      %while3A_34 = arith.addi %get3A_0, %while3A_33 : i32
      %while3A_35 = arith.constant 1 : i32
      %while3A_36 = arith.divsi %while3A_33, %while3A_35 : i32
      %while3A_37 = arith.muli %while3A_36, %while3A_35 : i32
      %while3A_38 = arith.addi %get3A_0, %while3A_37 : i32
      %while3A_39 = arith.constant 1 : i32
      scf.for %while3A_41 = %get3A_0 to %while3A_38 step %while3A_39  : i32 {
        %mul3A = arith.constant 128 : i32
        %mul3A_42 = arith.muli %while3A_41, %mul3A : i32
        %get3A_43 = arith.constant 0 : index
        %get3A_44 = arith.index_cast %mul3A_42 : i32 to index
        %get3A_45 = arith.constant 0 : index
        %get3A_46 = vector.load %arg3[%get3A_43, %get3A_44, %get3A_45] : memref<1x1288x1024xf32, #tpu.memory_space<vmem>>, vector<1x128x1024xf32>
        %get3A_47 = vector.shape_cast %get3A_46 : vector<1x128x1024xf32> to vector<128x1024xf32>
        %convert_element_type3A_48 = arith.truncf %get3A_47 : vector<128x1024xf32> to vector<128x1024xbf16>
        %swap3A = arith.index_cast %mul3A_42 : i32 to index
        %swap3A_49 = arith.constant 0 : index
        %swap3A_50 = vector.load %arg8[%swap3A, %swap3A_49] : memref<1288x1024xbf16, #tpu.memory_space<vmem>>, vector<128x1024xbf16>
        tpu.vector_store %arg8[%swap3A, %swap3A_49], %convert_element_type3A_48 {strides = array<i32>} : memref<1288x1024xbf16, #tpu.memory_space<vmem>>, vector<128x1024xbf16>,
      }
      %while3A_40 = arith.constant 1 : i32
      scf.for %while3A_41 = %while3A_38 to %while3A_34 step %while3A_40  : i32 {
        %mul3A = arith.constant 128 : i32
        %mul3A_42 = arith.muli %while3A_41, %mul3A : i32
        %get3A_43 = arith.constant 0 : index
        %get3A_44 = arith.index_cast %mul3A_42 : i32 to index
        %get3A_45 = arith.constant 0 : index
        %get3A_46 = vector.load %arg3[%get3A_43, %get3A_44, %get3A_45] : memref<1x1288x1024xf32, #tpu.memory_space<vmem>>, vector<1x128x1024xf32>
        %get3A_47 = vector.shape_cast %get3A_46 : vector<1x128x1024xf32> to vector<128x1024xf32>
        %convert_element_type3A_48 = arith.truncf %get3A_47 : vector<128x1024xf32> to vector<128x1024xbf16>
        %swap3A = arith.index_cast %mul3A_42 : i32 to index
        %swap3A_49 = arith.constant 0 : index
        %swap3A_50 = vector.load %arg8[%swap3A, %swap3A_49] : memref<1288x1024xbf16, #tpu.memory_space<vmem>>, vector<128x1024xbf16>
        tpu.vector_store %arg8[%swap3A, %swap3A_49], %convert_element_type3A_48 {strides = array<i32>} : memref<1288x1024xbf16, #tpu.memory_space<vmem>>, vector<128x1024xbf16>,
      }
    } else {
    }
    %while3A = arith.constant 0 : i32
    %while3A_24 = arith.subi %get3A_3, %get3A_0 : i32
    %while3A_25 = arith.addi %get3A_0, %while3A_24 : i32
    %while3A_26 = arith.constant 1 : i32
    %while3A_27 = arith.divsi %while3A_24, %while3A_26 : i32
    %while3A_28 = arith.muli %while3A_27, %while3A_26 : i32
    %while3A_29 = arith.addi %get3A_0, %while3A_28 : i32
    %while3A_30 = arith.constant 1 : i32
    scf.for %while3A_32 = %get3A_0 to %while3A_29 step %while3A_30  : i32 {
      %mul3A = arith.constant 128 : i32
      %mul3A_33 = arith.muli %while3A_32, %mul3A : i32
      %get3A_34 = arith.index_cast %mul3A_33 : i32 to index
      %get3A_35 = arith.constant 0 : index
      %get3A_36 = vector.load %arg8[%get3A_34, %get3A_35] : memref<1288x1024xbf16, #tpu.memory_space<vmem>>, vector<128x1024xbf16>
      %dot_general3A = arith.constant dense<0.000000e+00> : vector<128x256xf32>
      %dot_general3A_37 = tpu.matmul %get3A_36, %convert_element_type3A, %dot_general3A {dimension_numbers = #tpu.dot_dimension_numbers<[1], [0], [0], [1], [0, 0, 1, 1], [], []>, transpose_lhs_hint = false} : vector<128x1024xbf16>, vector<1024x256xbf16>, vector<128x256xf32> -> vector<128x256xf32>
      %dot_general3A_38 = arith.constant dense<0.000000e+00> : vector<128x256xf32>
      %dot_general3A_39 = tpu.matmul %get3A_36, %convert_element_type3A_14, %dot_general3A_38 {dimension_numbers = #tpu.dot_dimension_numbers<[1], [0], [0], [1], [0, 0, 1, 1], [], []>, transpose_lhs_hint = false} : vector<128x1024xbf16>, vector<1024x256xbf16>, vector<128x256xf32> -> vector<128x256xf32>
      %logistic3A = arith.negf %dot_general3A_37 : vector<128x256xf32>
      %logistic3A_40 = math.exp %logistic3A : vector<128x256xf32>
      %logistic3A_41 = arith.constant 1.000000e+00 : f32
      %logistic3A_42 = vector.broadcast %logistic3A_41 : f32 to vector<128x256xf32>
      %logistic3A_43 = arith.addf %logistic3A_42, %logistic3A_40 : vector<128x256xf32>
      %logistic3A_44 = arith.divf %logistic3A_42, %logistic3A_43 : vector<128x256xf32>
      %mul3A_45 = arith.mulf %dot_general3A_37, %logistic3A_44 : vector<128x256xf32>
      %mul3A_46 = arith.mulf %mul3A_45, %dot_general3A_39 : vector<128x256xf32>
      %convert_element_type3A_47 = arith.truncf %mul3A_46 : vector<128x256xf32> to vector<128x256xbf16>
      %dot_general3A_48 = arith.constant dense<0.000000e+00> : vector<128x1024xf32>
      %dot_general3A_49 = tpu.matmul %convert_element_type3A_47, %convert_element_type3A_20, %dot_general3A_48 {dimension_numbers = #tpu.dot_dimension_numbers<[1], [0], [0], [1], [0, 0, 1, 1], [], []>, transpose_lhs_hint = false} : vector<128x256xbf16>, vector<256x1024xbf16>, vector<128x1024xf32> -> vector<128x1024xf32>
      %get3A_50 = arith.constant 0 : index
      %get3A_51 = arith.index_cast %mul3A_33 : i32 to index
      %get3A_52 = arith.constant 0 : index
      %get3A_53 = vector.load %arg7[%get3A_50, %get3A_51, %get3A_52] : memref<1x1288x1024xf32, #tpu.memory_space<vmem>>, vector<1x128x1024xf32>
      %get3A_54 = vector.shape_cast %get3A_53 : vector<1x128x1024xf32> to vector<128x1024xf32>
      %eq3A_55 = arith.constant 0 : i32
      %eq3A_56 = arith.cmpi eq, %arg1, %eq3A_55 : i32
      %add3A_57 = arith.addf %get3A_54, %dot_general3A_49 : vector<128x1024xf32>
      %select_n3A = arith.select %eq3A_56, %dot_general3A_49, %add3A_57 : vector<128x1024xf32>
      %swap3A = arith.constant 0 : index
      %swap3A_58 = arith.index_cast %mul3A_33 : i32 to index
      %swap3A_59 = arith.constant 0 : index
      %swap3A_60 = vector.load %arg7[%swap3A, %swap3A_58, %swap3A_59] : memref<1x1288x1024xf32, #tpu.memory_space<vmem>>, vector<1x128x1024xf32>
      %swap3A_61 = vector.shape_cast %swap3A_60 : vector<1x128x1024xf32> to vector<128x1024xf32>
      %swap3A_62 = vector.shape_cast %select_n3A : vector<128x1024xf32> to vector<1x128x1024xf32>
      tpu.vector_store %arg7[%swap3A, %swap3A_58, %swap3A_59], %swap3A_62 {strides = array<i32>} : memref<1x1288x1024xf32, #tpu.memory_space<vmem>>, vector<1x128x1024xf32>,
    }
    %while3A_31 = arith.constant 1 : i32
    scf.for %while3A_32 = %while3A_29 to %while3A_25 step %while3A_31  : i32 {
      %mul3A = arith.constant 128 : i32
      %mul3A_33 = arith.muli %while3A_32, %mul3A : i32
      %get3A_34 = arith.index_cast %mul3A_33 : i32 to index
      %get3A_35 = arith.constant 0 : index
      %get3A_36 = vector.load %arg8[%get3A_34, %get3A_35] : memref<1288x1024xbf16, #tpu.memory_space<vmem>>, vector<128x1024xbf16>
      %dot_general3A = arith.constant dense<0.000000e+00> : vector<128x256xf32>
      %dot_general3A_37 = tpu.matmul %get3A_36, %convert_element_type3A, %dot_general3A {dimension_numbers = #tpu.dot_dimension_numbers<[1], [0], [0], [1], [0, 0, 1, 1], [], []>, transpose_lhs_hint = false} : vector<128x1024xbf16>, vector<1024x256xbf16>, vector<128x256xf32> -> vector<128x256xf32>
      %dot_general3A_38 = arith.constant dense<0.000000e+00> : vector<128x256xf32>
      %dot_general3A_39 = tpu.matmul %get3A_36, %convert_element_type3A_14, %dot_general3A_38 {dimension_numbers = #tpu.dot_dimension_numbers<[1], [0], [0], [1], [0, 0, 1, 1], [], []>, transpose_lhs_hint = false} : vector<128x1024xbf16>, vector<1024x256xbf16>, vector<128x256xf32> -> vector<128x256xf32>
      %logistic3A = arith.negf %dot_general3A_37 : vector<128x256xf32>
      %logistic3A_40 = math.exp %logistic3A : vector<128x256xf32>
      %logistic3A_41 = arith.constant 1.000000e+00 : f32
      %logistic3A_42 = vector.broadcast %logistic3A_41 : f32 to vector<128x256xf32>
      %logistic3A_43 = arith.addf %logistic3A_42, %logistic3A_40 : vector<128x256xf32>
      %logistic3A_44 = arith.divf %logistic3A_42, %logistic3A_43 : vector<128x256xf32>
      %mul3A_45 = arith.mulf %dot_general3A_37, %logistic3A_44 : vector<128x256xf32>
      %mul3A_46 = arith.mulf %mul3A_45, %dot_general3A_39 : vector<128x256xf32>
      %convert_element_type3A_47 = arith.truncf %mul3A_46 : vector<128x256xf32> to vector<128x256xbf16>
      %dot_general3A_48 = arith.constant dense<0.000000e+00> : vector<128x1024xf32>
      %dot_general3A_49 = tpu.matmul %convert_element_type3A_47, %convert_element_type3A_20, %dot_general3A_48 {dimension_numbers = #tpu.dot_dimension_numbers<[1], [0], [0], [1], [0, 0, 1, 1], [], []>, transpose_lhs_hint = false} : vector<128x256xbf16>, vector<256x1024xbf16>, vector<128x1024xf32> -> vector<128x1024xf32>
      %get3A_50 = arith.constant 0 : index
      %get3A_51 = arith.index_cast %mul3A_33 : i32 to index
      %get3A_52 = arith.constant 0 : index
      %get3A_53 = vector.load %arg7[%get3A_50, %get3A_51, %get3A_52] : memref<1x1288x1024xf32, #tpu.memory_space<vmem>>, vector<1x128x1024xf32>
      %get3A_54 = vector.shape_cast %get3A_53 : vector<1x128x1024xf32> to vector<128x1024xf32>
      %eq3A_55 = arith.constant 0 : i32
      %eq3A_56 = arith.cmpi eq, %arg1, %eq3A_55 : i32
      %add3A_57 = arith.addf %get3A_54, %dot_general3A_49 : vector<128x1024xf32>
      %select_n3A = arith.select %eq3A_56, %dot_general3A_49, %add3A_57 : vector<128x1024xf32>
      %swap3A = arith.constant 0 : index
      %swap3A_58 = arith.index_cast %mul3A_33 : i32 to index
      %swap3A_59 = arith.constant 0 : index
      %swap3A_60 = vector.load %arg7[%swap3A, %swap3A_58, %swap3A_59] : memref<1x1288x1024xf32, #tpu.memory_space<vmem>>, vector<1x128x1024xf32>
      %swap3A_61 = vector.shape_cast %swap3A_60 : vector<1x128x1024xf32> to vector<128x1024xf32>
      %swap3A_62 = vector.shape_cast %select_n3A : vector<128x1024xf32> to vector<1x128x1024xf32>
      tpu.vector_store %arg7[%swap3A, %swap3A_58, %swap3A_59], %swap3A_62 {strides = array<i32>} : memref<1x1288x1024xf32, #tpu.memory_space<vmem>>, vector<1x128x1024xf32>,
    }
    return
  }
  func.func @transform_0(%arg0: i32, %arg1: i32, %arg2: memref<32xi32, #tpu.memory_space<smem>>) -> (i32, i32, i32) {
    %c0_i32 = arith.constant 0 : i32
    %c0_i32_0 = arith.constant 0 : i32
    %c0_i32_1 = arith.constant 0 : i32
    return %arg0, %c0_i32, %c0_i32_0 : i32, i32, i32
  }
  func.func @transform_1(%arg0: i32, %arg1: i32, %arg2: memref<32xi32, #tpu.memory_space<smem>>) -> (i32, i32, i32) {
    %c0_i32 = arith.constant 0 : i32
    %c0_i32_0 = arith.constant 0 : i32
    return %arg0, %c0_i32, %arg1 : i32, i32, i32
  }
  func.func @transform_2(%arg0: i32, %arg1: i32, %arg2: memref<32xi32, #tpu.memory_space<smem>>) -> (i32, i32, i32) {
    %c0_i32 = arith.constant 0 : i32
    %c0_i32_0 = arith.constant 0 : i32
    return %arg0, %c0_i32, %arg1 : i32, i32, i32
  }
  func.func @transform_3(%arg0: i32, %arg1: i32, %arg2: memref<32xi32, #tpu.memory_space<smem>>) -> (i32, i32, i32) {
    %c0_i32 = arith.constant 0 : i32
    %c0_i32_0 = arith.constant 0 : i32
    return %arg0, %arg1, %c0_i32 : i32, i32, i32
  }
  func.func @transform_4(%arg0: i32, %arg1: i32, %arg2: memref<32xi32, #tpu.memory_space<smem>>) -> (i32, i32, i32) {
    %c0_i32 = arith.constant 0 : i32
    %c0_i32_0 = arith.constant 0 : i32
    %c0_i32_1 = arith.constant 0 : i32
    return %arg0, %c0_i32, %c0_i32_0 : i32, i32, i32
  }
}

module attributes {stable_mosaic.version = 14 : i64} {
  func.func @_fin_body(%arg0: i32, %arg1: memref<1024x1024xf32, #tpu.memory_space<vmem>>, %arg2: memref<1024x1024xf32, #tpu.memory_space<vmem>>, %arg3: memref<1x1024x1xf32, #tpu.memory_space<vmem>>, %arg4: memref<1x1024x1xf32, #tpu.memory_space<vmem>>, %arg5: memref<1024x1024xf32, #tpu.memory_space<vmem>>) attributes {dimension_semantics = [#tpu.dimension_semantics<arbitrary>], iteration_bounds = array<i64: 8>, scalar_prefetch = 0 : i64, scratch_operands = 0 : i64, tpu.core_type = #tpu.core_type<tc>, window_params = [{transform_indices = @transform_0, window_bounds = array<i64: 1024, 1024>}, {transform_indices = @transform_1, window_bounds = array<i64: 1024, 1024>}, {transform_indices = @transform_2, window_bounds = array<i64: 1, 1024, 1>}, {transform_indices = @transform_3, window_bounds = array<i64: 1, 1024, 1>}, {transform_indices = @transform_4, window_bounds = array<i64: 1024, 1024>}]} {
    %get3A = arith.constant 0 : index
    %get3A_0 = arith.constant 0 : index
    %get3A_1 = arith.constant 0 : index
    %get3A_2 = vector.load %arg3[%get3A, %get3A_0, %get3A_1] : memref<1x1024x1xf32, #tpu.memory_space<vmem>>, vector<1x1024x1xf32>
    %get3A_3 = vector.shape_cast %get3A_2 : vector<1x1024x1xf32> to vector<1024x1xf32>
    %get3A_4 = arith.constant 0 : index
    %get3A_5 = arith.constant 0 : index
    %get3A_6 = arith.constant 0 : index
    %get3A_7 = vector.load %arg4[%get3A_4, %get3A_5, %get3A_6] : memref<1x1024x1xf32, #tpu.memory_space<vmem>>, vector<1x1024x1xf32>
    %get3A_8 = vector.shape_cast %get3A_7 : vector<1x1024x1xf32> to vector<1024x1xf32>
    %gt3A = arith.constant 0.000000e+00 : f32
    %gt3A_9 = vector.broadcast %gt3A : f32 to vector<1024x1xf32>
    %gt3A_10 = arith.cmpf ogt, %get3A_3, %gt3A_9 : vector<1024x1xf32>
    %get3A_11 = arith.constant 0 : index
    %get3A_12 = arith.constant 0 : index
    %get3A_13 = vector.load %arg1[%get3A_11, %get3A_12] : memref<1024x1024xf32, #tpu.memory_space<vmem>>, vector<1024x1024xf32>
    %mul3A = vector.broadcast %get3A_3 : vector<1024x1xf32> to vector<1024x1024xf32>
    %mul3A_14 = arith.mulf %mul3A, %get3A_13 : vector<1024x1024xf32>
    %jit3A = arith.constant 0.000000e+00 : f32
    %broadcast_in_dim3A = vector.shape_cast %gt3A_10 : vector<1024x1xi1> to vector<1024x1xi1>
    %broadcast_in_dim3A_15 = vector.broadcast %broadcast_in_dim3A : vector<1024x1xi1> to vector<1024x1024xi1>
    %broadcast_in_dim3A_16 = vector.broadcast %jit3A : f32 to vector<1024x1024xf32>
    %select_n3A = arith.select %broadcast_in_dim3A_15, %mul3A_14, %broadcast_in_dim3A_16 : vector<1024x1024xi1>, vector<1024x1024xf32>
    %gt3A_17 = arith.constant 0.000000e+00 : f32
    %gt3A_18 = vector.broadcast %gt3A_17 : f32 to vector<1024x1xf32>
    %gt3A_19 = arith.cmpf ogt, %get3A_8, %gt3A_18 : vector<1024x1xf32>
    %get3A_20 = arith.constant 0 : index
    %get3A_21 = arith.constant 0 : index
    %get3A_22 = vector.load %arg2[%get3A_20, %get3A_21] : memref<1024x1024xf32, #tpu.memory_space<vmem>>, vector<1024x1024xf32>
    %mul3A_23 = vector.broadcast %get3A_8 : vector<1024x1xf32> to vector<1024x1024xf32>
    %mul3A_24 = arith.mulf %mul3A_23, %get3A_22 : vector<1024x1024xf32>
    %jit3A_25 = arith.constant 0.000000e+00 : f32
    %broadcast_in_dim3A_26 = vector.shape_cast %gt3A_19 : vector<1024x1xi1> to vector<1024x1xi1>
    %broadcast_in_dim3A_27 = vector.broadcast %broadcast_in_dim3A_26 : vector<1024x1xi1> to vector<1024x1024xi1>
    %broadcast_in_dim3A_28 = vector.broadcast %jit3A_25 : f32 to vector<1024x1024xf32>
    %select_n3A_29 = arith.select %broadcast_in_dim3A_27, %mul3A_24, %broadcast_in_dim3A_28 : vector<1024x1024xi1>, vector<1024x1024xf32>
    %add3A = arith.addf %select_n3A, %select_n3A_29 : vector<1024x1024xf32>
    %swap3A = arith.constant 0 : index
    %swap3A_30 = arith.constant 0 : index
    %swap3A_31 = vector.load %arg5[%swap3A, %swap3A_30] : memref<1024x1024xf32, #tpu.memory_space<vmem>>, vector<1024x1024xf32>
    tpu.vector_store %arg5[%swap3A, %swap3A_30], %add3A {strides = array<i32>} : memref<1024x1024xf32, #tpu.memory_space<vmem>>, vector<1024x1024xf32>,
    return
  }
  func.func @transform_0(%arg0: i32) -> (i32, i32) {
    %c0_i32 = arith.constant 0 : i32
    %c0_i32_0 = arith.constant 0 : i32
    return %arg0, %c0_i32 : i32, i32
  }
  func.func @transform_1(%arg0: i32) -> (i32, i32) {
    %add3A = arith.constant 9 : i32
    %add3A_0 = arith.addi %add3A, %arg0 : i32
    %c0_i32 = arith.constant 0 : i32
    %c0_i32_1 = arith.constant 0 : i32
    return %add3A_0, %c0_i32 : i32, i32
  }
  func.func @transform_2(%arg0: i32) -> (i32, i32, i32) {
    %c0_i32 = arith.constant 0 : i32
    %c0_i32_0 = arith.constant 0 : i32
    %c0_i32_1 = arith.constant 0 : i32
    return %arg0, %c0_i32, %c0_i32_0 : i32, i32, i32
  }
  func.func @transform_3(%arg0: i32) -> (i32, i32, i32) {
    %c0_i32 = arith.constant 0 : i32
    %c0_i32_0 = arith.constant 0 : i32
    %c0_i32_1 = arith.constant 0 : i32
    return %arg0, %c0_i32, %c0_i32_0 : i32, i32, i32
  }
  func.func @transform_4(%arg0: i32) -> (i32, i32) {
    %c0_i32 = arith.constant 0 : i32
    %c0_i32_0 = arith.constant 0 : i32
    return %arg0, %c0_i32 : i32, i32
  }
}

</mosaic_0001>

<sc_bundles>
// kernel: kernel.10.cloned.1.call-start
scs
__scs_entry_jumppad:
0x0: {  	(pc) =	sbr.rel $0x88, $3  }
0x1: {  	(tag) =	ssettag $0x0;
	lr =	simm.s32 $0x1  }
0x2: {  	[smem:$0x3F9C] =	sst lr;
	_ =	strace $0xD0000000  }
0x3: {  	_ = 	snop  }
0x4: {  	_ = 	snop  }
0x5: {  	_ = 	snop  }
0x6: {  	_ = 	snop  }
0x7: {  	_ = 	snop  }
__scs_overlays_trampoline_lowered:
0x8: {  	[smem:$0x3FAB] =	sst s0  }
0x9: {  	[smem:$0x3FAC] =	sst s1  }
0xa: {  	[smem:$0x3FAD] =	sst s2  }
0xb: {  	[smem:$0x3FAE] =	sst s3  }
0xc: {  	[smem:$0x3FAF] =	sst s4  }
0xd: {  	[smem:$0x3FB0] =	sst s5  }
0xe: {  	[smem:$0x3FB1] =	sst s6  }
0xf: {  	[smem:$0x3FB2] =	sst s7  }
0x10: {  	[smem:$0x3FB3] =	sst s8  }
0x11: {  	[smem:$0x3FB4] =	sst s9;
	s0 =	simm.s32 @!p0 $0x0  }
0x12: {  	s1 =	sld [smem:$0x3F9A];
	s0 =	simm.s32 @p0 $0x1  }
0x13: {  	[smem:$0x3FB5] =	sst s0;
	s0 =	simm.s32 @!p1 $0x0  }
0x14: {  	s2 =	sld [smem:$0x3F99];
	s0 =	simm.s32 @p1 $0x1  }
0x15: {  	[smem:$0x3FB6] =	sst s0;
	s0 =	simm.s32 @!p2 $0x0  }
0x16: {  	s3 =	sld [smem:$0x3FDB];
	s0 =	simm.s32 @p2 $0x1  }
0x17: {  	s4 =	simm.s32 $0x1BF5;
	[smem:$0x3FB8] =	sst s0  }
0x18: {  	s0 =	sld [smem:$0x3F9B];
	_ =	swait.ge [sflag:s4], $0x0  }
0x19: {  	s7 =	sld [smem:$0x3F9C]  }
0x1a: {  	s8 =	sadd.s32 $0xFFFFE003, lr  }
0x1b: {  	s9 =	sadd.s32 $0xFFFFFEF7, lr;
	s5 =	simm.s32 $0xFFFFFFFF;
	p2 =	slt.u32 s8, $0xFFFFF086  }
0x1c: {  	p1 =	slt.u32 s9, $0xF7A;
	s5 =	simm.s32 @!p2 $0x0  }
0x1d: {  	s5 =	simm.s32 @p1 $0x1;
	p0 =	seq.s32 s7, s2  }
0x1e: {  	s7 =	smul.u32 @!p0 $0xF7A, s2;
	p2 =	seq.s32 @!p0 s5, $0x0  }
0x1f: {  	s9 =	smul.u32 $0xF7A, s1;
	s8 =	simm.s32 @!p0 $0x1BF5;
	p2 =	por !p2, p0  }
0x20: {  	[sflag:s8] =	ssyncset.s32 @!p0 $0xFFFFF086;
	s6 =	sadd.s32 @!p0 s3, s7;
	s7 =	simm.s32 @!p0 $0x108  }
0x21: {  	s3 =	sadd.s32 s3, s9;
	s6 =	sadd.s32 @!p0 $0x88, s6;
	s7 =	simm.s32 @p2 $0x1082  }
0x22: {  	[simem:s7], [sflag:s8] =	dma.local @!p0 [hbm:s6], $0xF7A  }
0x23: {  	s9 =	sor.u32 $0xD0000000, s2;
	s6 =	simm.s32 $0x108;
	_ =	swait.ge @!p0 [sflag:s8], $0x0  }
0x24: {  	s3 =	sadd.s32 $0x88, s3;
	s6 =	simm.s32 @!p1 $0x1082;
	[sflag:s4] =	ssyncset.s32 $0xFFFFF086  }
0x25: {  	[simem:s6], [sflag:s4] =	dma.local [hbm:s3], $0xF7A  }
0x26: {  	[smem:$0x3F9C] =	sst s1;
	(tag) =	ssettag s2;
	_ =	strace s9  }
0x27: {  	s1 =	sld [smem:$0x3FAC]  }
0x28: {  	s2 =	sld [smem:$0x3FAD]  }
0x29: {  	s4 =	sld [smem:$0x3FAF]  }
0x2a: {  	p0 =	seq.s32 s5, $0x0;
	s5 =	sld [smem:$0x3FB0]  }
0x2b: {  	s6 =	sld [smem:$0x3FB1]  }
0x2c: {  	s7 =	sld [smem:$0x3FB2]  }
0x2d: {  	s3 =	simm.s32 $0x108;
	s8 =	sld [smem:$0x3FB3]  }
0x2e: {  	s3 =	simm.s32 @!p0 $0x1082;
	s9 =	sld [smem:$0x3FB4]  }
0x2f: {  	lr =	sadd.s32 s0, s3;
	s0 =	sld [smem:$0x3FAB]  }
0x30: {  	s3 =	sld [smem:$0x3FAE]  }
0x31: {  	[smem:$0x3FB7] =	sst s10  }
0x32: {  	s10 =	sld [smem:$0x3FB5];
	_ =	sdelay $0x3  }
0x33: {  	p0 =	seq.s32 s10, $0x1;
	s10 =	sld [smem:$0x3FB7];
	_ =	sdelay $0x3  }
0x34: {  	[smem:$0x3FB7] =	sst s10  }
0x35: {  	s10 =	sld [smem:$0x3FB6];
	_ =	sdelay $0x3  }
0x36: {  	p1 =	seq.s32 s10, $0x1;
	s10 =	sld [smem:$0x3FB7];
	_ =	sdelay $0x3  }
0x37: {  	[smem:$0x3FB7] =	sst s10  }
0x38: {  	s10 =	sld [smem:$0x3FB8]  }
0x39: {  	_ = 	snop;
	(pc) =	sbr.ind lr, $3  }
0x3a: {  	_ = 	snop  }
0x3b: {  	_ = 	snop  }
0x3c: {  	p2 =	seq.s32 s10, $0x1;
	s10 =	sld [smem:$0x3FB7]  }
0x3d: {  	_ =	shalt  }
0x3e: {  	_ =	shalt  }
0x3f: {  	_ =	shalt  }
0x40: {  	_ =	shalt  }
0x41: {  	_ =	shalt  }
0x42: {  	_ =	shalt  }
0x43: {  	_ =	shalt  }
0x44: {  	_ =	shalt  }
0x45: {  	_ =	shalt  }
0x46: {  	_ =	shalt  }
0x47: {  	_ =	shalt  }
0x48: {  	_ =	shalt  }
0x49: {  	_ =	shalt  }
0x4a: {  	_ =	shalt  }
0x4b: {  	_ =	shalt  }
0x4c: {  	_ =	shalt  }
0x4d: {  	_ =	shalt  }
0x4e: {  	_ =	shalt  }
0x4f: {  	_ =	shalt  }
0x50: {  	_ =	shalt  }
0x51: {  	_ =	shalt  }
0x52: {  	_ =	shalt  }
0x53: {  	_ =	shalt  }
0x54: {  	_ =	shalt  }
0x55: {  	_ =	shalt  }
0x56: {  	_ =	shalt  }
0x57: {  	_ =	shalt  }
0x58: {  	_ =	shalt  }
0x59: {  	_ =	shalt  }
0x5a: {  	_ =	shalt  }
0x5b: {  	_ =	shalt  }
0x5c: {  	_ =	shalt  }
0x5d: {  	_ =	shalt  }
0x5e: {  	_ =	shalt  }
0x5f: {  	_ =	shalt  }
0x60: {  	_ =	shalt  }
0x61: {  	_ =	shalt  }
0x62: {  	_ =	shalt  }
0x63: {  	_ =	shalt  }
0x64: {  	_ =	shalt  }
0x65: {  	_ =	shalt  }
0x66: {  	_ =	shalt  }
0x67: {  	_ =	shalt  }
0x68: {  	_ =	shalt  }
0x69: {  	_ =	shalt  }
0x6a: {  	_ =	shalt  }
0x6b: {  	_ =	shalt  }
0x6c: {  	_ =	shalt  }
0x6d: {  	_ =	shalt  }
0x6e: {  	_ =	shalt  }
0x6f: {  	_ =	shalt  }
0x70: {  	_ =	shalt  }
0x71: {  	_ =	shalt  }
0x72: {  	_ =	shalt  }
0x73: {  	_ =	shalt  }
0x74: {  	_ =	shalt  }
0x75: {  	_ =	shalt  }
0x76: {  	_ =	shalt  }
0x77: {  	_ =	shalt  }
0x78: {  	_ =	shalt  }
0x79: {  	_ =	shalt  }
0x7a: {  	_ =	shalt  }
0x7b: {  	_ =	shalt  }
0x7c: {  	_ =	shalt  }
0x7d: {  	_ =	shalt  }
0x7e: {  	_ =	shalt  }
0x7f: {  	_ =	shalt  }
0x80: {  	_ =	shalt  }
0x81: {  	_ =	shalt  }
0x82: {  	_ =	shalt  }
0x83: {  	_ =	shalt  }
0x84: {  	_ =	shalt  }
0x85: {  	_ =	shalt  }
0x86: {  	_ =	shalt  }
0x87: {  	_ =	shalt  }
.Lfunc_end0:
.L_simem_size_0:
called_computation_lowered:
.L_overlay_start_0:
0x88: {  	s2 =	sld [smem:$0x3FD9]  }
0x89: {  	s3 =	sld [smem:$0x3FFE];
	_ =	sdelay $0x1  }
0x8a: {  	s1 =	srdreg.scid  }
0x8b: {  	s0 =	sand.u32 $0x1, s1  }
0x8c: {  	s17 =	sshll.u32 s0, $0xA;
	s2 =	sadd.s32 s3, s2  }
0x8d: {  	s2 =	sadd.s32 s2, s17  }
0x8e: {  	[smem:$0x3FC3] =	sst s2  }
0x8f: {  	_ = 	snop  }
0x90: {  	s2 =	sld [smem:$0x3FD0];
	(tm) =	ssettm $0x1  }
0x91: {  	s18 =	sld [smem:$0x3FFB];
	_ =	sdelay $0x3  }
0x92: {  	_ =	strace s18  }
0x93: {  	s3 =	sld [smem:$0x3FFC];
	_ =	sdelay $0x3  }
0x94: {  	_ =	strace s3  }
0x95: {  	s3 =	sld [smem:$0x3FFD];
	_ =	sdelay $0x3  }
0x96: {  	_ =	strace s3  }
0x97: {  	_ =	strace $0x8FFFFFFF  }
0x98: {  	s19 =	sld [smem:$0x3FDB];
	_ =	sdelay $0x1  }
0x99: {  	s4 =	simm.s32 $_scs_section_size  }
0x9a: {  	s5 =	simm.s32 $_size__tile_overlayer_lowered;
	s6 =	simm.s32 $_tile_overlayer_lowered  }
0x9b: {  	s22 =	simm.s32 $0x1BFF;
	s21 =	sshll.u32 s6, $0x1;
	s3 =	sadd.s32 s4, s19  }
0x9c: {  	s7 =	simm.s32 $0x0;
	s20 =	sshll.u32 s5, $0x1;
	s5 =	sadd.s32 s21, s3  }
0x9d: {  	[timem:s7], [sflag:s22] =	dma.local [hbm:s5], s20  }
0x9e: {  	_ =	swait.ge [sflag:s22], s20  }
0x9f: {  	s4 =	ssub.s32 $0x0, s20;
	[sflag:s22] =	ssyncset.done $0x0  }
0xa0: {  	[sflag:s22] =	ssyncadd.s32 s4;
	_ =	sdelay $0x1  }
0xa1: {  	s23 =	simm.s32 $0x1B8B  }
0xa2: {  	_ =	swait.ge [sflag:s23], $0x1  }
0xa3: {  	[sflag:s23] =	ssyncset.done $0x0  }
0xa4: {  	s25 =	simm.s32 $0x1B8E;
	s24 =	sld [smem:$0x3FFE];
	[sflag:s23] =	ssyncadd.s32 $0xFFFFFFFF  }
0xa5: {  	s26 =	simm.s32 $execute0_lowered;
	[smem:$0x3FD2] =	sst s25  }
0xa6: {  	s5 =	sshll.u32 s26, $0x1;
	_ =	strace $0x80000046;
	[dreg:$0x1] =	wrdreg $0xFFFFFFFF  }
0xa7: {  	s28 =	simm.s32 $_size_execute0_lowered;
	s3 =	sadd.s32 s3, s5;
	[dreg:$0x0] =	wrdreg $0x0  }
0xa8: {  	s5 =	sshll.u32 s28, $0x1;
	[dreg:$0x2] =	wrdreg s3  }
0xa9: {  	[dreg:$0x3] =	wrdreg s5  }
0xaa: {  	[dreg:$0x4] =	wrdreg $0xC0  }
0xab: {  	_ =	task [dreg:s7], $0x5FFFF  }
0xac: {  	[dreg:$0x1] =	wrdreg $0xFFFFFFFF  }
0xad: {  	[dreg:$0x0] =	wrdreg $0x60  }
0xae: {  	[dreg:$0x2] =	wrdreg s24  }
0xaf: {  	[dreg:$0x3] =	wrdreg s2  }
0xb0: {  	[dreg:$0x4] =	wrdreg $0x9  }
0xb1: {  	_ =	task.clear_ibuf [dreg:s7], $0x5FFFF;
	_ =	strace $0x90000046  }
0xb2: {  	s29 =	simm.s32 $0x9;
	_ =	strace $0x80000048  }
0xb3: {  	_ =	swait.ge [sflag:s29], $0x1  }
0xb4: {  	[sflag:s29] =	ssyncadd.s32 $0xFFFFFFFF  }
0xb5: {  	_ =	strace $0x90000048  }
0xb6: {  	_ =	sfence  }
0xb7: {  	s30 =	sld [smem:$0x0];
	_ =	sdelay $0x2  }
0xb8: {  	s31 =	sshll.u32 s1, $0xD;
	s1 =	sshrl.u32 s1, $0x2  }
0xb9: {  	s3 =	sand.u32 $0x4000, s31;
	s1 =	sadd.s32 s1, s30  }
0xba: {  	s0 =	sor.u32 s3, s0;
	s1 =	sshll.u32 s1, $0x11  }
0xbb: {  	s0 =	sor.u32 s1, s0  }
0xbc: {  	s0 =	sadd.s32 $0x8F2B, s0  }
0xbd: {  	[sflag:s0] =	ssyncadd.remote.s32 $0x1  }
0xbe: {  	_ =	sfence.sel $0xFFFF  }
0xbf: {  	[dreg:$0x0] =	wrdreg $0xFFFFFFFF;
	(pc) =	sbr.abs _section_cstart, $3  }
0xc0: {  	[dreg:$0x1] =	wrdreg $0xFFFFFFFF  }
0xc1: {  	_ =	task.clear_ibuf [dreg:s7], $0x2FFFF;
	_ =	strace $0x9FFFFFFF  }
0xc2: {  	(tm) =	ssettm $0x7FFFFFFF  }
0xc3: {  	_ =	shalt  }
tec
execute0_lowered:
.L_overlay_start_1:
0x0: {  	(tag) =	ssettag $0x1  }
0x1: {  	s1 =	srdreg.scid;
	s0 =	stileid.u32  }
0x2: {  	s25 =	sand.u32 $0x1, s1;
	s30 =	sshll.u32 s0, $0x1  }
0x3: {  	s24 =	rddreg [dreg:$0x0];
	s5 =	sor.u32 s25, s30  }
0x4: {  	s17 =	rddreg [dreg:$0x1];
	s2 =	simm.s32 $0x0;
	s3 =	sshll.u32 s5, $0x6  }
0x5: {  	s4 =	simm.s32 $0x5;
	[smem:$0x7FF] =	sst s2;
	s20 =	sadd.s32 s3, s24  }
0x6: {  	s1 =	rddreg [dreg:$0x2];
	_ =	strace $0x80000047;
	s3 =	sadd.s32 $0x20000, s20  }
0x7: {  	[tilespmem:s2], [sflag:$0x5] =	stream.linear.gather [hbm4b:s3+s2], $0x200, $0x38;
	[tilespmem:$0x4200] =	vst v63  }
0x8: {  	_ =	swait.ge [sflag:s4], $0x200  }
0x9: {  	s6 =	simm.s32 $0x200;
	s21 =	sshll.u32 s5, $0xC;
	[sflag:s4] =	ssyncset.done $0x0  }
0xa: {  	s5 =	sadd.s32 s17, s21;
	s22 =	sor.u32 $0x400, s21;
	[sflag:s4] =	ssyncadd.s32 $0xFFFFFE00  }
0xb: {  	[tilespmem:s6], [sflag:$0x1] =	stream.linear.gather [hbm4b:s5+s2], $0x2000, $0x38;
	[tilespmem:$0x4200] =	vst v63  }
0xc: {  	s8 =	simm.s32 $0x2200;
	s9 =	simm.s32 $0x1;
	s7 =	sadd.s32 s17, s22  }
0xd: {  	[tilespmem:s8], [sflag:$0x2] =	stream.linear.gather [hbm4b:s7+s2], $0x2000, $0x38;
	[tilespmem:$0x4200] =	vst v63  }
0xe: {  	_ =	swait.ge [sflag:s9], $0x2000  }
0xf: {  	s11 =	simm.s32 $0x40;
	[sflag:s9] =	ssyncset.done $0x0  }
0x10: {  	s12 =	simm.s32 $0x3;
	s10 =	sadd.s32 $0x21000, s24;
	[sflag:s9] =	ssyncadd.s32 $0xFFFFE000  }
0x11: {  	[hbm4b:s10+s11] =	stream.indirect.scatter [tilespmem:s6], [sflag:$0x3], $0x80, s2, s11, $0xb8;
	[tilespmem:$0x4200] =	vst v63  }
0x12: {  	_ =	swait.ge [sflag:s12], $0x2000  }
0x13: {  	s23 =	sor.u32 $0x800, s21;
	[sflag:s12] =	ssyncset.done $0x0  }
0x14: {  	s14 =	simm.s32 $0x2;
	s13 =	sadd.s32 s17, s23;
	[sflag:s12] =	ssyncadd.s32 $0xFFFFE000  }
0x15: {  	[tilespmem:s6], [sflag:$0x1] =	stream.linear.gather [hbm4b:s13+s2], $0x2000, $0x38;
	[tilespmem:$0x4200] =	vst v63  }
0x16: {  	_ =	swait.ge [sflag:s14], $0x2000  }
0x17: {  	[sflag:s14] =	ssyncset.done $0x0  }
0x18: {  	s16 =	simm.s32 $0x80;
	s15 =	simm.s32 $0x4;
	[sflag:s14] =	ssyncadd.s32 $0xFFFFE000  }
0x19: {  	[hbm4b:s10+s11] =	stream.indirect.scatter [tilespmem:s8], [sflag:$0x4], $0x80, s16, s11, $0xb8;
	[tilespmem:$0x4200] =	vst v63  }
0x1a: {  	_ =	swait.ge [sflag:s15], $0x2000  }
0x1b: {  	s26 =	sor.u32 $0xC00, s21;
	[sflag:s15] =	ssyncset.done $0x0  }
0x1c: {  	s17 =	sadd.s32 s17, s26;
	[sflag:s15] =	ssyncadd.s32 $0xFFFFE000  }
0x1d: {  	[tilespmem:s8], [sflag:$0x2] =	stream.linear.gather [hbm4b:s17+s2], $0x2000, $0x38;
	[tilespmem:$0x4200] =	vst v63  }
0x1e: {  	_ =	swait.ge [sflag:s9], $0x2000  }
0x1f: {  	[sflag:s9] =	ssyncset.done $0x0  }
0x20: {  	s18 =	simm.s32 $0x100;
	[sflag:s9] =	ssyncadd.s32 $0xFFFFE000  }
0x21: {  	[hbm4b:s10+s11] =	stream.indirect.scatter [tilespmem:s6], [sflag:$0x3], $0x80, s18, s11, $0xb8;
	[tilespmem:$0x4200] =	vst v63  }
0x22: {  	_ =	swait.ge [sflag:s12], $0x2000  }
0x23: {  	[sflag:s12] =	ssyncset.done $0x0  }
0x24: {  	[sflag:s12] =	ssyncadd.s32 $0xFFFFE000  }
0x25: {  	_ =	swait.ge [sflag:s14], $0x2000  }
0x26: {  	[sflag:s14] =	ssyncset.done $0x0  }
0x27: {  	s19 =	simm.s32 $0x180;
	[sflag:s14] =	ssyncadd.s32 $0xFFFFE000  }
0x28: {  	[hbm4b:s10+s11] =	stream.indirect.scatter [tilespmem:s8], [sflag:$0x4], $0x80, s19, s11, $0xb8;
	[tilespmem:$0x4200] =	vst v63  }
0x29: {  	_ =	swait.ge [sflag:s15], $0x2000  }
0x2a: {  	[sflag:s15] =	ssyncset.done $0x0  }
0x2b: {  	s20 =	sadd.s32 $0x20800, s20;
	[sflag:s15] =	ssyncadd.s32 $0xFFFFE000  }
0x2c: {  	[tilespmem:s2], [sflag:$0x5] =	stream.linear.gather [hbm4b:s20+s2], $0x200, $0x38;
	[tilespmem:$0x4200] =	vst v63  }
0x2d: {  	_ =	swait.ge [sflag:s4], $0x200  }
0x2e: {  	[sflag:s4] =	ssyncset.done $0x0  }
0x2f: {  	s21 =	sadd.s32 s24, s21;
	[sflag:s4] =	ssyncadd.s32 $0xFFFFFE00  }
0x30: {  	[tilespmem:s6], [sflag:$0x1] =	stream.linear.gather [hbm4b:s21+s2], $0x2000, $0x38;
	[tilespmem:$0x4200] =	vst v63  }
0x31: {  	s22 =	sadd.s32 s24, s22  }
0x32: {  	[tilespmem:s8], [sflag:$0x2] =	stream.linear.gather [hbm4b:s22+s2], $0x2000, $0x38;
	[tilespmem:$0x4200] =	vst v63  }
0x33: {  	_ =	swait.ge [sflag:s9], $0x2000  }
0x34: {  	[sflag:s9] =	ssyncset.done $0x0  }
0x35: {  	[sflag:s9] =	ssyncadd.s32 $0xFFFFE000  }
0x36: {  	[hbm4b:s10+s11] =	stream.indirect.scatter [tilespmem:s6], [sflag:$0x3], $0x80, s2, s11, $0xb8;
	[tilespmem:$0x4200] =	vst v63  }
0x37: {  	_ =	swait.ge [sflag:s12], $0x2000  }
0x38: {  	[sflag:s12] =	ssyncset.done $0x0  }
0x39: {  	s23 =	sadd.s32 s24, s23;
	[sflag:s12] =	ssyncadd.s32 $0xFFFFE000  }
0x3a: {  	[tilespmem:s6], [sflag:$0x1] =	stream.linear.gather [hbm4b:s23+s2], $0x2000, $0x38;
	[tilespmem:$0x4200] =	vst v63  }
0x3b: {  	_ =	swait.ge [sflag:s14], $0x2000  }
0x3c: {  	[sflag:s14] =	ssyncset.done $0x0  }
0x3d: {  	[sflag:s14] =	ssyncadd.s32 $0xFFFFE000  }
0x3e: {  	[hbm4b:s10+s11] =	stream.indirect.scatter [tilespmem:s8], [sflag:$0x4], $0x80, s16, s11, $0xb8;
	[tilespmem:$0x4200] =	vst v63  }
0x3f: {  	_ =	swait.ge [sflag:s15], $0x2000  }
0x40: {  	[sflag:s15] =	ssyncset.done $0x0  }
0x41: {  	s24 =	sadd.s32 s24, s26;
	[sflag:s15] =	ssyncadd.s32 $0xFFFFE000  }
0x42: {  	[tilespmem:s8], [sflag:$0x2] =	stream.linear.gather [hbm4b:s24+s2], $0x2000, $0x38;
	[tilespmem:$0x4200] =	vst v63  }
0x43: {  	_ =	swait.ge [sflag:s9], $0x2000  }
0x44: {  	[sflag:s9] =	ssyncset.done $0x0  }
0x45: {  	s25 =	ssub.s32 $0x2, s25;
	[sflag:s9] =	ssyncadd.s32 $0xFFFFE000  }
0x46: {  	[hbm4b:s10+s11] =	stream.indirect.scatter [tilespmem:s6], [sflag:$0x3], $0x80, s18, s11, $0xb8;
	[tilespmem:$0x4200] =	vst v63  }
0x47: {  	s31 =	sshrl.u32 s25, $0x1;
	_ =	swait.ge [sflag:s12], $0x2000  }
0x48: {  	s25 =	ssub.s32 s25, s31;
	[sflag:s12] =	ssyncset.done $0x0  }
0x49: {  	s25 =	smax.u32 s25, $0x1;
	[sflag:s12] =	ssyncadd.s32 $0xFFFFE000  }
0x4a: {  	p0 =	sne.s32 s25, $0x1;
	_ =	swait.ge [sflag:s14], $0x2000  }
.Ltmp0:
0x4b: {  	[sflag:s14] =	ssyncset.done $0x0;
	(pc) =	sbr.rel @!p0 .LBB2_2-.Ltmp0, $4  }
0x4c: {  	[sflag:s14] =	ssyncadd.s32 $0xFFFFE000  }
0x4d: {  	[hbm4b:s10+s11] =	stream.indirect.scatter [tilespmem:s8], [sflag:$0x4], $0x80, s19, s11, $0xb8;
	[tilespmem:$0x4200] =	vst v63  }
0x4e: {  	_ =	swait.ge [sflag:s15], $0x2000  }
0x4f: {  	s25 =	sadd.s32 $0xFFFFFFFF, s25;
	[sflag:s15] =	ssyncset.done $0x0  }
.LBB2_1:
0x50: {  	p0 =	sne.s32 s25, $0x1;
	s25 =	sadd.s32 $0xFFFFFFFF, s25;
	[sflag:s15] =	ssyncadd.s32 $0xFFFFE000  }
0x51: {  	[tilespmem:s2], [sflag:$0x5] =	stream.linear.gather [hbm4b:s3+s2], $0x200, $0x38;
	[tilespmem:$0x4200] =	vst v63  }
0x52: {  	_ =	swait.ge [sflag:s4], $0x200  }
0x53: {  	[sflag:s4] =	ssyncset.done $0x0  }
0x54: {  	[sflag:s4] =	ssyncadd.s32 $0xFFFFFE00  }
0x55: {  	[tilespmem:s6], [sflag:$0x1] =	stream.linear.gather [hbm4b:s5+s2], $0x2000, $0x38;
	[tilespmem:$0x4200] =	vst v63  }
0x56: {  	_ = 	snop  }
0x57: {  	[tilespmem:s8], [sflag:$0x2] =	stream.linear.gather [hbm4b:s7+s2], $0x2000, $0x38;
	[tilespmem:$0x4200] =	vst v63  }
0x58: {  	_ =	swait.ge [sflag:s9], $0x2000  }
0x59: {  	[sflag:s9] =	ssyncset.done $0x0  }
0x5a: {  	[sflag:s9] =	ssyncadd.s32 $0xFFFFE000  }
0x5b: {  	[hbm4b:s10+s11] =	stream.indirect.scatter [tilespmem:s6], [sflag:$0x3], $0x80, s2, s11, $0xb8;
	[tilespmem:$0x4200] =	vst v63  }
0x5c: {  	_ =	swait.ge [sflag:s12], $0x2000  }
0x5d: {  	[sflag:s12] =	ssyncset.done $0x0  }
0x5e: {  	[sflag:s12] =	ssyncadd.s32 $0xFFFFE000  }
0x5f: {  	[tilespmem:s6], [sflag:$0x1] =	stream.linear.gather [hbm4b:s13+s2], $0x2000, $0x38;
	[tilespmem:$0x4200] =	vst v63  }
0x60: {  	_ =	swait.ge [sflag:s14], $0x2000  }
0x61: {  	[sflag:s14] =	ssyncset.done $0x0  }
0x62: {  	[sflag:s14] =	ssyncadd.s32 $0xFFFFE000  }
0x63: {  	[hbm4b:s10+s11] =	stream.indirect.scatter [tilespmem:s8], [sflag:$0x4], $0x80, s16, s11, $0xb8;
	[tilespmem:$0x4200] =	vst v63  }
0x64: {  	_ =	swait.ge [sflag:s15], $0x2000  }
0x65: {  	[sflag:s15] =	ssyncset.done $0x0  }
0x66: {  	[sflag:s15] =	ssyncadd.s32 $0xFFFFE000  }
0x67: {  	[tilespmem:s8], [sflag:$0x2] =	stream.linear.gather [hbm4b:s17+s2], $0x2000, $0x38;
	[tilespmem:$0x4200] =	vst v63  }
0x68: {  	_ =	swait.ge [sflag:s9], $0x2000  }
0x69: {  	[sflag:s9] =	ssyncset.done $0x0  }
0x6a: {  	[sflag:s9] =	ssyncadd.s32 $0xFFFFE000  }
0x6b: {  	[hbm4b:s10+s11] =	stream.indirect.scatter [tilespmem:s6], [sflag:$0x3], $0x80, s18, s11, $0xb8;
	[tilespmem:$0x4200] =	vst v63  }
0x6c: {  	_ =	swait.ge [sflag:s12], $0x2000  }
0x6d: {  	[sflag:s12] =	ssyncset.done $0x0  }
0x6e: {  	[sflag:s12] =	ssyncadd.s32 $0xFFFFE000  }
0x6f: {  	_ =	swait.ge [sflag:s14], $0x2000  }
0x70: {  	[sflag:s14] =	ssyncset.done $0x0  }
0x71: {  	[sflag:s14] =	ssyncadd.s32 $0xFFFFE000  }
0x72: {  	[hbm4b:s10+s11] =	stream.indirect.scatter [tilespmem:s8], [sflag:$0x4], $0x80, s19, s11, $0xb8;
	[tilespmem:$0x4200] =	vst v63  }
0x73: {  	_ =	swait.ge [sflag:s15], $0x2000  }
0x74: {  	[sflag:s15] =	ssyncset.done $0x0  }
0x75: {  	[sflag:s15] =	ssyncadd.s32 $0xFFFFE000  }
0x76: {  	[tilespmem:s2], [sflag:$0x5] =	stream.linear.gather [hbm4b:s20+s2], $0x200, $0x38;
	[tilespmem:$0x4200] =	vst v63  }
0x77: {  	_ =	swait.ge [sflag:s4], $0x200  }
0x78: {  	[sflag:s4] =	ssyncset.done $0x0  }
0x79: {  	[sflag:s4] =	ssyncadd.s32 $0xFFFFFE00  }
0x7a: {  	[tilespmem:s6], [sflag:$0x1] =	stream.linear.gather [hbm4b:s21+s2], $0x2000, $0x38;
	[tilespmem:$0x4200] =	vst v63  }
0x7b: {  	_ = 	snop  }
0x7c: {  	[tilespmem:s8], [sflag:$0x2] =	stream.linear.gather [hbm4b:s22+s2], $0x2000, $0x38;
	[tilespmem:$0x4200] =	vst v63  }
0x7d: {  	_ =	swait.ge [sflag:s9], $0x2000  }
0x7e: {  	[sflag:s9] =	ssyncset.done $0x0  }
0x7f: {  	[sflag:s9] =	ssyncadd.s32 $0xFFFFE000  }
0x80: {  	[hbm4b:s10+s11] =	stream.indirect.scatter [tilespmem:s6], [sflag:$0x3], $0x80, s2, s11, $0xb8;
	[tilespmem:$0x4200] =	vst v63  }
0x81: {  	_ =	swait.ge [sflag:s12], $0x2000  }
0x82: {  	[sflag:s12] =	ssyncset.done $0x0  }
0x83: {  	[sflag:s12] =	ssyncadd.s32 $0xFFFFE000  }
0x84: {  	[tilespmem:s6], [sflag:$0x1] =	stream.linear.gather [hbm4b:s23+s2], $0x2000, $0x38;
	[tilespmem:$0x4200] =	vst v63  }
0x85: {  	_ =	swait.ge [sflag:s14], $0x2000  }
0x86: {  	[sflag:s14] =	ssyncset.done $0x0  }
0x87: {  	[sflag:s14] =	ssyncadd.s32 $0xFFFFE000  }
0x88: {  	[hbm4b:s10+s11] =	stream.indirect.scatter [tilespmem:s8], [sflag:$0x4], $0x80, s16, s11, $0xb8;
	[tilespmem:$0x4200] =	vst v63  }
0x89: {  	_ =	swait.ge [sflag:s15], $0x2000  }
0x8a: {  	[sflag:s15] =	ssyncset.done $0x0  }
0x8b: {  	[sflag:s15] =	ssyncadd.s32 $0xFFFFE000  }
0x8c: {  	[tilespmem:s8], [sflag:$0x2] =	stream.linear.gather [hbm4b:s24+s2], $0x2000, $0x38;
	[tilespmem:$0x4200] =	vst v63  }
0x8d: {  	_ =	swait.ge [sflag:s9], $0x2000  }
0x8e: {  	[sflag:s9] =	ssyncset.done $0x0  }
0x8f: {  	[sflag:s9] =	ssyncadd.s32 $0xFFFFE000  }
0x90: {  	[hbm4b:s10+s11] =	stream.indirect.scatter [tilespmem:s6], [sflag:$0x3], $0x80, s18, s11, $0xb8;
	[tilespmem:$0x4200] =	vst v63  }
0x91: {  	_ =	swait.ge [sflag:s12], $0x2000  }
0x92: {  	[sflag:s12] =	ssyncset.done $0x0  }
0x93: {  	[sflag:s12] =	ssyncadd.s32 $0xFFFFE000  }
0x94: {  	_ =	swait.ge [sflag:s14], $0x2000  }
.Ltmp1:
0x95: {  	[sflag:s14] =	ssyncset.done $0x0;
	(pc) =	sbr.rel @p0 .LBB2_1-.Ltmp1, $4  }
0x96: {  	[sflag:s14] =	ssyncadd.s32 $0xFFFFE000  }
0x97: {  	[hbm4b:s10+s11] =	stream.indirect.scatter [tilespmem:s8], [sflag:$0x4], $0x80, s19, s11, $0xb8;
	[tilespmem:$0x4200] =	vst v63  }
0x98: {  	_ =	swait.ge [sflag:s15], $0x2000  }
0x99: {  	[sflag:s15] =	ssyncset.done $0x0  }
.LBB2_2:
0x9a: {  	[sflag:s15] =	ssyncadd.s32 $0xFFFFE000  }
0x9b: {  	_ =	sfence.sel $0x180000  }
0x9c: {  	[bflag:$0x0] =	sbarrier.arrive $0xFFFF  }
0x9d: {  	p0 =	sne.s32 s0, $0x0;
	_ =	strace $0x90000047  }
0x9e: {  	s0 =	sadd.s32 @!p0 $0x100000, s1;
	[bflag:$0x2] =	sbarrier.arrive $0xFFFF  }
0x9f: {  	[sflag:s0] =	ssyncadd.tile.s32 @!p0 $0x1;
	_ =	shalt  }
.Lfunc_end2:
_tile_overlayer_lowered:
.L_overlay_start_2:
0xa0: {  	(tag) =	ssettag $0x2  }
0xa1: {  	s0 =	rddreg [dreg:$0x0];
	s2 =	stileid.u32  }
0xa2: {  	s1 =	rddreg [dreg:$0x1];
	p0 =	sne.s32 s2, $0x0  }
0xa3: {  	s3 =	rddreg [dreg:$0x2];
	[bflag:$0x3] =	sbarrier.arrive $0xFFFF;
	s2 =	simm.s32 @!p0 $0x1C05  }
0xa4: {  	[timem:s3], [sflag:s2] =	dma.local @!p0 [hbm:s0], s1  }
0xa5: {  	s0 =	simm.s32 @!p0 $0x5  }
0xa6: {  	_ =	swait.ge @!p0 [sflag:s0], s1  }
0xa7: {  	s1 =	ssub.s32 @!p0 $0x0, s1;
	[sflag:s0] =	ssyncset.done @!p0 $0x0  }
0xa8: {  	[sflag:s0] =	ssyncadd.s32 @!p0 s1  }
0xa9: {  	[bflag:$0x3] =	sbarrier.arrive $0xFFFF  }
0xaa: {  	_ =	shalt  }

// kernel: kernel.13.cloned.1.call-start
scs
__scs_entry_jumppad:
0x0: {  	(pc) =	sbr.rel $0x88, $3  }
0x1: {  	(tag) =	ssettag $0x0;
	lr =	simm.s32 $0x1  }
0x2: {  	[smem:$0x3F9C] =	sst lr;
	_ =	strace $0xD0000000  }
0x3: {  	_ = 	snop  }
0x4: {  	_ = 	snop  }
0x5: {  	_ = 	snop  }
0x6: {  	_ = 	snop  }
0x7: {  	_ = 	snop  }
__scs_overlays_trampoline_lowered:
0x8: {  	[smem:$0x3FAB] =	sst s0  }
0x9: {  	[smem:$0x3FAC] =	sst s1  }
0xa: {  	[smem:$0x3FAD] =	sst s2  }
0xb: {  	[smem:$0x3FAE] =	sst s3  }
0xc: {  	[smem:$0x3FAF] =	sst s4  }
0xd: {  	[smem:$0x3FB0] =	sst s5  }
0xe: {  	[smem:$0x3FB1] =	sst s6  }
0xf: {  	[smem:$0x3FB2] =	sst s7  }
0x10: {  	[smem:$0x3FB3] =	sst s8  }
0x11: {  	[smem:$0x3FB4] =	sst s9;
	s0 =	simm.s32 @!p0 $0x0  }
0x12: {  	s1 =	sld [smem:$0x3F9A];
	s0 =	simm.s32 @p0 $0x1  }
0x13: {  	[smem:$0x3FB5] =	sst s0;
	s0 =	simm.s32 @!p1 $0x0  }
0x14: {  	s2 =	sld [smem:$0x3F99];
	s0 =	simm.s32 @p1 $0x1  }
0x15: {  	[smem:$0x3FB6] =	sst s0;
	s0 =	simm.s32 @!p2 $0x0  }
0x16: {  	s3 =	sld [smem:$0x3FDB];
	s0 =	simm.s32 @p2 $0x1  }
0x17: {  	s4 =	simm.s32 $0x1BF5;
	[smem:$0x3FB8] =	sst s0  }
0x18: {  	s0 =	sld [smem:$0x3F9B];
	_ =	swait.ge [sflag:s4], $0x0  }
0x19: {  	s7 =	sld [smem:$0x3F9C]  }
0x1a: {  	s8 =	sadd.s32 $0xFFFFE003, lr  }
0x1b: {  	s9 =	sadd.s32 $0xFFFFFEF7, lr;
	s5 =	simm.s32 $0xFFFFFFFF;
	p2 =	slt.u32 s8, $0xFFFFF086  }
0x1c: {  	p1 =	slt.u32 s9, $0xF7A;
	s5 =	simm.s32 @!p2 $0x0  }
0x1d: {  	s5 =	simm.s32 @p1 $0x1;
	p0 =	seq.s32 s7, s2  }
0x1e: {  	s7 =	smul.u32 @!p0 $0xF7A, s2;
	p2 =	seq.s32 @!p0 s5, $0x0  }
0x1f: {  	s9 =	smul.u32 $0xF7A, s1;
	s8 =	simm.s32 @!p0 $0x1BF5;
	p2 =	por !p2, p0  }
0x20: {  	[sflag:s8] =	ssyncset.s32 @!p0 $0xFFFFF086;
	s6 =	sadd.s32 @!p0 s3, s7;
	s7 =	simm.s32 @!p0 $0x108  }
0x21: {  	s3 =	sadd.s32 s3, s9;
	s6 =	sadd.s32 @!p0 $0x88, s6;
	s7 =	simm.s32 @p2 $0x1082  }
0x22: {  	[simem:s7], [sflag:s8] =	dma.local @!p0 [hbm:s6], $0xF7A  }
0x23: {  	s9 =	sor.u32 $0xD0000000, s2;
	s6 =	simm.s32 $0x108;
	_ =	swait.ge @!p0 [sflag:s8], $0x0  }
0x24: {  	s3 =	sadd.s32 $0x88, s3;
	s6 =	simm.s32 @!p1 $0x1082;
	[sflag:s4] =	ssyncset.s32 $0xFFFFF086  }
0x25: {  	[simem:s6], [sflag:s4] =	dma.local [hbm:s3], $0xF7A  }
0x26: {  	[smem:$0x3F9C] =	sst s1;
	(tag) =	ssettag s2;
	_ =	strace s9  }
0x27: {  	s1 =	sld [smem:$0x3FAC]  }
0x28: {  	s2 =	sld [smem:$0x3FAD]  }
0x29: {  	s4 =	sld [smem:$0x3FAF]  }
0x2a: {  	p0 =	seq.s32 s5, $0x0;
	s5 =	sld [smem:$0x3FB0]  }
0x2b: {  	s6 =	sld [smem:$0x3FB1]  }
0x2c: {  	s7 =	sld [smem:$0x3FB2]  }
0x2d: {  	s3 =	simm.s32 $0x108;
	s8 =	sld [smem:$0x3FB3]  }
0x2e: {  	s3 =	simm.s32 @!p0 $0x1082;
	s9 =	sld [smem:$0x3FB4]  }
0x2f: {  	lr =	sadd.s32 s0, s3;
	s0 =	sld [smem:$0x3FAB]  }
0x30: {  	s3 =	sld [smem:$0x3FAE]  }
0x31: {  	[smem:$0x3FB7] =	sst s10  }
0x32: {  	s10 =	sld [smem:$0x3FB5];
	_ =	sdelay $0x3  }
0x33: {  	p0 =	seq.s32 s10, $0x1;
	s10 =	sld [smem:$0x3FB7];
	_ =	sdelay $0x3  }
0x34: {  	[smem:$0x3FB7] =	sst s10  }
0x35: {  	s10 =	sld [smem:$0x3FB6];
	_ =	sdelay $0x3  }
0x36: {  	p1 =	seq.s32 s10, $0x1;
	s10 =	sld [smem:$0x3FB7];
	_ =	sdelay $0x3  }
0x37: {  	[smem:$0x3FB7] =	sst s10  }
0x38: {  	s10 =	sld [smem:$0x3FB8]  }
0x39: {  	_ = 	snop;
	(pc) =	sbr.ind lr, $3  }
0x3a: {  	_ = 	snop  }
0x3b: {  	_ = 	snop  }
0x3c: {  	p2 =	seq.s32 s10, $0x1;
	s10 =	sld [smem:$0x3FB7]  }
0x3d: {  	_ =	shalt  }
0x3e: {  	_ =	shalt  }
0x3f: {  	_ =	shalt  }
0x40: {  	_ =	shalt  }
0x41: {  	_ =	shalt  }
0x42: {  	_ =	shalt  }
0x43: {  	_ =	shalt  }
0x44: {  	_ =	shalt  }
0x45: {  	_ =	shalt  }
0x46: {  	_ =	shalt  }
0x47: {  	_ =	shalt  }
0x48: {  	_ =	shalt  }
0x49: {  	_ =	shalt  }
0x4a: {  	_ =	shalt  }
0x4b: {  	_ =	shalt  }
0x4c: {  	_ =	shalt  }
0x4d: {  	_ =	shalt  }
0x4e: {  	_ =	shalt  }
0x4f: {  	_ =	shalt  }
0x50: {  	_ =	shalt  }
0x51: {  	_ =	shalt  }
0x52: {  	_ =	shalt  }
0x53: {  	_ =	shalt  }
0x54: {  	_ =	shalt  }
0x55: {  	_ =	shalt  }
0x56: {  	_ =	shalt  }
0x57: {  	_ =	shalt  }
0x58: {  	_ =	shalt  }
0x59: {  	_ =	shalt  }
0x5a: {  	_ =	shalt  }
0x5b: {  	_ =	shalt  }
0x5c: {  	_ =	shalt  }
0x5d: {  	_ =	shalt  }
0x5e: {  	_ =	shalt  }
0x5f: {  	_ =	shalt  }
0x60: {  	_ =	shalt  }
0x61: {  	_ =	shalt  }
0x62: {  	_ =	shalt  }
0x63: {  	_ =	shalt  }
0x64: {  	_ =	shalt  }
0x65: {  	_ =	shalt  }
0x66: {  	_ =	shalt  }
0x67: {  	_ =	shalt  }
0x68: {  	_ =	shalt  }
0x69: {  	_ =	shalt  }
0x6a: {  	_ =	shalt  }
0x6b: {  	_ =	shalt  }
0x6c: {  	_ =	shalt  }
0x6d: {  	_ =	shalt  }
0x6e: {  	_ =	shalt  }
0x6f: {  	_ =	shalt  }
0x70: {  	_ =	shalt  }
0x71: {  	_ =	shalt  }
0x72: {  	_ =	shalt  }
0x73: {  	_ =	shalt  }
0x74: {  	_ =	shalt  }
0x75: {  	_ =	shalt  }
0x76: {  	_ =	shalt  }
0x77: {  	_ =	shalt  }
0x78: {  	_ =	shalt  }
0x79: {  	_ =	shalt  }
0x7a: {  	_ =	shalt  }
0x7b: {  	_ =	shalt  }
0x7c: {  	_ =	shalt  }
0x7d: {  	_ =	shalt  }
0x7e: {  	_ =	shalt  }
0x7f: {  	_ =	shalt  }
0x80: {  	_ =	shalt  }
0x81: {  	_ =	shalt  }
0x82: {  	_ =	shalt  }
0x83: {  	_ =	shalt  }
0x84: {  	_ =	shalt  }
0x85: {  	_ =	shalt  }
0x86: {  	_ =	shalt  }
0x87: {  	_ =	shalt  }
.Lfunc_end0:
.L_simem_size_0:
called_computation.1_lowered:
.L_overlay_start_0:
0x88: {  	s2 =	sld [smem:$0x3FD9]  }
0x89: {  	s3 =	sld [smem:$0x3FFE];
	_ =	sdelay $0x1  }
0x8a: {  	s1 =	srdreg.scid  }
0x8b: {  	s0 =	sand.u32 $0x1, s1  }
0x8c: {  	s17 =	sshll.u32 s0, $0xA;
	s2 =	sadd.s32 s3, s2  }
0x8d: {  	s2 =	sadd.s32 s2, s17  }
0x8e: {  	[smem:$0x3FC3] =	sst s2  }
0x8f: {  	_ = 	snop  }
0x90: {  	s2 =	sld [smem:$0x3FC9]  }
0x91: {  	s18 =	sld [smem:$0x3FD0];
	(tm) =	ssettm $0x1  }
0x92: {  	s4 =	sld [smem:$0x3FFB];
	_ =	sdelay $0x3  }
0x93: {  	_ =	strace s4  }
0x94: {  	s4 =	sld [smem:$0x3FFC];
	_ =	sdelay $0x3  }
0x95: {  	_ =	strace s4  }
0x96: {  	s4 =	sld [smem:$0x3FFD];
	_ =	sdelay $0x3  }
0x97: {  	_ =	strace s4  }
0x98: {  	_ =	strace $0x8FFFFFFF  }
0x99: {  	s19 =	sld [smem:$0x3FDB];
	_ =	sdelay $0x1  }
0x9a: {  	s5 =	simm.s32 $_scs_section_size  }
0x9b: {  	s6 =	simm.s32 $_size__tile_overlayer_lowered;
	s7 =	simm.s32 $_tile_overlayer_lowered  }
0x9c: {  	s22 =	simm.s32 $0x1BFF;
	s21 =	sshll.u32 s7, $0x1;
	s4 =	sadd.s32 s5, s19  }
0x9d: {  	s8 =	simm.s32 $0x0;
	s20 =	sshll.u32 s6, $0x1;
	s6 =	sadd.s32 s21, s4  }
0x9e: {  	[timem:s8], [sflag:s22] =	dma.local [hbm:s6], s20  }
0x9f: {  	_ =	swait.ge [sflag:s22], s20  }
0xa0: {  	s5 =	ssub.s32 $0x0, s20;
	[sflag:s22] =	ssyncset.done $0x0  }
0xa1: {  	[sflag:s22] =	ssyncadd.s32 s5;
	_ =	sdelay $0x1  }
0xa2: {  	s23 =	simm.s32 $0x1B8B  }
0xa3: {  	_ =	swait.ge [sflag:s23], $0x1  }
0xa4: {  	[sflag:s23] =	ssyncset.done $0x0  }
0xa5: {  	s25 =	simm.s32 $0x1B8E;
	s24 =	sld [smem:$0x3FFE];
	[sflag:s23] =	ssyncadd.s32 $0xFFFFFFFF  }
0xa6: {  	s26 =	simm.s32 $execute0_lowered;
	[smem:$0x3FD2] =	sst s25  }
0xa7: {  	s6 =	sshll.u32 s26, $0x1;
	_ =	strace $0x80000049;
	[dreg:$0x1] =	wrdreg $0xFFFFFFFF  }
0xa8: {  	s28 =	simm.s32 $_size_execute0_lowered;
	s4 =	sadd.s32 s4, s6;
	[dreg:$0x0] =	wrdreg $0x0  }
0xa9: {  	s6 =	sshll.u32 s28, $0x1;
	[dreg:$0x2] =	wrdreg s4  }
0xaa: {  	[dreg:$0x3] =	wrdreg s6  }
0xab: {  	[dreg:$0x4] =	wrdreg $0xC0  }
0xac: {  	_ =	task [dreg:s8], $0x5FFFF  }
0xad: {  	[dreg:$0x1] =	wrdreg $0xFFFFFFFF  }
0xae: {  	[dreg:$0x0] =	wrdreg $0x60  }
0xaf: {  	[dreg:$0x2] =	wrdreg s24  }
0xb0: {  	[dreg:$0x3] =	wrdreg s18  }
0xb1: {  	[dreg:$0x4] =	wrdreg s2  }
0xb2: {  	[dreg:$0x5] =	wrdreg $0x9  }
0xb3: {  	_ =	task.clear_ibuf [dreg:s8], $0x6FFFF;
	_ =	strace $0x90000049  }
0xb4: {  	s29 =	simm.s32 $0x9;
	_ =	strace $0x8000004B  }
0xb5: {  	_ =	swait.ge [sflag:s29], $0x1  }
0xb6: {  	[sflag:s29] =	ssyncadd.s32 $0xFFFFFFFF  }
0xb7: {  	_ =	strace $0x9000004B  }
0xb8: {  	_ =	sfence  }
0xb9: {  	s30 =	sld [smem:$0x0];
	_ =	sdelay $0x2  }
0xba: {  	s31 =	sshll.u32 s1, $0xD;
	s1 =	sshrl.u32 s1, $0x2  }
0xbb: {  	s3 =	sand.u32 $0x4000, s31;
	s1 =	sadd.s32 s1, s30  }
0xbc: {  	s0 =	sor.u32 s3, s0;
	s1 =	sshll.u32 s1, $0x11  }
0xbd: {  	s0 =	sor.u32 s1, s0  }
0xbe: {  	s0 =	sadd.s32 $0x8F2B, s0  }
0xbf: {  	[sflag:s0] =	ssyncadd.remote.s32 $0x1  }
0xc0: {  	_ =	sfence.sel $0xFFFF  }
0xc1: {  	[dreg:$0x0] =	wrdreg $0xFFFFFFFF;
	(pc) =	sbr.abs _section_cstart, $3  }
0xc2: {  	[dreg:$0x1] =	wrdreg $0xFFFFFFFF  }
0xc3: {  	_ =	task.clear_ibuf [dreg:s8], $0x2FFFF;
	_ =	strace $0x9FFFFFFF  }
0xc4: {  	(tm) =	ssettm $0x7FFFFFFF  }
0xc5: {  	_ =	shalt  }
tec
execute0_lowered:
.L_overlay_start_1:
0x0: {  	(tag) =	ssettag $0x1  }
0x1: {  	s0 =	rddreg [dreg:$0x0]  }
0x2: {  	s1 =	rddreg [dreg:$0x1]  }
0x3: {  	s2 =	rddreg [dreg:$0x2]  }
0x4: {  	s3 =	srdreg.scid;
	s5 =	stileid.u32;
	s12 =	simm.s32 $0x5  }
0x5: {  	s26 =	simm.s32 $0x200;
	s13 =	simm.s32 $0x400;
	s14 =	simm.s32 $0xC00  }
0x6: {  	s15 =	simm.s32 $0x1400;
	s16 =	simm.s32 $0x1C00;
	s17 =	simm.s32 $0x2400  }
0x7: {  	s18 =	simm.s32 $0x2C00;
	s19 =	simm.s32 $0x3400;
	s20 =	simm.s32 $0x3C00  }
0x8: {  	s23 =	simm.s32 $0x5400;
	s28 =	simm.s32 $0x7400;
	s29 =	simm.s32 $0x7C00  }
0x9: {  	s30 =	simm.s32 $0x1;
	s31 =	simm.s32 $0x3;
	s4 =	sand.u32 $0x1, s3  }
0xa: {  	s3 =	simm.s32 $0x0;
	s5 =	sshll.u32 s5, $0x7;
	s8 =	sadd.s32 $0xE0100, s0  }
0xb: {  	s9 =	sadd.s32 $0xE0200, s0;
	s10 =	sadd.s32 $0xE0300, s0;
	s6 =	sshll.u32 s4, $0x6  }
0xc: {  	[smem:$0x7FF] =	sst s3;
	s24 =	ssub.s32 $0x2, s4;
	s4 =	sadd.s32 $0xE0000, s0  }
0xd: {  	s5 =	sor.u32 s6, s5;
	_ =	strace $0x8000004A;
	s7 =	sshrl.u32 s24, $0x1  }
0xe: {  	s6 =	sadd.s32 $0x200, s2;
	[dreg:$0x6] =	wrdreg s26;
	s26 =	simm.s32 $0x6C00  }
0xf: {  	s25 =	sadd.s32 s0, s5;
	s1 =	sadd.s32 s1, s5;
	s11 =	ssub.s32 s24, s7  }
0x10: {  	v2 =	vlaneseq.u32;
	s5 =	sadd.s32 $0x100, s2;
	s7 =	sadd.s32 $0x300, s2;
	[dreg:$0x4] =	wrdreg s25  }
0x11: {  	vm0 =	vmmov $0xffff;
	v1 =	vshrl.u32 v2, $0x3;
	s24 =	simm.s32 $0x5C00;
	s0 =	simm.s32 $0x2;
	[dreg:$0x5] =	wrdreg s1  }
0x12: {  	v0 =	vand.u32 $0x7, v2;
	v2 =	vor.u32 $0x8, v2;
	v1 =	vmul.u32 $0x8, v1;
	s11 =	smax.u32 s11, $0x1;
	s25 =	simm.s32 $0x6400;
	s1 =	simm.s32 $0x4  }
.LBB2_1:
0x13: {  	s21 =	rddreg [dreg:$0x4]  }
0x14: {  	[tilespmem:s3], [sflag:$0x5] =	stream.linear.gather [hbm4b:s21+s3], $0x180, $0x38;
	[tilespmem:$0x8400] =	vst v63  }
0x15: {  	_ =	swait.ge [sflag:s12], $0x180  }
0x16: {  	s21 =	rddreg [dreg:$0x5];
	[sflag:s12] =	ssyncset.done $0x0  }
0x17: {  	s22 =	rddreg [dreg:$0x6];
	[sflag:s12] =	ssyncadd.s32 $0xFFFFFE80  }
0x18: {  	[tilespmem:s22], [sflag:$0x5] =	stream.linear.gather [hbm4b:s21+s3], $0x180, $0x38;
	[tilespmem:$0x8400] =	vst v63  }
0x19: {  	_ =	swait.ge [sflag:s12], $0x180  }
0x1a: {  	[sflag:s12] =	ssyncset.done $0x0  }
0x1b: {  	[sflag:s12] =	ssyncadd.s32 $0xFFFFFE80  }
0x1c: {  	v3 =	vld [tilespmem:$0x0];
	_ =	sdelay $0x4  }
0x1d: {  	v4 =	vshll.u32 v3, $0x3  }
0x1e: {  	v3 =	vand.u32 $0x7, v3;
	v4 =	vand.u32 $0xFFFFFFC0, v4  }
0x1f: {  	v3 =	vor.u32 v3, v4  }
0x20: {  	v4 =	vperm.xlane v3, v0;
	_ =	sdelay $0x1  }
0x21: {  	v4 =	vadd.s32 v1, v4;
	_ =	sdelay $0x4  }
0x22: {  	[tilespmem:s13], [sflag:$0x1] =	stream.indirect_vreg.gather [hbm4b:s2+s3], $0x80, v4, vm0, $0xb8;
	[tilespmem:$0x8400] =	vst v63  }
0x23: {  	v3 =	vperm.xlane v3, v2  }
0x24: {  	[tilespmem:s14], [sflag:$0x1] =	stream.indirect_vreg.gather [hbm4b:s5+s3], $0x80, v4, vm0, $0xb8;
	[tilespmem:$0x8400] =	vst v63  }
0x25: {  	v3 =	vadd.s32 v1, v3  }
0x26: {  	[tilespmem:s15], [sflag:$0x1] =	stream.indirect_vreg.gather [hbm4b:s6+s3], $0x80, v4, vm0, $0xb8;
	[tilespmem:$0x8400] =	vst v63  }
0x27: {  	_ = 	snop  }
0x28: {  	[tilespmem:s16], [sflag:$0x1] =	stream.indirect_vreg.gather [hbm4b:s7+s3], $0x80, v4, vm0, $0xb8;
	[tilespmem:$0x8400] =	vst v63  }
0x29: {  	_ = 	snop  }
0x2a: {  	[tilespmem:s17], [sflag:$0x1] =	stream.indirect_vreg.gather [hbm4b:s2+s3], $0x80, v3, vm0, $0xb8;
	[tilespmem:$0x8400] =	vst v63  }
0x2b: {  	_ = 	snop  }
0x2c: {  	[tilespmem:s18], [sflag:$0x1] =	stream.indirect_vreg.gather [hbm4b:s5+s3], $0x80, v3, vm0, $0xb8;
	[tilespmem:$0x8400] =	vst v63  }
0x2d: {  	_ = 	snop  }
0x2e: {  	[tilespmem:s19], [sflag:$0x1] =	stream.indirect_vreg.gather [hbm4b:s6+s3], $0x80, v3, vm0, $0xb8;
	[tilespmem:$0x8400] =	vst v63  }
0x2f: {  	_ = 	snop  }
0x30: {  	[tilespmem:s20], [sflag:$0x1] =	stream.indirect_vreg.gather [hbm4b:s7+s3], $0x80, v3, vm0, $0xb8;
	[tilespmem:$0x8400] =	vst v63  }
0x31: {  	v3 =	vld [tilespmem:$0x80];
	_ =	sdelay $0x4  }
0x32: {  	v59 =	vshll.u32 v3, $0x3  }
0x33: {  	v3 =	vand.u32 $0x7, v3;
	v4 =	vand.u32 $0xFFFFFFC0, v59  }
0x34: {  	v3 =	vor.u32 v3, v4  }
0x35: {  	v4 =	vperm.xlane v3, v0;
	_ =	sdelay $0x1  }
0x36: {  	v4 =	vadd.s32 v1, v4;
	_ =	sdelay $0x3  }
0x37: {  	s21 =	simm.s32 $0x4400  }
0x38: {  	[tilespmem:s21], [sflag:$0x2] =	stream.indirect_vreg.gather [hbm4b:s2+s3], $0x80, v4, vm0, $0xb8;
	[tilespmem:$0x8400] =	vst v63  }
0x39: {  	s22 =	simm.s32 $0x4C00;
	v3 =	vperm.xlane v3, v2  }
0x3a: {  	[tilespmem:s22], [sflag:$0x2] =	stream.indirect_vreg.gather [hbm4b:s5+s3], $0x80, v4, vm0, $0xb8;
	[tilespmem:$0x8400] =	vst v63  }
0x3b: {  	v3 =	vadd.s32 v1, v3  }
0x3c: {  	[tilespmem:s23], [sflag:$0x2] =	stream.indirect_vreg.gather [hbm4b:s6+s3], $0x80, v4, vm0, $0xb8;
	[tilespmem:$0x8400] =	vst v63  }
0x3d: {  	_ = 	snop  }
0x3e: {  	[tilespmem:s24], [sflag:$0x2] =	stream.indirect_vreg.gather [hbm4b:s7+s3], $0x80, v4, vm0, $0xb8;
	[tilespmem:$0x8400] =	vst v63  }
0x3f: {  	_ = 	snop  }
0x40: {  	[tilespmem:s25], [sflag:$0x2] =	stream.indirect_vreg.gather [hbm4b:s2+s3], $0x80, v3, vm0, $0xb8;
	[tilespmem:$0x8400] =	vst v63  }
0x41: {  	_ = 	snop  }
0x42: {  	[tilespmem:s26], [sflag:$0x2] =	stream.indirect_vreg.gather [hbm4b:s5+s3], $0x80, v3, vm0, $0xb8;
	[tilespmem:$0x8400] =	vst v63  }
0x43: {  	_ = 	snop  }
0x44: {  	[tilespmem:s28], [sflag:$0x2] =	stream.indirect_vreg.gather [hbm4b:s6+s3], $0x80, v3, vm0, $0xb8;
	[tilespmem:$0x8400] =	vst v63  }
0x45: {  	_ = 	snop  }
0x46: {  	[tilespmem:s29], [sflag:$0x2] =	stream.indirect_vreg.gather [hbm4b:s7+s3], $0x80, v3, vm0, $0xb8;
	[tilespmem:$0x8400] =	vst v63  }
0x47: {  	_ =	swait.ge [sflag:s30], $0x4000  }
0x48: {  	[sflag:s30] =	ssyncset.done $0x0  }
0x49: {  	[sflag:s30] =	ssyncadd.s32 $0xFFFFC000  }
0x4a: {  	v3 =	vld [tilespmem:$0x200];
	_ =	sdelay $0x4  }
0x4b: {  	v60 =	vshll.u32 v3, $0x3  }
0x4c: {  	v3 =	vand.u32 $0x7, v3;
	v4 =	vand.u32 $0xFFFFFFC0, v60  }
0x4d: {  	v3 =	vor.u32 v3, v4  }
0x4e: {  	v4 =	vperm.xlane v3, v0;
	_ =	sdelay $0x1  }
0x4f: {  	v4 =	vadd.s32 v1, v4;
	_ =	sdelay $0x4  }
0x50: {  	[hbm4b:s4+s3] =	stream.indirect_vreg.scatter [tilespmem:s13], [sflag:$0x3], $0x80, v4, vm0, $0xb8;
	[tilespmem:$0x8400] =	vst v63  }
0x51: {  	v3 =	vperm.xlane v3, v2  }
0x52: {  	[hbm4b:s8+s3] =	stream.indirect_vreg.scatter [tilespmem:s14], [sflag:$0x3], $0x80, v4, vm0, $0xb8;
	[tilespmem:$0x8400] =	vst v63  }
0x53: {  	v3 =	vadd.s32 v1, v3  }
0x54: {  	[hbm4b:s9+s3] =	stream.indirect_vreg.scatter [tilespmem:s15], [sflag:$0x3], $0x80, v4, vm0, $0xb8;
	[tilespmem:$0x8400] =	vst v63  }
0x55: {  	_ = 	snop  }
0x56: {  	[hbm4b:s10+s3] =	stream.indirect_vreg.scatter [tilespmem:s16], [sflag:$0x3], $0x80, v4, vm0, $0xb8;
	[tilespmem:$0x8400] =	vst v63  }
0x57: {  	_ = 	snop  }
0x58: {  	[hbm4b:s4+s3] =	stream.indirect_vreg.scatter [tilespmem:s17], [sflag:$0x3], $0x80, v3, vm0, $0xb8;
	[tilespmem:$0x8400] =	vst v63  }
0x59: {  	_ = 	snop  }
0x5a: {  	[hbm4b:s8+s3] =	stream.indirect_vreg.scatter [tilespmem:s18], [sflag:$0x3], $0x80, v3, vm0, $0xb8;
	[tilespmem:$0x8400] =	vst v63  }
0x5b: {  	_ = 	snop  }
0x5c: {  	[hbm4b:s9+s3] =	stream.indirect_vreg.scatter [tilespmem:s19], [sflag:$0x3], $0x80, v3, vm0, $0xb8;
	[tilespmem:$0x8400] =	vst v63  }
0x5d: {  	_ = 	snop  }
0x5e: {  	[hbm4b:s10+s3] =	stream.indirect_vreg.scatter [tilespmem:s20], [sflag:$0x3], $0x80, v3, vm0, $0xb8;
	[tilespmem:$0x8400] =	vst v63  }
0x5f: {  	_ =	swait.ge [sflag:s31], $0x4000  }
0x60: {  	[sflag:s31] =	ssyncset.done $0x0  }
0x61: {  	[sflag:s31] =	ssyncadd.s32 $0xFFFFC000  }
0x62: {  	v3 =	vld [tilespmem:$0x100];
	_ =	sdelay $0x4  }
0x63: {  	v61 =	vshll.u32 v3, $0x3  }
0x64: {  	v3 =	vand.u32 $0x7, v3;
	v4 =	vand.u32 $0xFFFFFFC0, v61  }
0x65: {  	v3 =	vor.u32 v3, v4  }
0x66: {  	v4 =	vperm.xlane v3, v0;
	_ =	sdelay $0x1  }
0x67: {  	v4 =	vadd.s32 v1, v4;
	_ =	sdelay $0x4  }
0x68: {  	[tilespmem:s13], [sflag:$0x1] =	stream.indirect_vreg.gather [hbm4b:s2+s3], $0x80, v4, vm0, $0xb8;
	[tilespmem:$0x8400] =	vst v63  }
0x69: {  	v3 =	vperm.xlane v3, v2  }
0x6a: {  	[tilespmem:s14], [sflag:$0x1] =	stream.indirect_vreg.gather [hbm4b:s5+s3], $0x80, v4, vm0, $0xb8;
	[tilespmem:$0x8400] =	vst v63  }
0x6b: {  	v3 =	vadd.s32 v1, v3  }
0x6c: {  	[tilespmem:s15], [sflag:$0x1] =	stream.indirect_vreg.gather [hbm4b:s6+s3], $0x80, v4, vm0, $0xb8;
	[tilespmem:$0x8400] =	vst v63  }
0x6d: {  	_ = 	snop  }
0x6e: {  	[tilespmem:s16], [sflag:$0x1] =	stream.indirect_vreg.gather [hbm4b:s7+s3], $0x80, v4, vm0, $0xb8;
	[tilespmem:$0x8400] =	vst v63  }
0x6f: {  	_ = 	snop  }
0x70: {  	[tilespmem:s17], [sflag:$0x1] =	stream.indirect_vreg.gather [hbm4b:s2+s3], $0x80, v3, vm0, $0xb8;
	[tilespmem:$0x8400] =	vst v63  }
0x71: {  	_ = 	snop  }
0x72: {  	[tilespmem:s18], [sflag:$0x1] =	stream.indirect_vreg.gather [hbm4b:s5+s3], $0x80, v3, vm0, $0xb8;
	[tilespmem:$0x8400] =	vst v63  }
0x73: {  	_ = 	snop  }
0x74: {  	[tilespmem:s19], [sflag:$0x1] =	stream.indirect_vreg.gather [hbm4b:s6+s3], $0x80, v3, vm0, $0xb8;
	[tilespmem:$0x8400] =	vst v63  }
0x75: {  	_ = 	snop  }
0x76: {  	[tilespmem:s20], [sflag:$0x1] =	stream.indirect_vreg.gather [hbm4b:s7+s3], $0x80, v3, vm0, $0xb8;
	[tilespmem:$0x8400] =	vst v63  }
0x77: {  	_ =	swait.ge [sflag:s0], $0x4000  }
0x78: {  	[sflag:s0] =	ssyncset.done $0x0  }
0x79: {  	[sflag:s0] =	ssyncadd.s32 $0xFFFFC000  }
0x7a: {  	v3 =	vld [tilespmem:$0x280];
	_ =	sdelay $0x4  }
0x7b: {  	v62 =	vshll.u32 v3, $0x3  }
0x7c: {  	v3 =	vand.u32 $0x7, v3;
	v4 =	vand.u32 $0xFFFFFFC0, v62  }
0x7d: {  	v3 =	vor.u32 v3, v4  }
0x7e: {  	v4 =	vperm.xlane v3, v0;
	_ =	sdelay $0x1  }
0x7f: {  	v4 =	vadd.s32 v1, v4;
	_ =	sdelay $0x4  }
0x80: {  	[hbm4b:s4+s3] =	stream.indirect_vreg.scatter [tilespmem:s21], [sflag:$0x4], $0x80, v4, vm0, $0xb8;
	[tilespmem:$0x8400] =	vst v63  }
0x81: {  	v3 =	vperm.xlane v3, v2  }
0x82: {  	[hbm4b:s8+s3] =	stream.indirect_vreg.scatter [tilespmem:s22], [sflag:$0x4], $0x80, v4, vm0, $0xb8;
	[tilespmem:$0x8400] =	vst v63  }
0x83: {  	v3 =	vadd.s32 v1, v3  }
0x84: {  	[hbm4b:s9+s3] =	stream.indirect_vreg.scatter [tilespmem:s23], [sflag:$0x4], $0x80, v4, vm0, $0xb8;
	[tilespmem:$0x8400] =	vst v63  }
0x85: {  	_ = 	snop  }
0x86: {  	[hbm4b:s10+s3] =	stream.indirect_vreg.scatter [tilespmem:s24], [sflag:$0x4], $0x80, v4, vm0, $0xb8;
	[tilespmem:$0x8400] =	vst v63  }
0x87: {  	_ = 	snop  }
0x88: {  	[hbm4b:s4+s3] =	stream.indirect_vreg.scatter [tilespmem:s25], [sflag:$0x4], $0x80, v3, vm0, $0xb8;
	[tilespmem:$0x8400] =	vst v63  }
0x89: {  	_ = 	snop  }
0x8a: {  	[hbm4b:s8+s3] =	stream.indirect_vreg.scatter [tilespmem:s26], [sflag:$0x4], $0x80, v3, vm0, $0xb8;
	[tilespmem:$0x8400] =	vst v63  }
0x8b: {  	_ = 	snop  }
0x8c: {  	[hbm4b:s9+s3] =	stream.indirect_vreg.scatter [tilespmem:s28], [sflag:$0x4], $0x80, v3, vm0, $0xb8;
	[tilespmem:$0x8400] =	vst v63  }
0x8d: {  	_ = 	snop  }
0x8e: {  	[hbm4b:s10+s3] =	stream.indirect_vreg.scatter [tilespmem:s29], [sflag:$0x4], $0x80, v3, vm0, $0xb8;
	[tilespmem:$0x8400] =	vst v63  }
0x8f: {  	_ =	swait.ge [sflag:s1], $0x4000  }
0x90: {  	[sflag:s1] =	ssyncset.done $0x0  }
0x91: {  	[sflag:s1] =	ssyncadd.s32 $0xFFFFC000  }
0x92: {  	_ =	swait.ge [sflag:s30], $0x4000  }
0x93: {  	[sflag:s30] =	ssyncset.done $0x0  }
0x94: {  	[sflag:s30] =	ssyncadd.s32 $0xFFFFC000  }
0x95: {  	v3 =	vld [tilespmem:$0x300];
	_ =	sdelay $0x4  }
0x96: {  	v63 =	vshll.u32 v3, $0x3  }
0x97: {  	v3 =	vand.u32 $0x7, v3;
	v4 =	vand.u32 $0xFFFFFFC0, v63  }
0x98: {  	v3 =	vor.u32 v3, v4  }
0x99: {  	v4 =	vperm.xlane v3, v0;
	_ =	sdelay $0x1  }
0x9a: {  	v4 =	vadd.s32 v1, v4;
	_ =	sdelay $0x4  }
0x9b: {  	[hbm4b:s4+s3] =	stream.indirect_vreg.scatter [tilespmem:s13], [sflag:$0x3], $0x80, v4, vm0, $0xb8;
	[tilespmem:$0x8400] =	vst v63  }
0x9c: {  	v3 =	vperm.xlane v3, v2  }
0x9d: {  	[hbm4b:s8+s3] =	stream.indirect_vreg.scatter [tilespmem:s14], [sflag:$0x3], $0x80, v4, vm0, $0xb8;
	[tilespmem:$0x8400] =	vst v63  }
0x9e: {  	v3 =	vadd.s32 v1, v3  }
0x9f: {  	[hbm4b:s9+s3] =	stream.indirect_vreg.scatter [tilespmem:s15], [sflag:$0x3], $0x80, v4, vm0, $0xb8;
	[tilespmem:$0x8400] =	vst v63  }
0xa0: {  	_ = 	snop  }
0xa1: {  	[hbm4b:s10+s3] =	stream.indirect_vreg.scatter [tilespmem:s16], [sflag:$0x3], $0x80, v4, vm0, $0xb8;
	[tilespmem:$0x8400] =	vst v63  }
0xa2: {  	_ = 	snop  }
0xa3: {  	[hbm4b:s4+s3] =	stream.indirect_vreg.scatter [tilespmem:s17], [sflag:$0x3], $0x80, v3, vm0, $0xb8;
	[tilespmem:$0x8400] =	vst v63  }
0xa4: {  	_ = 	snop  }
0xa5: {  	[hbm4b:s8+s3] =	stream.indirect_vreg.scatter [tilespmem:s18], [sflag:$0x3], $0x80, v3, vm0, $0xb8;
	[tilespmem:$0x8400] =	vst v63  }
0xa6: {  	p0 =	sne.s32 s11, $0x1  }
0xa7: {  	[hbm4b:s9+s3] =	stream.indirect_vreg.scatter [tilespmem:s19], [sflag:$0x3], $0x80, v3, vm0, $0xb8;
	[tilespmem:$0x8400] =	vst v63  }
.Ltmp0:
0xa8: {  	_ = 	snop;
	(pc) =	sbr.rel @p0 .LBB2_1-.Ltmp0, $4  }
0xa9: {  	[hbm4b:s10+s3] =	stream.indirect_vreg.scatter [tilespmem:s20], [sflag:$0x3], $0x80, v3, vm0, $0xb8;
	[tilespmem:$0x8400] =	vst v63  }
0xaa: {  	_ =	swait.ge [sflag:s31], $0x4000  }
0xab: {  	[sflag:s31] =	ssyncset.done $0x0  }
0xac: {  	s11 =	sadd.s32 $0xFFFFFFFF, s11;
	[sflag:s31] =	ssyncadd.s32 $0xFFFFC000  }
0xad: {  	_ =	sfence.sel $0x180000  }
0xae: {  	[bflag:$0x0] =	sbarrier.arrive $0xFFFF  }
0xaf: {  	_ =	strace $0x9000004A  }
0xb0: {  	s0 =	stileid.u32;
	[bflag:$0x2] =	sbarrier.arrive $0xFFFF  }
0xb1: {  	p0 =	sne.s32 s0, $0x0;
	s0 =	rddreg [dreg:$0x3]  }
0xb2: {  	s0 =	sadd.s32 @!p0 $0x100000, s0  }
0xb3: {  	[sflag:s0] =	ssyncadd.tile.s32 @!p0 $0x1;
	_ =	shalt  }
.Lfunc_end2:
_tile_overlayer_lowered:
.L_overlay_start_2:
0xb4: {  	(tag) =	ssettag $0x2  }
0xb5: {  	s0 =	rddreg [dreg:$0x0];
	s2 =	stileid.u32  }
0xb6: {  	s1 =	rddreg [dreg:$0x1];
	p0 =	sne.s32 s2, $0x0  }
0xb7: {  	s3 =	rddreg [dreg:$0x2];
	[bflag:$0x3] =	sbarrier.arrive $0xFFFF;
	s2 =	simm.s32 @!p0 $0x1C05  }
0xb8: {  	[timem:s3], [sflag:s2] =	dma.local @!p0 [hbm:s0], s1  }
0xb9: {  	s0 =	simm.s32 @!p0 $0x5  }
0xba: {  	_ =	swait.ge @!p0 [sflag:s0], s1  }
0xbb: {  	s1 =	ssub.s32 @!p0 $0x0, s1;
	[sflag:s0] =	ssyncset.done @!p0 $0x0  }
0xbc: {  	[sflag:s0] =	ssyncadd.s32 @!p0 s1  }
0xbd: {  	[bflag:$0x3] =	sbarrier.arrive $0xFFFF  }
0xbe: {  	_ =	shalt  }

// kernel: kernel.16.cloned.1.call-start
scs
__scs_entry_jumppad:
0x0: {  	(pc) =	sbr.rel $0x88, $3  }
0x1: {  	(tag) =	ssettag $0x0;
	lr =	simm.s32 $0x1  }
0x2: {  	[smem:$0x3F9C] =	sst lr;
	_ =	strace $0xD0000000  }
0x3: {  	_ = 	snop  }
0x4: {  	_ = 	snop  }
0x5: {  	_ = 	snop  }
0x6: {  	_ = 	snop  }
0x7: {  	_ = 	snop  }
__scs_overlays_trampoline_lowered:
0x8: {  	[smem:$0x3FAB] =	sst s0  }
0x9: {  	[smem:$0x3FAC] =	sst s1  }
0xa: {  	[smem:$0x3FAD] =	sst s2  }
0xb: {  	[smem:$0x3FAE] =	sst s3  }
0xc: {  	[smem:$0x3FAF] =	sst s4  }
0xd: {  	[smem:$0x3FB0] =	sst s5  }
0xe: {  	[smem:$0x3FB1] =	sst s6  }
0xf: {  	[smem:$0x3FB2] =	sst s7  }
0x10: {  	[smem:$0x3FB3] =	sst s8  }
0x11: {  	[smem:$0x3FB4] =	sst s9;
	s0 =	simm.s32 @!p0 $0x0  }
0x12: {  	s1 =	sld [smem:$0x3F9A];
	s0 =	simm.s32 @p0 $0x1  }
0x13: {  	[smem:$0x3FB5] =	sst s0;
	s0 =	simm.s32 @!p1 $0x0  }
0x14: {  	s2 =	sld [smem:$0x3F99];
	s0 =	simm.s32 @p1 $0x1  }
0x15: {  	[smem:$0x3FB6] =	sst s0;
	s0 =	simm.s32 @!p2 $0x0  }
0x16: {  	s3 =	sld [smem:$0x3FDB];
	s0 =	simm.s32 @p2 $0x1  }
0x17: {  	s4 =	simm.s32 $0x1BF5;
	[smem:$0x3FB8] =	sst s0  }
0x18: {  	s0 =	sld [smem:$0x3F9B];
	_ =	swait.ge [sflag:s4], $0x0  }
0x19: {  	s7 =	sld [smem:$0x3F9C]  }
0x1a: {  	s8 =	sadd.s32 $0xFFFFE003, lr  }
0x1b: {  	s9 =	sadd.s32 $0xFFFFFEF7, lr;
	s5 =	simm.s32 $0xFFFFFFFF;
	p2 =	slt.u32 s8, $0xFFFFF086  }
0x1c: {  	p1 =	slt.u32 s9, $0xF7A;
	s5 =	simm.s32 @!p2 $0x0  }
0x1d: {  	s5 =	simm.s32 @p1 $0x1;
	p0 =	seq.s32 s7, s2  }
0x1e: {  	s7 =	smul.u32 @!p0 $0xF7A, s2;
	p2 =	seq.s32 @!p0 s5, $0x0  }
0x1f: {  	s9 =	smul.u32 $0xF7A, s1;
	s8 =	simm.s32 @!p0 $0x1BF5;
	p2 =	por !p2, p0  }
0x20: {  	[sflag:s8] =	ssyncset.s32 @!p0 $0xFFFFF086;
	s6 =	sadd.s32 @!p0 s3, s7;
	s7 =	simm.s32 @!p0 $0x108  }
0x21: {  	s3 =	sadd.s32 s3, s9;
	s6 =	sadd.s32 @!p0 $0x88, s6;
	s7 =	simm.s32 @p2 $0x1082  }
0x22: {  	[simem:s7], [sflag:s8] =	dma.local @!p0 [hbm:s6], $0xF7A  }
0x23: {  	s9 =	sor.u32 $0xD0000000, s2;
	s6 =	simm.s32 $0x108;
	_ =	swait.ge @!p0 [sflag:s8], $0x0  }
0x24: {  	s3 =	sadd.s32 $0x88, s3;
	s6 =	simm.s32 @!p1 $0x1082;
	[sflag:s4] =	ssyncset.s32 $0xFFFFF086  }
0x25: {  	[simem:s6], [sflag:s4] =	dma.local [hbm:s3], $0xF7A  }
0x26: {  	[smem:$0x3F9C] =	sst s1;
	(tag) =	ssettag s2;
	_ =	strace s9  }
0x27: {  	s1 =	sld [smem:$0x3FAC]  }
0x28: {  	s2 =	sld [smem:$0x3FAD]  }
0x29: {  	s4 =	sld [smem:$0x3FAF]  }
0x2a: {  	p0 =	seq.s32 s5, $0x0;
	s5 =	sld [smem:$0x3FB0]  }
0x2b: {  	s6 =	sld [smem:$0x3FB1]  }
0x2c: {  	s7 =	sld [smem:$0x3FB2]  }
0x2d: {  	s3 =	simm.s32 $0x108;
	s8 =	sld [smem:$0x3FB3]  }
0x2e: {  	s3 =	simm.s32 @!p0 $0x1082;
	s9 =	sld [smem:$0x3FB4]  }
0x2f: {  	lr =	sadd.s32 s0, s3;
	s0 =	sld [smem:$0x3FAB]  }
0x30: {  	s3 =	sld [smem:$0x3FAE]  }
0x31: {  	[smem:$0x3FB7] =	sst s10  }
0x32: {  	s10 =	sld [smem:$0x3FB5];
	_ =	sdelay $0x3  }
0x33: {  	p0 =	seq.s32 s10, $0x1;
	s10 =	sld [smem:$0x3FB7];
	_ =	sdelay $0x3  }
0x34: {  	[smem:$0x3FB7] =	sst s10  }
0x35: {  	s10 =	sld [smem:$0x3FB6];
	_ =	sdelay $0x3  }
0x36: {  	p1 =	seq.s32 s10, $0x1;
	s10 =	sld [smem:$0x3FB7];
	_ =	sdelay $0x3  }
0x37: {  	[smem:$0x3FB7] =	sst s10  }
0x38: {  	s10 =	sld [smem:$0x3FB8]  }
0x39: {  	_ = 	snop;
	(pc) =	sbr.ind lr, $3  }
0x3a: {  	_ = 	snop  }
0x3b: {  	_ = 	snop  }
0x3c: {  	p2 =	seq.s32 s10, $0x1;
	s10 =	sld [smem:$0x3FB7]  }
0x3d: {  	_ =	shalt  }
0x3e: {  	_ =	shalt  }
0x3f: {  	_ =	shalt  }
0x40: {  	_ =	shalt  }
0x41: {  	_ =	shalt  }
0x42: {  	_ =	shalt  }
0x43: {  	_ =	shalt  }
0x44: {  	_ =	shalt  }
0x45: {  	_ =	shalt  }
0x46: {  	_ =	shalt  }
0x47: {  	_ =	shalt  }
0x48: {  	_ =	shalt  }
0x49: {  	_ =	shalt  }
0x4a: {  	_ =	shalt  }
0x4b: {  	_ =	shalt  }
0x4c: {  	_ =	shalt  }
0x4d: {  	_ =	shalt  }
0x4e: {  	_ =	shalt  }
0x4f: {  	_ =	shalt  }
0x50: {  	_ =	shalt  }
0x51: {  	_ =	shalt  }
0x52: {  	_ =	shalt  }
0x53: {  	_ =	shalt  }
0x54: {  	_ =	shalt  }
0x55: {  	_ =	shalt  }
0x56: {  	_ =	shalt  }
0x57: {  	_ =	shalt  }
0x58: {  	_ =	shalt  }
0x59: {  	_ =	shalt  }
0x5a: {  	_ =	shalt  }
0x5b: {  	_ =	shalt  }
0x5c: {  	_ =	shalt  }
0x5d: {  	_ =	shalt  }
0x5e: {  	_ =	shalt  }
0x5f: {  	_ =	shalt  }
0x60: {  	_ =	shalt  }
0x61: {  	_ =	shalt  }
0x62: {  	_ =	shalt  }
0x63: {  	_ =	shalt  }
0x64: {  	_ =	shalt  }
0x65: {  	_ =	shalt  }
0x66: {  	_ =	shalt  }
0x67: {  	_ =	shalt  }
0x68: {  	_ =	shalt  }
0x69: {  	_ =	shalt  }
0x6a: {  	_ =	shalt  }
0x6b: {  	_ =	shalt  }
0x6c: {  	_ =	shalt  }
0x6d: {  	_ =	shalt  }
0x6e: {  	_ =	shalt  }
0x6f: {  	_ =	shalt  }
0x70: {  	_ =	shalt  }
0x71: {  	_ =	shalt  }
0x72: {  	_ =	shalt  }
0x73: {  	_ =	shalt  }
0x74: {  	_ =	shalt  }
0x75: {  	_ =	shalt  }
0x76: {  	_ =	shalt  }
0x77: {  	_ =	shalt  }
0x78: {  	_ =	shalt  }
0x79: {  	_ =	shalt  }
0x7a: {  	_ =	shalt  }
0x7b: {  	_ =	shalt  }
0x7c: {  	_ =	shalt  }
0x7d: {  	_ =	shalt  }
0x7e: {  	_ =	shalt  }
0x7f: {  	_ =	shalt  }
0x80: {  	_ =	shalt  }
0x81: {  	_ =	shalt  }
0x82: {  	_ =	shalt  }
0x83: {  	_ =	shalt  }
0x84: {  	_ =	shalt  }
0x85: {  	_ =	shalt  }
0x86: {  	_ =	shalt  }
0x87: {  	_ =	shalt  }
.Lfunc_end0:
.L_simem_size_0:
called_computation.2_lowered:
.L_overlay_start_0:
0x88: {  	s2 =	sld [smem:$0x3FD9]  }
0x89: {  	s3 =	sld [smem:$0x3FFE];
	_ =	sdelay $0x1  }
0x8a: {  	s1 =	srdreg.scid  }
0x8b: {  	s0 =	sand.u32 $0x1, s1  }
0x8c: {  	s17 =	sshll.u32 s0, $0xA;
	s2 =	sadd.s32 s3, s2  }
0x8d: {  	s2 =	sadd.s32 s2, s17  }
0x8e: {  	[smem:$0x3FC3] =	sst s2  }
0x8f: {  	_ = 	snop  }
0x90: {  	s2 =	sld [smem:$0x3FD0];
	(tm) =	ssettm $0x1  }
0x91: {  	s18 =	sld [smem:$0x3FFB];
	_ =	sdelay $0x3  }
0x92: {  	_ =	strace s18  }
0x93: {  	s3 =	sld [smem:$0x3FFC];
	_ =	sdelay $0x3  }
0x94: {  	_ =	strace s3  }
0x95: {  	s3 =	sld [smem:$0x3FFD];
	_ =	sdelay $0x3  }
0x96: {  	_ =	strace s3  }
0x97: {  	_ =	strace $0x8FFFFFFF  }
0x98: {  	s19 =	sld [smem:$0x3FDB];
	_ =	sdelay $0x1  }
0x99: {  	s4 =	simm.s32 $_scs_section_size  }
0x9a: {  	s5 =	simm.s32 $_size__tile_overlayer_lowered;
	s6 =	simm.s32 $_tile_overlayer_lowered  }
0x9b: {  	s22 =	simm.s32 $0x1BFF;
	s21 =	sshll.u32 s6, $0x1;
	s3 =	sadd.s32 s4, s19  }
0x9c: {  	s7 =	simm.s32 $0x0;
	s20 =	sshll.u32 s5, $0x1;
	s5 =	sadd.s32 s21, s3  }
0x9d: {  	[timem:s7], [sflag:s22] =	dma.local [hbm:s5], s20  }
0x9e: {  	_ =	swait.ge [sflag:s22], s20  }
0x9f: {  	s4 =	ssub.s32 $0x0, s20;
	[sflag:s22] =	ssyncset.done $0x0  }
0xa0: {  	[sflag:s22] =	ssyncadd.s32 s4;
	_ =	sdelay $0x1  }
0xa1: {  	s23 =	simm.s32 $0x1B8B  }
0xa2: {  	_ =	swait.ge [sflag:s23], $0x1  }
0xa3: {  	[sflag:s23] =	ssyncset.done $0x0  }
0xa4: {  	s25 =	simm.s32 $0x1B8E;
	s24 =	sld [smem:$0x3FFE];
	[sflag:s23] =	ssyncadd.s32 $0xFFFFFFFF  }
0xa5: {  	s26 =	simm.s32 $execute0_lowered;
	[smem:$0x3FD2] =	sst s25  }
0xa6: {  	s5 =	sshll.u32 s26, $0x1;
	_ =	strace $0x8000004C;
	[dreg:$0x1] =	wrdreg $0xFFFFFFFF  }
0xa7: {  	s28 =	simm.s32 $_size_execute0_lowered;
	s3 =	sadd.s32 s3, s5;
	[dreg:$0x0] =	wrdreg $0x0  }
0xa8: {  	s5 =	sshll.u32 s28, $0x1;
	[dreg:$0x2] =	wrdreg s3  }
0xa9: {  	[dreg:$0x3] =	wrdreg s5  }
0xaa: {  	[dreg:$0x4] =	wrdreg $0xC0  }
0xab: {  	_ =	task [dreg:s7], $0x5FFFF  }
0xac: {  	[dreg:$0x1] =	wrdreg $0xFFFFFFFF  }
0xad: {  	[dreg:$0x0] =	wrdreg $0x60  }
0xae: {  	[dreg:$0x2] =	wrdreg s2  }
0xaf: {  	[dreg:$0x3] =	wrdreg s24  }
0xb0: {  	[dreg:$0x4] =	wrdreg $0x9  }
0xb1: {  	_ =	task.clear_ibuf [dreg:s7], $0x5FFFF;
	_ =	strace $0x9000004C  }
0xb2: {  	s29 =	simm.s32 $0x9;
	_ =	strace $0x8000004E  }
0xb3: {  	_ =	swait.ge [sflag:s29], $0x1  }
0xb4: {  	[sflag:s29] =	ssyncadd.s32 $0xFFFFFFFF  }
0xb5: {  	_ =	strace $0x9000004E  }
0xb6: {  	_ =	sfence  }
0xb7: {  	s30 =	sld [smem:$0x0];
	_ =	sdelay $0x2  }
0xb8: {  	s31 =	sshll.u32 s1, $0xD;
	s1 =	sshrl.u32 s1, $0x2  }
0xb9: {  	s3 =	sand.u32 $0x4000, s31;
	s1 =	sadd.s32 s1, s30  }
0xba: {  	s0 =	sor.u32 s3, s0;
	s1 =	sshll.u32 s1, $0x11  }
0xbb: {  	s0 =	sor.u32 s1, s0  }
0xbc: {  	s0 =	sadd.s32 $0x8F2B, s0  }
0xbd: {  	[sflag:s0] =	ssyncadd.remote.s32 $0x1  }
0xbe: {  	_ =	sfence.sel $0xFFFF  }
0xbf: {  	[dreg:$0x0] =	wrdreg $0xFFFFFFFF;
	(pc) =	sbr.abs _section_cstart, $3  }
0xc0: {  	[dreg:$0x1] =	wrdreg $0xFFFFFFFF  }
0xc1: {  	_ =	task.clear_ibuf [dreg:s7], $0x2FFFF;
	_ =	strace $0x9FFFFFFF  }
0xc2: {  	(tm) =	ssettm $0x7FFFFFFF  }
0xc3: {  	_ =	shalt  }
tec
execute0_lowered:
.L_overlay_start_1:
0x0: {  	(tag) =	ssettag $0x1  }
0x1: {  	s0 =	rddreg [dreg:$0x0]  }
0x2: {  	s1 =	rddreg [dreg:$0x1];
	s3 =	srdreg.scid;
	s2 =	simm.s32 $0x0  }
0x3: {  	s4 =	stileid.u32;
	s12 =	simm.s32 $0x5;
	s26 =	simm.s32 $0x200  }
0x4: {  	s13 =	simm.s32 $0x400;
	s14 =	simm.s32 $0xC00;
	s15 =	simm.s32 $0x1400  }
0x5: {  	s16 =	simm.s32 $0x1C00;
	s17 =	simm.s32 $0x2400;
	s18 =	simm.s32 $0x2C00  }
0x6: {  	s19 =	simm.s32 $0x3400;
	s20 =	simm.s32 $0x3C00;
	s23 =	simm.s32 $0x5400  }
0x7: {  	s24 =	simm.s32 $0x5C00;
	s28 =	simm.s32 $0x7400;
	s29 =	simm.s32 $0x7C00  }
0x8: {  	s30 =	simm.s32 $0x1;
	s31 =	simm.s32 $0x3;
	s3 =	sand.u32 $0x1, s3  }
0x9: {  	[smem:$0x7FF] =	sst s2;
	s4 =	sshll.u32 s4, $0x7;
	s9 =	sadd.s32 $0xE0200, s1  }
0xa: {  	s10 =	sadd.s32 $0xE0300, s1;
	s5 =	sshll.u32 s3, $0x6;
	_ =	strace $0x8000004D  }
0xb: {  	s6 =	ssub.s32 $0x2, s3;
	s3 =	sadd.s32 $0x364000, s1;
	[dreg:$0x5] =	wrdreg s26  }
0xc: {  	s26 =	simm.s32 $0x6C00;
	s5 =	sor.u32 s5, s4;
	s8 =	sshrl.u32 s6, $0x1  }
0xd: {  	s4 =	sadd.s32 $0xE0000, s1;
	s7 =	sadd.s32 s5, s1;
	s11 =	ssub.s32 s6, s8  }
0xe: {  	s0 =	sadd.s32 s0, s5;
	s5 =	sadd.s32 $0x364100, s1;
	s6 =	sadd.s32 $0x364200, s1  }
0xf: {  	v2 =	vlaneseq.u32;
	s8 =	sadd.s32 $0xE0100, s1;
	[dreg:$0x3] =	wrdreg s0;
	s25 =	sadd.s32 $0x800, s7  }
0x10: {  	vm0 =	vmmov $0xffff;
	v1 =	vshrl.u32 v2, $0x3;
	s7 =	sadd.s32 $0x364300, s1;
	s11 =	smax.u32 s11, $0x1;
	s0 =	simm.s32 $0x2  }
0x11: {  	v0 =	vand.u32 $0x7, v2;
	v2 =	vor.u32 $0x8, v2;
	v1 =	vmul.u32 $0x8, v1;
	s1 =	simm.s32 $0x4;
	[dreg:$0x4] =	wrdreg s25;
	s25 =	simm.s32 $0x6400  }
.LBB2_1:
0x12: {  	s21 =	rddreg [dreg:$0x3]  }
0x13: {  	[tilespmem:s2], [sflag:$0x5] =	stream.linear.gather [hbm4b:s21+s2], $0x180, $0x38;
	[tilespmem:$0x8400] =	vst v63  }
0x14: {  	_ =	swait.ge [sflag:s12], $0x180  }
0x15: {  	s21 =	rddreg [dreg:$0x4];
	[sflag:s12] =	ssyncset.done $0x0  }
0x16: {  	s22 =	rddreg [dreg:$0x5];
	[sflag:s12] =	ssyncadd.s32 $0xFFFFFE80  }
0x17: {  	[tilespmem:s22], [sflag:$0x5] =	stream.linear.gather [hbm4b:s21+s2], $0x180, $0x38;
	[tilespmem:$0x8400] =	vst v63  }
0x18: {  	_ =	swait.ge [sflag:s12], $0x180  }
0x19: {  	[sflag:s12] =	ssyncset.done $0x0  }
0x1a: {  	[sflag:s12] =	ssyncadd.s32 $0xFFFFFE80  }
0x1b: {  	v3 =	vld [tilespmem:$0x0];
	_ =	sdelay $0x4  }
0x1c: {  	v4 =	vshll.u32 v3, $0x3  }
0x1d: {  	v3 =	vand.u32 $0x7, v3;
	v4 =	vand.u32 $0xFFFFFFC0, v4  }
0x1e: {  	v3 =	vor.u32 v3, v4  }
0x1f: {  	v4 =	vperm.xlane v3, v0;
	_ =	sdelay $0x1  }
0x20: {  	v4 =	vadd.s32 v1, v4;
	_ =	sdelay $0x4  }
0x21: {  	[tilespmem:s13], [sflag:$0x1] =	stream.indirect_vreg.gather [hbm4b:s3+s2], $0x80, v4, vm0, $0xb8;
	[tilespmem:$0x8400] =	vst v63  }
0x22: {  	v3 =	vperm.xlane v3, v2  }
0x23: {  	[tilespmem:s14], [sflag:$0x1] =	stream.indirect_vreg.gather [hbm4b:s5+s2], $0x80, v4, vm0, $0xb8;
	[tilespmem:$0x8400] =	vst v63  }
0x24: {  	v3 =	vadd.s32 v1, v3  }
0x25: {  	[tilespmem:s15], [sflag:$0x1] =	stream.indirect_vreg.gather [hbm4b:s6+s2], $0x80, v4, vm0, $0xb8;
	[tilespmem:$0x8400] =	vst v63  }
0x26: {  	_ = 	snop  }
0x27: {  	[tilespmem:s16], [sflag:$0x1] =	stream.indirect_vreg.gather [hbm4b:s7+s2], $0x80, v4, vm0, $0xb8;
	[tilespmem:$0x8400] =	vst v63  }
0x28: {  	_ = 	snop  }
0x29: {  	[tilespmem:s17], [sflag:$0x1] =	stream.indirect_vreg.gather [hbm4b:s3+s2], $0x80, v3, vm0, $0xb8;
	[tilespmem:$0x8400] =	vst v63  }
0x2a: {  	_ = 	snop  }
0x2b: {  	[tilespmem:s18], [sflag:$0x1] =	stream.indirect_vreg.gather [hbm4b:s5+s2], $0x80, v3, vm0, $0xb8;
	[tilespmem:$0x8400] =	vst v63  }
0x2c: {  	_ = 	snop  }
0x2d: {  	[tilespmem:s19], [sflag:$0x1] =	stream.indirect_vreg.gather [hbm4b:s6+s2], $0x80, v3, vm0, $0xb8;
	[tilespmem:$0x8400] =	vst v63  }
0x2e: {  	_ = 	snop  }
0x2f: {  	[tilespmem:s20], [sflag:$0x1] =	stream.indirect_vreg.gather [hbm4b:s7+s2], $0x80, v3, vm0, $0xb8;
	[tilespmem:$0x8400] =	vst v63  }
0x30: {  	v3 =	vld [tilespmem:$0x80];
	_ =	sdelay $0x4  }
0x31: {  	v59 =	vshll.u32 v3, $0x3  }
0x32: {  	v3 =	vand.u32 $0x7, v3;
	v4 =	vand.u32 $0xFFFFFFC0, v59  }
0x33: {  	v3 =	vor.u32 v3, v4  }
0x34: {  	v4 =	vperm.xlane v3, v0;
	_ =	sdelay $0x1  }
0x35: {  	v4 =	vadd.s32 v1, v4;
	_ =	sdelay $0x3  }
0x36: {  	s21 =	simm.s32 $0x4400  }
0x37: {  	[tilespmem:s21], [sflag:$0x2] =	stream.indirect_vreg.gather [hbm4b:s3+s2], $0x80, v4, vm0, $0xb8;
	[tilespmem:$0x8400] =	vst v63  }
0x38: {  	s22 =	simm.s32 $0x4C00;
	v3 =	vperm.xlane v3, v2  }
0x39: {  	[tilespmem:s22], [sflag:$0x2] =	stream.indirect_vreg.gather [hbm4b:s5+s2], $0x80, v4, vm0, $0xb8;
	[tilespmem:$0x8400] =	vst v63  }
0x3a: {  	v3 =	vadd.s32 v1, v3  }
0x3b: {  	[tilespmem:s23], [sflag:$0x2] =	stream.indirect_vreg.gather [hbm4b:s6+s2], $0x80, v4, vm0, $0xb8;
	[tilespmem:$0x8400] =	vst v63  }
0x3c: {  	_ = 	snop  }
0x3d: {  	[tilespmem:s24], [sflag:$0x2] =	stream.indirect_vreg.gather [hbm4b:s7+s2], $0x80, v4, vm0, $0xb8;
	[tilespmem:$0x8400] =	vst v63  }
0x3e: {  	_ = 	snop  }
0x3f: {  	[tilespmem:s25], [sflag:$0x2] =	stream.indirect_vreg.gather [hbm4b:s3+s2], $0x80, v3, vm0, $0xb8;
	[tilespmem:$0x8400] =	vst v63  }
0x40: {  	_ = 	snop  }
0x41: {  	[tilespmem:s26], [sflag:$0x2] =	stream.indirect_vreg.gather [hbm4b:s5+s2], $0x80, v3, vm0, $0xb8;
	[tilespmem:$0x8400] =	vst v63  }
0x42: {  	_ = 	snop  }
0x43: {  	[tilespmem:s28], [sflag:$0x2] =	stream.indirect_vreg.gather [hbm4b:s6+s2], $0x80, v3, vm0, $0xb8;
	[tilespmem:$0x8400] =	vst v63  }
0x44: {  	_ = 	snop  }
0x45: {  	[tilespmem:s29], [sflag:$0x2] =	stream.indirect_vreg.gather [hbm4b:s7+s2], $0x80, v3, vm0, $0xb8;
	[tilespmem:$0x8400] =	vst v63  }
0x46: {  	_ =	swait.ge [sflag:s30], $0x4000  }
0x47: {  	[sflag:s30] =	ssyncset.done $0x0  }
0x48: {  	[sflag:s30] =	ssyncadd.s32 $0xFFFFC000  }
0x49: {  	v3 =	vld [tilespmem:$0x200];
	_ =	sdelay $0x4  }
0x4a: {  	v60 =	vshll.u32 v3, $0x3  }
0x4b: {  	v3 =	vand.u32 $0x7, v3;
	v4 =	vand.u32 $0xFFFFFFC0, v60  }
0x4c: {  	v3 =	vor.u32 v3, v4  }
0x4d: {  	v4 =	vperm.xlane v3, v0;
	_ =	sdelay $0x1  }
0x4e: {  	v4 =	vadd.s32 v1, v4;
	_ =	sdelay $0x4  }
0x4f: {  	[hbm4b:s4+s2] =	stream.indirect_vreg.scatter [tilespmem:s13], [sflag:$0x3], $0x80, v4, vm0, $0xb8;
	[tilespmem:$0x8400] =	vst v63  }
0x50: {  	v3 =	vperm.xlane v3, v2  }
0x51: {  	[hbm4b:s8+s2] =	stream.indirect_vreg.scatter [tilespmem:s14], [sflag:$0x3], $0x80, v4, vm0, $0xb8;
	[tilespmem:$0x8400] =	vst v63  }
0x52: {  	v3 =	vadd.s32 v1, v3  }
0x53: {  	[hbm4b:s9+s2] =	stream.indirect_vreg.scatter [tilespmem:s15], [sflag:$0x3], $0x80, v4, vm0, $0xb8;
	[tilespmem:$0x8400] =	vst v63  }
0x54: {  	_ = 	snop  }
0x55: {  	[hbm4b:s10+s2] =	stream.indirect_vreg.scatter [tilespmem:s16], [sflag:$0x3], $0x80, v4, vm0, $0xb8;
	[tilespmem:$0x8400] =	vst v63  }
0x56: {  	_ = 	snop  }
0x57: {  	[hbm4b:s4+s2] =	stream.indirect_vreg.scatter [tilespmem:s17], [sflag:$0x3], $0x80, v3, vm0, $0xb8;
	[tilespmem:$0x8400] =	vst v63  }
0x58: {  	_ = 	snop  }
0x59: {  	[hbm4b:s8+s2] =	stream.indirect_vreg.scatter [tilespmem:s18], [sflag:$0x3], $0x80, v3, vm0, $0xb8;
	[tilespmem:$0x8400] =	vst v63  }
0x5a: {  	_ = 	snop  }
0x5b: {  	[hbm4b:s9+s2] =	stream.indirect_vreg.scatter [tilespmem:s19], [sflag:$0x3], $0x80, v3, vm0, $0xb8;
	[tilespmem:$0x8400] =	vst v63  }
0x5c: {  	_ = 	snop  }
0x5d: {  	[hbm4b:s10+s2] =	stream.indirect_vreg.scatter [tilespmem:s20], [sflag:$0x3], $0x80, v3, vm0, $0xb8;
	[tilespmem:$0x8400] =	vst v63  }
0x5e: {  	_ =	swait.ge [sflag:s31], $0x4000  }
0x5f: {  	[sflag:s31] =	ssyncset.done $0x0  }
0x60: {  	[sflag:s31] =	ssyncadd.s32 $0xFFFFC000  }
0x61: {  	v3 =	vld [tilespmem:$0x100];
	_ =	sdelay $0x4  }
0x62: {  	v61 =	vshll.u32 v3, $0x3  }
0x63: {  	v3 =	vand.u32 $0x7, v3;
	v4 =	vand.u32 $0xFFFFFFC0, v61  }
0x64: {  	v3 =	vor.u32 v3, v4  }
0x65: {  	v4 =	vperm.xlane v3, v0;
	_ =	sdelay $0x1  }
0x66: {  	v4 =	vadd.s32 v1, v4;
	_ =	sdelay $0x4  }
0x67: {  	[tilespmem:s13], [sflag:$0x1] =	stream.indirect_vreg.gather [hbm4b:s3+s2], $0x80, v4, vm0, $0xb8;
	[tilespmem:$0x8400] =	vst v63  }
0x68: {  	v3 =	vperm.xlane v3, v2  }
0x69: {  	[tilespmem:s14], [sflag:$0x1] =	stream.indirect_vreg.gather [hbm4b:s5+s2], $0x80, v4, vm0, $0xb8;
	[tilespmem:$0x8400] =	vst v63  }
0x6a: {  	v3 =	vadd.s32 v1, v3  }
0x6b: {  	[tilespmem:s15], [sflag:$0x1] =	stream.indirect_vreg.gather [hbm4b:s6+s2], $0x80, v4, vm0, $0xb8;
	[tilespmem:$0x8400] =	vst v63  }
0x6c: {  	_ = 	snop  }
0x6d: {  	[tilespmem:s16], [sflag:$0x1] =	stream.indirect_vreg.gather [hbm4b:s7+s2], $0x80, v4, vm0, $0xb8;
	[tilespmem:$0x8400] =	vst v63  }
0x6e: {  	_ = 	snop  }
0x6f: {  	[tilespmem:s17], [sflag:$0x1] =	stream.indirect_vreg.gather [hbm4b:s3+s2], $0x80, v3, vm0, $0xb8;
	[tilespmem:$0x8400] =	vst v63  }
0x70: {  	_ = 	snop  }
0x71: {  	[tilespmem:s18], [sflag:$0x1] =	stream.indirect_vreg.gather [hbm4b:s5+s2], $0x80, v3, vm0, $0xb8;
	[tilespmem:$0x8400] =	vst v63  }
0x72: {  	_ = 	snop  }
0x73: {  	[tilespmem:s19], [sflag:$0x1] =	stream.indirect_vreg.gather [hbm4b:s6+s2], $0x80, v3, vm0, $0xb8;
	[tilespmem:$0x8400] =	vst v63  }
0x74: {  	_ = 	snop  }
0x75: {  	[tilespmem:s20], [sflag:$0x1] =	stream.indirect_vreg.gather [hbm4b:s7+s2], $0x80, v3, vm0, $0xb8;
	[tilespmem:$0x8400] =	vst v63  }
0x76: {  	_ =	swait.ge [sflag:s0], $0x4000  }
0x77: {  	[sflag:s0] =	ssyncset.done $0x0  }
0x78: {  	[sflag:s0] =	ssyncadd.s32 $0xFFFFC000  }
0x79: {  	v3 =	vld [tilespmem:$0x280];
	_ =	sdelay $0x4  }
0x7a: {  	v62 =	vshll.u32 v3, $0x3  }
0x7b: {  	v3 =	vand.u32 $0x7, v3;
	v4 =	vand.u32 $0xFFFFFFC0, v62  }
0x7c: {  	v3 =	vor.u32 v3, v4  }
0x7d: {  	v4 =	vperm.xlane v3, v0;
	_ =	sdelay $0x1  }
0x7e: {  	v4 =	vadd.s32 v1, v4;
	_ =	sdelay $0x4  }
0x7f: {  	[hbm4b:s4+s2] =	stream.indirect_vreg.scatter [tilespmem:s21], [sflag:$0x4], $0x80, v4, vm0, $0xb8;
	[tilespmem:$0x8400] =	vst v63  }
0x80: {  	v3 =	vperm.xlane v3, v2  }
0x81: {  	[hbm4b:s8+s2] =	stream.indirect_vreg.scatter [tilespmem:s22], [sflag:$0x4], $0x80, v4, vm0, $0xb8;
	[tilespmem:$0x8400] =	vst v63  }
0x82: {  	v3 =	vadd.s32 v1, v3  }
0x83: {  	[hbm4b:s9+s2] =	stream.indirect_vreg.scatter [tilespmem:s23], [sflag:$0x4], $0x80, v4, vm0, $0xb8;
	[tilespmem:$0x8400] =	vst v63  }
0x84: {  	_ = 	snop  }
0x85: {  	[hbm4b:s10+s2] =	stream.indirect_vreg.scatter [tilespmem:s24], [sflag:$0x4], $0x80, v4, vm0, $0xb8;
	[tilespmem:$0x8400] =	vst v63  }
0x86: {  	_ = 	snop  }
0x87: {  	[hbm4b:s4+s2] =	stream.indirect_vreg.scatter [tilespmem:s25], [sflag:$0x4], $0x80, v3, vm0, $0xb8;
	[tilespmem:$0x8400] =	vst v63  }
0x88: {  	_ = 	snop  }
0x89: {  	[hbm4b:s8+s2] =	stream.indirect_vreg.scatter [tilespmem:s26], [sflag:$0x4], $0x80, v3, vm0, $0xb8;
	[tilespmem:$0x8400] =	vst v63  }
0x8a: {  	_ = 	snop  }
0x8b: {  	[hbm4b:s9+s2] =	stream.indirect_vreg.scatter [tilespmem:s28], [sflag:$0x4], $0x80, v3, vm0, $0xb8;
	[tilespmem:$0x8400] =	vst v63  }
0x8c: {  	_ = 	snop  }
0x8d: {  	[hbm4b:s10+s2] =	stream.indirect_vreg.scatter [tilespmem:s29], [sflag:$0x4], $0x80, v3, vm0, $0xb8;
	[tilespmem:$0x8400] =	vst v63  }
0x8e: {  	_ =	swait.ge [sflag:s1], $0x4000  }
0x8f: {  	[sflag:s1] =	ssyncset.done $0x0  }
0x90: {  	[sflag:s1] =	ssyncadd.s32 $0xFFFFC000  }
0x91: {  	_ =	swait.ge [sflag:s30], $0x4000  }
0x92: {  	[sflag:s30] =	ssyncset.done $0x0  }
0x93: {  	[sflag:s30] =	ssyncadd.s32 $0xFFFFC000  }
0x94: {  	v3 =	vld [tilespmem:$0x300];
	_ =	sdelay $0x4  }
0x95: {  	v63 =	vshll.u32 v3, $0x3  }
0x96: {  	v3 =	vand.u32 $0x7, v3;
	v4 =	vand.u32 $0xFFFFFFC0, v63  }
0x97: {  	v3 =	vor.u32 v3, v4  }
0x98: {  	v4 =	vperm.xlane v3, v0;
	_ =	sdelay $0x1  }
0x99: {  	v4 =	vadd.s32 v1, v4;
	_ =	sdelay $0x4  }
0x9a: {  	[hbm4b:s4+s2] =	stream.indirect_vreg.scatter [tilespmem:s13], [sflag:$0x3], $0x80, v4, vm0, $0xb8;
	[tilespmem:$0x8400] =	vst v63  }
0x9b: {  	v3 =	vperm.xlane v3, v2  }
0x9c: {  	[hbm4b:s8+s2] =	stream.indirect_vreg.scatter [tilespmem:s14], [sflag:$0x3], $0x80, v4, vm0, $0xb8;
	[tilespmem:$0x8400] =	vst v63  }
0x9d: {  	v3 =	vadd.s32 v1, v3  }
0x9e: {  	[hbm4b:s9+s2] =	stream.indirect_vreg.scatter [tilespmem:s15], [sflag:$0x3], $0x80, v4, vm0, $0xb8;
	[tilespmem:$0x8400] =	vst v63  }
0x9f: {  	_ = 	snop  }
0xa0: {  	[hbm4b:s10+s2] =	stream.indirect_vreg.scatter [tilespmem:s16], [sflag:$0x3], $0x80, v4, vm0, $0xb8;
	[tilespmem:$0x8400] =	vst v63  }
0xa1: {  	_ = 	snop  }
0xa2: {  	[hbm4b:s4+s2] =	stream.indirect_vreg.scatter [tilespmem:s17], [sflag:$0x3], $0x80, v3, vm0, $0xb8;
	[tilespmem:$0x8400] =	vst v63  }
0xa3: {  	_ = 	snop  }
0xa4: {  	[hbm4b:s8+s2] =	stream.indirect_vreg.scatter [tilespmem:s18], [sflag:$0x3], $0x80, v3, vm0, $0xb8;
	[tilespmem:$0x8400] =	vst v63  }
0xa5: {  	p0 =	sne.s32 s11, $0x1  }
0xa6: {  	[hbm4b:s9+s2] =	stream.indirect_vreg.scatter [tilespmem:s19], [sflag:$0x3], $0x80, v3, vm0, $0xb8;
	[tilespmem:$0x8400] =	vst v63  }
.Ltmp0:
0xa7: {  	_ = 	snop;
	(pc) =	sbr.rel @p0 .LBB2_1-.Ltmp0, $4  }
0xa8: {  	[hbm4b:s10+s2] =	stream.indirect_vreg.scatter [tilespmem:s20], [sflag:$0x3], $0x80, v3, vm0, $0xb8;
	[tilespmem:$0x8400] =	vst v63  }
0xa9: {  	_ =	swait.ge [sflag:s31], $0x4000  }
0xaa: {  	[sflag:s31] =	ssyncset.done $0x0  }
0xab: {  	s11 =	sadd.s32 $0xFFFFFFFF, s11;
	[sflag:s31] =	ssyncadd.s32 $0xFFFFC000  }
0xac: {  	_ =	sfence.sel $0x180000  }
0xad: {  	[bflag:$0x0] =	sbarrier.arrive $0xFFFF  }
0xae: {  	_ =	strace $0x9000004D  }
0xaf: {  	s0 =	stileid.u32;
	[bflag:$0x2] =	sbarrier.arrive $0xFFFF  }
0xb0: {  	p0 =	sne.s32 s0, $0x0;
	s0 =	rddreg [dreg:$0x2]  }
0xb1: {  	s0 =	sadd.s32 @!p0 $0x100000, s0  }
0xb2: {  	[sflag:s0] =	ssyncadd.tile.s32 @!p0 $0x1;
	_ =	shalt  }
.Lfunc_end2:
_tile_overlayer_lowered:
.L_overlay_start_2:
0xb3: {  	(tag) =	ssettag $0x2  }
0xb4: {  	s0 =	rddreg [dreg:$0x0];
	s2 =	stileid.u32  }
0xb5: {  	s1 =	rddreg [dreg:$0x1];
	p0 =	sne.s32 s2, $0x0  }
0xb6: {  	s3 =	rddreg [dreg:$0x2];
	[bflag:$0x3] =	sbarrier.arrive $0xFFFF;
	s2 =	simm.s32 @!p0 $0x1C05  }
0xb7: {  	[timem:s3], [sflag:s2] =	dma.local @!p0 [hbm:s0], s1  }
0xb8: {  	s0 =	simm.s32 @!p0 $0x5  }
0xb9: {  	_ =	swait.ge @!p0 [sflag:s0], s1  }
0xba: {  	s1 =	ssub.s32 @!p0 $0x0, s1;
	[sflag:s0] =	ssyncset.done @!p0 $0x0  }
0xbb: {  	[sflag:s0] =	ssyncadd.s32 @!p0 s1  }
0xbc: {  	[bflag:$0x3] =	sbarrier.arrive $0xFFFF  }
0xbd: {  	_ =	shalt  }

</sc_bundles>
